<compile_context>
chip_gen: v7x
topology: tpu7x:2x2x1
jax: 0.10.2.dev20260603
libtpu: 0.0.44.dev20260713+nightly
codegen_flags: <defaults>
</compile_context>

<pallas_src>
import functools

import jax
import jax.numpy as jnp
from jax import lax
from jax.experimental import pallas as pl
from jax.experimental.pallas import tpu as pltpu
from jax.experimental.pallas import tpu_sc as plsc

NC = 2
NS = 16
NW = NC * NS

NBUF = 10
CHUNK = 8


@functools.lru_cache(maxsize=None)
def _make_gather(V, D, R, S):
    assert R % NW == 0
    cpw = R // NW
    assert cpw % CHUNK == 0
    cpj = cpw // CHUNK
    n_steps = S * cpj
    assert n_steps >= 2 * NBUF
    n_rounds = n_steps // NBUF

    mesh = plsc.VectorSubcoreMesh(core_axis_name="c", subcore_axis_name="s")

    @functools.partial(
        pl.kernel,
        mesh=mesh,
        out_type=jax.ShapeDtypeStruct((S * R, D), jnp.float32),
        scratch_types=[
            pltpu.VMEM((S * cpw,), jnp.int32),
            pltpu.VMEM((NBUF, CHUNK, D), jnp.float32),
        ] + [pltpu.SemaphoreType.DMA] * (2 * NBUF),
    )
    def gather_kernel(idx_hbm, table_hbm, out_hbm, idx_v, rows_v, *sems):
        gsem = sems[:NBUF]
        ssem = sems[NBUF:]
        wid = lax.axis_index("s") * NC + lax.axis_index("c")
        base = wid * cpw
        pltpu.sync_copy(idx_hbm.at[wid], idx_v)

        def gather_copy(t, b):
            return pltpu.make_async_copy(
                table_hbm.at[idx_v.at[pl.ds(t * CHUNK, CHUNK)]],
                rows_v.at[b],
                gsem[b],
            )

        def store_copy(t, b):
            j = t // cpj
            part = t % cpj
            return pltpu.make_async_copy(
                rows_v.at[b],
                out_hbm.at[pl.ds(j * R + base + part * CHUNK, CHUNK)],
                ssem[b],
            )

        for b in range(NBUF):
            gather_copy(b, b).start()

        def round_body(g, carry):
            for b in range(NBUF):
                t = g * NBUF + b
                gather_copy(t, b).wait()
                store_copy(t, b).start()
            for b in range(NBUF):
                t = g * NBUF + b
                store_copy(t, b).wait()
                gather_copy(t + NBUF, b).start()
            return carry

        lax.fori_loop(0, n_rounds - 1, round_body, 0)

        for t in range((n_rounds - 1) * NBUF, n_steps):
            b = t % NBUF
            gather_copy(t, b).wait()
            store_copy(t, b).start()
            if t + NBUF < n_steps:
                store_copy(t, b).wait()
                gather_copy(t + NBUF, b).start()
        for t in range(n_steps - NBUF, n_steps):
            store_copy(t, t % NBUF).wait()

    return gather_kernel


@jax.jit
def _embed(x, table):
    V, D = table.shape
    R, S = x.shape
    cpw = R // NW
    idx_blocks = (
        x.astype(jnp.int32).T.reshape(S, NW, cpw).swapaxes(0, 1).reshape(NW, -1)
    )
    out = _make_gather(V, D, R, S)(idx_blocks, table)
    return out.reshape(S, R, D).transpose(1, 0, 2)


def kernel(x, table):
    return _embed(x, table)

# --- scband reference (transcript-rebuilt; emitter-appended) ---
"""Pipeline reference for scband-input-embeddings-34110630265550 (READ-ONLY COPY).

The authoritative reference and input builder live on the scoring server;
editing this copy changes nothing except your own understanding.
"""

import jax, jax.numpy as jnp
import numpy as np

VOCAB = 50000
DIM = 1024

def setup_inputs(seed: int = 0) -> dict:
    key = jax.random.key(seed)
    k1, k2 = jax.random.split(key)
    x = jax.random.randint(k1, (1024, 50), 0, VOCAB, dtype=jnp.int64 if jax.config.jax_enable_x64 else jnp.int32)
    table = jax.random.normal(k2, (VOCAB, DIM), dtype=jnp.float32) * 0.02
    return {"x": x, "table": table}

def reference(x, table):
    # nn.Embedding forward: row gather from the embedding table
    return jnp.take(table, x, axis=0)

if __name__ == "__main__":
    import jax
    _d = setup_inputs()
    print(jax.jit(kernel)(*tuple(_d.values())))

</pallas_src>

<mosaic_0001>
#map = affine_map<(d0, d1) -> (0, 0)>
module attributes {stable_mosaic.version = 14 : i64} {
  func.func @gather_kernel(%arg0: i32, %arg1: i32, %arg2: memref<32x1600xi32, #tpu.memory_space<hbm>>, %arg3: memref<50000x1024xf32, #tpu.memory_space<hbm>>, %arg4: memref<51200x1024xf32, #tpu.memory_space<hbm>>, %arg5: memref<1600xi32, #tpu.memory_space<vmem>>, %arg6: memref<10x8x1024xf32, #tpu.memory_space<vmem>>, %arg7: memref<!tpu.dma_semaphore, #tpu.memory_space<semaphore_mem>>, %arg8: memref<!tpu.dma_semaphore, #tpu.memory_space<semaphore_mem>>, %arg9: memref<!tpu.dma_semaphore, #tpu.memory_space<semaphore_mem>>, %arg10: memref<!tpu.dma_semaphore, #tpu.memory_space<semaphore_mem>>, %arg11: memref<!tpu.dma_semaphore, #tpu.memory_space<semaphore_mem>>, %arg12: memref<!tpu.dma_semaphore, #tpu.memory_space<semaphore_mem>>, %arg13: memref<!tpu.dma_semaphore, #tpu.memory_space<semaphore_mem>>, %arg14: memref<!tpu.dma_semaphore, #tpu.memory_space<semaphore_mem>>, %arg15: memref<!tpu.dma_semaphore, #tpu.memory_space<semaphore_mem>>, %arg16: memref<!tpu.dma_semaphore, #tpu.memory_space<semaphore_mem>>, %arg17: memref<!tpu.dma_semaphore, #tpu.memory_space<semaphore_mem>>, %arg18: memref<!tpu.dma_semaphore, #tpu.memory_space<semaphore_mem>>, %arg19: memref<!tpu.dma_semaphore, #tpu.memory_space<semaphore_mem>>, %arg20: memref<!tpu.dma_semaphore, #tpu.memory_space<semaphore_mem>>, %arg21: memref<!tpu.dma_semaphore, #tpu.memory_space<semaphore_mem>>, %arg22: memref<!tpu.dma_semaphore, #tpu.memory_space<semaphore_mem>>, %arg23: memref<!tpu.dma_semaphore, #tpu.memory_space<semaphore_mem>>, %arg24: memref<!tpu.dma_semaphore, #tpu.memory_space<semaphore_mem>>, %arg25: memref<!tpu.dma_semaphore, #tpu.memory_space<semaphore_mem>>, %arg26: memref<!tpu.dma_semaphore, #tpu.memory_space<semaphore_mem>>) attributes {dimension_semantics = [#tpu.dimension_semantics<core_parallel>, #tpu.dimension_semantics<subcore_parallel>], iteration_bounds = array<i64: 2, 16>, scalar_prefetch = 0 : i64, scratch_operands = 22 : i64, tpu.core_type = #tpu.core_type<sc_vector_subcore>, window_params = [{transform_indices = #map}, {transform_indices = #map}, {transform_indices = #map}]} {
    %mul3A = arith.constant 2 : i32
    %mul3A_0 = arith.muli %arg1, %mul3A : i32
    %add3A = arith.addi %mul3A_0, %arg0 : i32
    %mul3A_1 = arith.constant 32 : i32
    %mul3A_2 = arith.muli %add3A, %mul3A_1 : i32
    "tpu.region"() ({
      %run_scoped3A = tpu.sem_alloc : memref<!tpu.dma_semaphore, #tpu.memory_space<semaphore_mem>>
      %dma_start3A_546 = arith.constant 0 : i32
      %dma_start3A_547 = tpu.memref_slice %arg2[%add3A, %dma_start3A_546] : memref<32x1600xi32, #tpu.memory_space<hbm>> -> memref<1x1600xi32, #tpu.memory_space<hbm>>
      %dma_start3A_548 = tpu.memref_squeeze %dma_start3A_547 : memref<1x1600xi32, #tpu.memory_space<hbm>> -> memref<1600xi32, #tpu.memory_space<hbm>>
      %dma_start3A_549 = arith.constant 0 : i32
      %dma_start3A_550 = tpu.memref_slice %arg2[%add3A, %dma_start3A_549] : memref<32x1600xi32, #tpu.memory_space<hbm>> -> memref<1x1600xi32, #tpu.memory_space<hbm>>
      %dma_start3A_551 = tpu.memref_squeeze %dma_start3A_550 : memref<1x1600xi32, #tpu.memory_space<hbm>> -> memref<1600xi32, #tpu.memory_space<hbm>>
      tpu.enqueue_dma source(%dma_start3A_551 : memref<1600xi32, #tpu.memory_space<hbm>>) target(%arg5 : memref<1600xi32, #tpu.memory_space<vmem>>) target_semaphore(%run_scoped3A : memref<!tpu.dma_semaphore, #tpu.memory_space<semaphore_mem>>)
      %dma_wait3A_552 = arith.constant 0 : i32
      %dma_wait3A_553 = tpu.memref_slice %arg2[%add3A, %dma_wait3A_552] : memref<32x1600xi32, #tpu.memory_space<hbm>> -> memref<1x1600xi32, #tpu.memory_space<hbm>>
      %dma_wait3A_554 = tpu.memref_squeeze %dma_wait3A_553 : memref<1x1600xi32, #tpu.memory_space<hbm>> -> memref<1600xi32, #tpu.memory_space<hbm>>
      %dma_wait3A_555 = arith.constant 0 : i32
      %dma_wait3A_556 = tpu.memref_slice %arg2[%add3A, %dma_wait3A_555] : memref<32x1600xi32, #tpu.memory_space<hbm>> -> memref<1x1600xi32, #tpu.memory_space<hbm>>
      %dma_wait3A_557 = tpu.memref_squeeze %dma_wait3A_556 : memref<1x1600xi32, #tpu.memory_space<hbm>> -> memref<1600xi32, #tpu.memory_space<hbm>>
      tpu.wait_dma2 semaphore(%run_scoped3A : memref<!tpu.dma_semaphore, #tpu.memory_space<semaphore_mem>>) src(%dma_wait3A_557 : memref<1600xi32, #tpu.memory_space<hbm>>) dst(%arg5 : memref<1600xi32, #tpu.memory_space<vmem>>)
      tpu.yield
    }) : () -> ()
    %dma_start3A = arith.constant 0 : i32
    %dma_start3A_3 = arith.constant 0 : i32
    %dma_start3A_4 = arith.constant 0 : i32
    %dma_start3A_5 = tpu.memref_slice %arg6[%dma_start3A, %dma_start3A_3, %dma_start3A_4] : memref<10x8x1024xf32, #tpu.memory_space<vmem>> -> memref<1x8x1024xf32, #tpu.memory_space<vmem>>
    %dma_start3A_6 = tpu.memref_squeeze %dma_start3A_5 : memref<1x8x1024xf32, #tpu.memory_space<vmem>> -> memref<8x1024xf32, #tpu.memory_space<vmem>>
    %dma_start3A_7 = arith.constant 0 : i32
    %dma_start3A_8 = tpu.memref_slice %arg5[%dma_start3A_7] : memref<1600xi32, #tpu.memory_space<vmem>> -> memref<8xi32, #tpu.memory_space<vmem>>
    %dma_start3A_9 = arith.constant 0 : i32
    %dma_start3A_10 = arith.constant 0 : i32
    %dma_start3A_11 = tpu.memref_slice %arg3[%dma_start3A_9, %dma_start3A_10] : memref<50000x1024xf32, #tpu.memory_space<hbm>> -> memref<50000x1024xf32, #tpu.memory_space<hbm>>
    tpu.enqueue_indirect_dma source(%dma_start3A_11 : memref<50000x1024xf32, #tpu.memory_space<hbm>>) target(%dma_start3A_6 : memref<8x1024xf32, #tpu.memory_space<vmem>>) offsets(%dma_start3A_8 : memref<8xi32, #tpu.memory_space<vmem>>) semaphore(%arg7 : memref<!tpu.dma_semaphore, #tpu.memory_space<semaphore_mem>>)
    %dma_start3A_12 = arith.constant 1 : i32
    %dma_start3A_13 = arith.constant 0 : i32
    %dma_start3A_14 = arith.constant 0 : i32
    %dma_start3A_15 = tpu.memref_slice %arg6[%dma_start3A_12, %dma_start3A_13, %dma_start3A_14] : memref<10x8x1024xf32, #tpu.memory_space<vmem>> -> memref<1x8x1024xf32, #tpu.memory_space<vmem>>
    %dma_start3A_16 = tpu.memref_squeeze %dma_start3A_15 : memref<1x8x1024xf32, #tpu.memory_space<vmem>> -> memref<8x1024xf32, #tpu.memory_space<vmem>>
    %dma_start3A_17 = arith.constant 8 : i32
    %dma_start3A_18 = tpu.memref_slice %arg5[%dma_start3A_17] : memref<1600xi32, #tpu.memory_space<vmem>> -> memref<8xi32, #tpu.memory_space<vmem>>
    %dma_start3A_19 = arith.constant 0 : i32
    %dma_start3A_20 = arith.constant 0 : i32
    %dma_start3A_21 = tpu.memref_slice %arg3[%dma_start3A_19, %dma_start3A_20] : memref<50000x1024xf32, #tpu.memory_space<hbm>> -> memref<50000x1024xf32, #tpu.memory_space<hbm>>
    tpu.enqueue_indirect_dma source(%dma_start3A_21 : memref<50000x1024xf32, #tpu.memory_space<hbm>>) target(%dma_start3A_16 : memref<8x1024xf32, #tpu.memory_space<vmem>>) offsets(%dma_start3A_18 : memref<8xi32, #tpu.memory_space<vmem>>) semaphore(%arg8 : memref<!tpu.dma_semaphore, #tpu.memory_space<semaphore_mem>>)
    %dma_start3A_22 = arith.constant 2 : i32
    %dma_start3A_23 = arith.constant 0 : i32
    %dma_start3A_24 = arith.constant 0 : i32
    %dma_start3A_25 = tpu.memref_slice %arg6[%dma_start3A_22, %dma_start3A_23, %dma_start3A_24] : memref<10x8x1024xf32, #tpu.memory_space<vmem>> -> memref<1x8x1024xf32, #tpu.memory_space<vmem>>
    %dma_start3A_26 = tpu.memref_squeeze %dma_start3A_25 : memref<1x8x1024xf32, #tpu.memory_space<vmem>> -> memref<8x1024xf32, #tpu.memory_space<vmem>>
    %dma_start3A_27 = arith.constant 16 : i32
    %dma_start3A_28 = tpu.memref_slice %arg5[%dma_start3A_27] : memref<1600xi32, #tpu.memory_space<vmem>> -> memref<8xi32, #tpu.memory_space<vmem>>
    %dma_start3A_29 = arith.constant 0 : i32
    %dma_start3A_30 = arith.constant 0 : i32
    %dma_start3A_31 = tpu.memref_slice %arg3[%dma_start3A_29, %dma_start3A_30] : memref<50000x1024xf32, #tpu.memory_space<hbm>> -> memref<50000x1024xf32, #tpu.memory_space<hbm>>
    tpu.enqueue_indirect_dma source(%dma_start3A_31 : memref<50000x1024xf32, #tpu.memory_space<hbm>>) target(%dma_start3A_26 : memref<8x1024xf32, #tpu.memory_space<vmem>>) offsets(%dma_start3A_28 : memref<8xi32, #tpu.memory_space<vmem>>) semaphore(%arg9 : memref<!tpu.dma_semaphore, #tpu.memory_space<semaphore_mem>>)
    %dma_start3A_32 = arith.constant 3 : i32
    %dma_start3A_33 = arith.constant 0 : i32
    %dma_start3A_34 = arith.constant 0 : i32
    %dma_start3A_35 = tpu.memref_slice %arg6[%dma_start3A_32, %dma_start3A_33, %dma_start3A_34] : memref<10x8x1024xf32, #tpu.memory_space<vmem>> -> memref<1x8x1024xf32, #tpu.memory_space<vmem>>
    %dma_start3A_36 = tpu.memref_squeeze %dma_start3A_35 : memref<1x8x1024xf32, #tpu.memory_space<vmem>> -> memref<8x1024xf32, #tpu.memory_space<vmem>>
    %dma_start3A_37 = arith.constant 24 : i32
    %dma_start3A_38 = tpu.memref_slice %arg5[%dma_start3A_37] : memref<1600xi32, #tpu.memory_space<vmem>> -> memref<8xi32, #tpu.memory_space<vmem>>
    %dma_start3A_39 = arith.constant 0 : i32
    %dma_start3A_40 = arith.constant 0 : i32
    %dma_start3A_41 = tpu.memref_slice %arg3[%dma_start3A_39, %dma_start3A_40] : memref<50000x1024xf32, #tpu.memory_space<hbm>> -> memref<50000x1024xf32, #tpu.memory_space<hbm>>
    tpu.enqueue_indirect_dma source(%dma_start3A_41 : memref<50000x1024xf32, #tpu.memory_space<hbm>>) target(%dma_start3A_36 : memref<8x1024xf32, #tpu.memory_space<vmem>>) offsets(%dma_start3A_38 : memref<8xi32, #tpu.memory_space<vmem>>) semaphore(%arg10 : memref<!tpu.dma_semaphore, #tpu.memory_space<semaphore_mem>>)
    %dma_start3A_42 = arith.constant 4 : i32
    %dma_start3A_43 = arith.constant 0 : i32
    %dma_start3A_44 = arith.constant 0 : i32
    %dma_start3A_45 = tpu.memref_slice %arg6[%dma_start3A_42, %dma_start3A_43, %dma_start3A_44] : memref<10x8x1024xf32, #tpu.memory_space<vmem>> -> memref<1x8x1024xf32, #tpu.memory_space<vmem>>
    %dma_start3A_46 = tpu.memref_squeeze %dma_start3A_45 : memref<1x8x1024xf32, #tpu.memory_space<vmem>> -> memref<8x1024xf32, #tpu.memory_space<vmem>>
    %dma_start3A_47 = arith.constant 32 : i32
    %dma_start3A_48 = tpu.memref_slice %arg5[%dma_start3A_47] : memref<1600xi32, #tpu.memory_space<vmem>> -> memref<8xi32, #tpu.memory_space<vmem>>
    %dma_start3A_49 = arith.constant 0 : i32
    %dma_start3A_50 = arith.constant 0 : i32
    %dma_start3A_51 = tpu.memref_slice %arg3[%dma_start3A_49, %dma_start3A_50] : memref<50000x1024xf32, #tpu.memory_space<hbm>> -> memref<50000x1024xf32, #tpu.memory_space<hbm>>
    tpu.enqueue_indirect_dma source(%dma_start3A_51 : memref<50000x1024xf32, #tpu.memory_space<hbm>>) target(%dma_start3A_46 : memref<8x1024xf32, #tpu.memory_space<vmem>>) offsets(%dma_start3A_48 : memref<8xi32, #tpu.memory_space<vmem>>) semaphore(%arg11 : memref<!tpu.dma_semaphore, #tpu.memory_space<semaphore_mem>>)
    %dma_start3A_52 = arith.constant 5 : i32
    %dma_start3A_53 = arith.constant 0 : i32
    %dma_start3A_54 = arith.constant 0 : i32
    %dma_start3A_55 = tpu.memref_slice %arg6[%dma_start3A_52, %dma_start3A_53, %dma_start3A_54] : memref<10x8x1024xf32, #tpu.memory_space<vmem>> -> memref<1x8x1024xf32, #tpu.memory_space<vmem>>
    %dma_start3A_56 = tpu.memref_squeeze %dma_start3A_55 : memref<1x8x1024xf32, #tpu.memory_space<vmem>> -> memref<8x1024xf32, #tpu.memory_space<vmem>>
    %dma_start3A_57 = arith.constant 40 : i32
    %dma_start3A_58 = tpu.memref_slice %arg5[%dma_start3A_57] : memref<1600xi32, #tpu.memory_space<vmem>> -> memref<8xi32, #tpu.memory_space<vmem>>
    %dma_start3A_59 = arith.constant 0 : i32
    %dma_start3A_60 = arith.constant 0 : i32
    %dma_start3A_61 = tpu.memref_slice %arg3[%dma_start3A_59, %dma_start3A_60] : memref<50000x1024xf32, #tpu.memory_space<hbm>> -> memref<50000x1024xf32, #tpu.memory_space<hbm>>
    tpu.enqueue_indirect_dma source(%dma_start3A_61 : memref<50000x1024xf32, #tpu.memory_space<hbm>>) target(%dma_start3A_56 : memref<8x1024xf32, #tpu.memory_space<vmem>>) offsets(%dma_start3A_58 : memref<8xi32, #tpu.memory_space<vmem>>) semaphore(%arg12 : memref<!tpu.dma_semaphore, #tpu.memory_space<semaphore_mem>>)
    %dma_start3A_62 = arith.constant 6 : i32
    %dma_start3A_63 = arith.constant 0 : i32
    %dma_start3A_64 = arith.constant 0 : i32
    %dma_start3A_65 = tpu.memref_slice %arg6[%dma_start3A_62, %dma_start3A_63, %dma_start3A_64] : memref<10x8x1024xf32, #tpu.memory_space<vmem>> -> memref<1x8x1024xf32, #tpu.memory_space<vmem>>
    %dma_start3A_66 = tpu.memref_squeeze %dma_start3A_65 : memref<1x8x1024xf32, #tpu.memory_space<vmem>> -> memref<8x1024xf32, #tpu.memory_space<vmem>>
    %dma_start3A_67 = arith.constant 48 : i32
    %dma_start3A_68 = tpu.memref_slice %arg5[%dma_start3A_67] : memref<1600xi32, #tpu.memory_space<vmem>> -> memref<8xi32, #tpu.memory_space<vmem>>
    %dma_start3A_69 = arith.constant 0 : i32
    %dma_start3A_70 = arith.constant 0 : i32
    %dma_start3A_71 = tpu.memref_slice %arg3[%dma_start3A_69, %dma_start3A_70] : memref<50000x1024xf32, #tpu.memory_space<hbm>> -> memref<50000x1024xf32, #tpu.memory_space<hbm>>
    tpu.enqueue_indirect_dma source(%dma_start3A_71 : memref<50000x1024xf32, #tpu.memory_space<hbm>>) target(%dma_start3A_66 : memref<8x1024xf32, #tpu.memory_space<vmem>>) offsets(%dma_start3A_68 : memref<8xi32, #tpu.memory_space<vmem>>) semaphore(%arg13 : memref<!tpu.dma_semaphore, #tpu.memory_space<semaphore_mem>>)
    %dma_start3A_72 = arith.constant 7 : i32
    %dma_start3A_73 = arith.constant 0 : i32
    %dma_start3A_74 = arith.constant 0 : i32
    %dma_start3A_75 = tpu.memref_slice %arg6[%dma_start3A_72, %dma_start3A_73, %dma_start3A_74] : memref<10x8x1024xf32, #tpu.memory_space<vmem>> -> memref<1x8x1024xf32, #tpu.memory_space<vmem>>
    %dma_start3A_76 = tpu.memref_squeeze %dma_start3A_75 : memref<1x8x1024xf32, #tpu.memory_space<vmem>> -> memref<8x1024xf32, #tpu.memory_space<vmem>>
    %dma_start3A_77 = arith.constant 56 : i32
    %dma_start3A_78 = tpu.memref_slice %arg5[%dma_start3A_77] : memref<1600xi32, #tpu.memory_space<vmem>> -> memref<8xi32, #tpu.memory_space<vmem>>
    %dma_start3A_79 = arith.constant 0 : i32
    %dma_start3A_80 = arith.constant 0 : i32
    %dma_start3A_81 = tpu.memref_slice %arg3[%dma_start3A_79, %dma_start3A_80] : memref<50000x1024xf32, #tpu.memory_space<hbm>> -> memref<50000x1024xf32, #tpu.memory_space<hbm>>
    tpu.enqueue_indirect_dma source(%dma_start3A_81 : memref<50000x1024xf32, #tpu.memory_space<hbm>>) target(%dma_start3A_76 : memref<8x1024xf32, #tpu.memory_space<vmem>>) offsets(%dma_start3A_78 : memref<8xi32, #tpu.memory_space<vmem>>) semaphore(%arg14 : memref<!tpu.dma_semaphore, #tpu.memory_space<semaphore_mem>>)
    %dma_start3A_82 = arith.constant 8 : i32
    %dma_start3A_83 = arith.constant 0 : i32
    %dma_start3A_84 = arith.constant 0 : i32
    %dma_start3A_85 = tpu.memref_slice %arg6[%dma_start3A_82, %dma_start3A_83, %dma_start3A_84] : memref<10x8x1024xf32, #tpu.memory_space<vmem>> -> memref<1x8x1024xf32, #tpu.memory_space<vmem>>
    %dma_start3A_86 = tpu.memref_squeeze %dma_start3A_85 : memref<1x8x1024xf32, #tpu.memory_space<vmem>> -> memref<8x1024xf32, #tpu.memory_space<vmem>>
    %dma_start3A_87 = arith.constant 64 : i32
    %dma_start3A_88 = tpu.memref_slice %arg5[%dma_start3A_87] : memref<1600xi32, #tpu.memory_space<vmem>> -> memref<8xi32, #tpu.memory_space<vmem>>
    %dma_start3A_89 = arith.constant 0 : i32
    %dma_start3A_90 = arith.constant 0 : i32
    %dma_start3A_91 = tpu.memref_slice %arg3[%dma_start3A_89, %dma_start3A_90] : memref<50000x1024xf32, #tpu.memory_space<hbm>> -> memref<50000x1024xf32, #tpu.memory_space<hbm>>
    tpu.enqueue_indirect_dma source(%dma_start3A_91 : memref<50000x1024xf32, #tpu.memory_space<hbm>>) target(%dma_start3A_86 : memref<8x1024xf32, #tpu.memory_space<vmem>>) offsets(%dma_start3A_88 : memref<8xi32, #tpu.memory_space<vmem>>) semaphore(%arg15 : memref<!tpu.dma_semaphore, #tpu.memory_space<semaphore_mem>>)
    %dma_start3A_92 = arith.constant 9 : i32
    %dma_start3A_93 = arith.constant 0 : i32
    %dma_start3A_94 = arith.constant 0 : i32
    %dma_start3A_95 = tpu.memref_slice %arg6[%dma_start3A_92, %dma_start3A_93, %dma_start3A_94] : memref<10x8x1024xf32, #tpu.memory_space<vmem>> -> memref<1x8x1024xf32, #tpu.memory_space<vmem>>
    %dma_start3A_96 = tpu.memref_squeeze %dma_start3A_95 : memref<1x8x1024xf32, #tpu.memory_space<vmem>> -> memref<8x1024xf32, #tpu.memory_space<vmem>>
    %dma_start3A_97 = arith.constant 72 : i32
    %dma_start3A_98 = tpu.memref_slice %arg5[%dma_start3A_97] : memref<1600xi32, #tpu.memory_space<vmem>> -> memref<8xi32, #tpu.memory_space<vmem>>
    %dma_start3A_99 = arith.constant 0 : i32
    %dma_start3A_100 = arith.constant 0 : i32
    %dma_start3A_101 = tpu.memref_slice %arg3[%dma_start3A_99, %dma_start3A_100] : memref<50000x1024xf32, #tpu.memory_space<hbm>> -> memref<50000x1024xf32, #tpu.memory_space<hbm>>
    tpu.enqueue_indirect_dma source(%dma_start3A_101 : memref<50000x1024xf32, #tpu.memory_space<hbm>>) target(%dma_start3A_96 : memref<8x1024xf32, #tpu.memory_space<vmem>>) offsets(%dma_start3A_98 : memref<8xi32, #tpu.memory_space<vmem>>) semaphore(%arg16 : memref<!tpu.dma_semaphore, #tpu.memory_space<semaphore_mem>>)
    %scan3A = arith.constant 0 : i32
    %scan3A_102 = arith.constant 0 : i32
    %scan3A_103 = arith.constant 19 : i32
    %scan3A_104 = arith.addi %scan3A_102, %scan3A_103 : i32
    %scan3A_105 = arith.constant 1 : i32
    scf.for %scan3A_546 = %scan3A_102 to %scan3A_104 step %scan3A_105  : i32 {
      %mul3A_547 = arith.constant 10 : i32
      %mul3A_548 = arith.muli %scan3A_546, %mul3A_547 : i32
      %add3A_549 = arith.constant 0 : i32
      %add3A_550 = arith.addi %mul3A_548, %add3A_549 : i32
      %mul3A_551 = arith.constant 8 : i32
      %mul3A_552 = arith.muli %add3A_550, %mul3A_551 : i32
      %dma_wait3A_553 = arith.constant 0 : i32
      %dma_wait3A_554 = arith.constant 0 : i32
      %dma_wait3A_555 = arith.constant 0 : i32
      %dma_wait3A_556 = tpu.memref_slice %arg6[%dma_wait3A_553, %dma_wait3A_554, %dma_wait3A_555] : memref<10x8x1024xf32, #tpu.memory_space<vmem>> -> memref<1x8x1024xf32, #tpu.memory_space<vmem>>
      %dma_wait3A_557 = tpu.memref_squeeze %dma_wait3A_556 : memref<1x8x1024xf32, #tpu.memory_space<vmem>> -> memref<8x1024xf32, #tpu.memory_space<vmem>>
      %dma_wait3A_558 = tpu.memref_slice %arg5[%mul3A_552] : memref<1600xi32, #tpu.memory_space<vmem>> -> memref<8xi32, #tpu.memory_space<vmem>>
      %dma_wait3A_559 = arith.constant 0 : i32
      %dma_wait3A_560 = arith.constant 0 : i32
      %dma_wait3A_561 = tpu.memref_slice %arg3[%dma_wait3A_559, %dma_wait3A_560] : memref<50000x1024xf32, #tpu.memory_space<hbm>> -> memref<50000x1024xf32, #tpu.memory_space<hbm>>
      tpu.wait_indirect_dma semaphore(%arg7 : memref<!tpu.dma_semaphore, #tpu.memory_space<semaphore_mem>>) src(%dma_wait3A_561 : memref<50000x1024xf32, #tpu.memory_space<hbm>>) dst(%dma_wait3A_557 : memref<8x1024xf32, #tpu.memory_space<vmem>>)
      %jit3A = arith.constant 4 : i32
      %div3A = arith.divsi %add3A_550, %jit3A : i32
      %sign3A = arith.constant 0 : i32
      %sign3A_562 = arith.cmpi sgt, %add3A_550, %sign3A : i32
      %sign3A_563 = arith.extui %sign3A_562 : i1 to i32
      %sign3A_564 = arith.constant 0 : i32
      %sign3A_565 = arith.cmpi slt, %add3A_550, %sign3A_564 : i32
      %sign3A_566 = arith.extui %sign3A_565 : i1 to i32
      %sign3A_567 = arith.subi %sign3A_563, %sign3A_566 : i32
      %sign3A_568 = arith.constant 0 : i32
      %sign3A_569 = arith.cmpi sgt, %jit3A, %sign3A_568 : i32
      %sign3A_570 = arith.extui %sign3A_569 : i1 to i32
      %sign3A_571 = arith.constant 0 : i32
      %sign3A_572 = arith.cmpi slt, %jit3A, %sign3A_571 : i32
      %sign3A_573 = arith.extui %sign3A_572 : i1 to i32
      %sign3A_574 = arith.subi %sign3A_570, %sign3A_573 : i32
      %ne3A = arith.cmpi ne, %sign3A_567, %sign3A_574 : i32
      %rem3A = arith.remsi %add3A_550, %jit3A : i32
      %ne3A_575 = arith.constant 0 : i32
      %ne3A_576 = arith.cmpi ne, %rem3A, %ne3A_575 : i32
      %and3A = arith.andi %ne3A, %ne3A_576 : i1
      %sub3A = arith.constant 1 : i32
      %sub3A_577 = arith.subi %div3A, %sub3A : i32
      %select_n3A = arith.select %and3A, %sub3A_577, %div3A : i32
      %jit3A_578 = arith.constant 4 : i32
      %eq3A = arith.constant 0 : i32
      %eq3A_579 = arith.cmpi eq, %jit3A_578, %eq3A : i32
      %jit3A_580 = arith.constant 1 : i32
      %select_n3A_581 = arith.select %eq3A_579, %jit3A_580, %jit3A_578 : i32
      %rem3A_582 = arith.remsi %add3A_550, %select_n3A_581 : i32
      %ne3A_583 = arith.constant 0 : i32
      %ne3A_584 = arith.cmpi ne, %rem3A_582, %ne3A_583 : i32
      %lt3A = arith.constant 0 : i32
      %lt3A_585 = arith.cmpi slt, %rem3A_582, %lt3A : i32
      %lt3A_586 = arith.constant 0 : i32
      %lt3A_587 = arith.cmpi slt, %select_n3A_581, %lt3A_586 : i32
      %ne3A_588 = arith.xori %lt3A_585, %lt3A_587 : i1
      %and3A_589 = arith.andi %ne3A_588, %ne3A_584 : i1
      %add3A_590 = arith.addi %rem3A_582, %select_n3A_581 : i32
      %select_n3A_591 = arith.select %and3A_589, %add3A_590, %rem3A_582 : i32
      %mul3A_592 = arith.constant 1024 : i32
      %mul3A_593 = arith.muli %select_n3A, %mul3A_592 : i32
      %add3A_594 = arith.addi %mul3A_593, %mul3A_2 : i32
      %mul3A_595 = arith.constant 8 : i32
      %mul3A_596 = arith.muli %select_n3A_591, %mul3A_595 : i32
      %add3A_597 = arith.addi %add3A_594, %mul3A_596 : i32
      %dma_start3A_598 = arith.constant 0 : i32
      %dma_start3A_599 = arith.constant 0 : i32
      %dma_start3A_600 = arith.constant 0 : i32
      %dma_start3A_601 = tpu.memref_slice %arg6[%dma_start3A_598, %dma_start3A_599, %dma_start3A_600] : memref<10x8x1024xf32, #tpu.memory_space<vmem>> -> memref<1x8x1024xf32, #tpu.memory_space<vmem>>
      %dma_start3A_602 = tpu.memref_squeeze %dma_start3A_601 : memref<1x8x1024xf32, #tpu.memory_space<vmem>> -> memref<8x1024xf32, #tpu.memory_space<vmem>>
      %dma_start3A_603 = arith.constant 0 : i32
      %dma_start3A_604 = tpu.memref_slice %arg4[%add3A_597, %dma_start3A_603] : memref<51200x1024xf32, #tpu.memory_space<hbm>> -> memref<8x1024xf32, #tpu.memory_space<hbm>>
      %dma_start3A_605 = arith.constant 0 : i32
      %dma_start3A_606 = tpu.memref_slice %arg4[%add3A_597, %dma_start3A_605] : memref<51200x1024xf32, #tpu.memory_space<hbm>> -> memref<8x1024xf32, #tpu.memory_space<hbm>>
      %dma_start3A_607 = arith.constant 0 : i32
      %dma_start3A_608 = arith.constant 0 : i32
      %dma_start3A_609 = tpu.memref_slice %arg6[%dma_start3A_598, %dma_start3A_607, %dma_start3A_608] : memref<10x8x1024xf32, #tpu.memory_space<vmem>> -> memref<1x8x1024xf32, #tpu.memory_space<vmem>>
      %dma_start3A_610 = tpu.memref_squeeze %dma_start3A_609 : memref<1x8x1024xf32, #tpu.memory_space<vmem>> -> memref<8x1024xf32, #tpu.memory_space<vmem>>
      tpu.enqueue_dma source(%dma_start3A_610 : memref<8x1024xf32, #tpu.memory_space<vmem>>) target(%dma_start3A_606 : memref<8x1024xf32, #tpu.memory_space<hbm>>) target_semaphore(%arg17 : memref<!tpu.dma_semaphore, #tpu.memory_space<semaphore_mem>>)
      %mul3A_611 = arith.constant 10 : i32
      %mul3A_612 = arith.muli %scan3A_546, %mul3A_611 : i32
      %add3A_613 = arith.constant 1 : i32
      %add3A_614 = arith.addi %mul3A_612, %add3A_613 : i32
      %mul3A_615 = arith.constant 8 : i32
      %mul3A_616 = arith.muli %add3A_614, %mul3A_615 : i32
      %dma_wait3A_617 = arith.constant 1 : i32
      %dma_wait3A_618 = arith.constant 0 : i32
      %dma_wait3A_619 = arith.constant 0 : i32
      %dma_wait3A_620 = tpu.memref_slice %arg6[%dma_wait3A_617, %dma_wait3A_618, %dma_wait3A_619] : memref<10x8x1024xf32, #tpu.memory_space<vmem>> -> memref<1x8x1024xf32, #tpu.memory_space<vmem>>
      %dma_wait3A_621 = tpu.memref_squeeze %dma_wait3A_620 : memref<1x8x1024xf32, #tpu.memory_space<vmem>> -> memref<8x1024xf32, #tpu.memory_space<vmem>>
      %dma_wait3A_622 = tpu.memref_slice %arg5[%mul3A_616] : memref<1600xi32, #tpu.memory_space<vmem>> -> memref<8xi32, #tpu.memory_space<vmem>>
      %dma_wait3A_623 = arith.constant 0 : i32
      %dma_wait3A_624 = arith.constant 0 : i32
      %dma_wait3A_625 = tpu.memref_slice %arg3[%dma_wait3A_623, %dma_wait3A_624] : memref<50000x1024xf32, #tpu.memory_space<hbm>> -> memref<50000x1024xf32, #tpu.memory_space<hbm>>
      tpu.wait_indirect_dma semaphore(%arg8 : memref<!tpu.dma_semaphore, #tpu.memory_space<semaphore_mem>>) src(%dma_wait3A_625 : memref<50000x1024xf32, #tpu.memory_space<hbm>>) dst(%dma_wait3A_621 : memref<8x1024xf32, #tpu.memory_space<vmem>>)
      %jit3A_626 = arith.constant 4 : i32
      %div3A_627 = arith.divsi %add3A_614, %jit3A_626 : i32
      %sign3A_628 = arith.constant 0 : i32
      %sign3A_629 = arith.cmpi sgt, %add3A_614, %sign3A_628 : i32
      %sign3A_630 = arith.extui %sign3A_629 : i1 to i32
      %sign3A_631 = arith.constant 0 : i32
      %sign3A_632 = arith.cmpi slt, %add3A_614, %sign3A_631 : i32
      %sign3A_633 = arith.extui %sign3A_632 : i1 to i32
      %sign3A_634 = arith.subi %sign3A_630, %sign3A_633 : i32
      %sign3A_635 = arith.constant 0 : i32
      %sign3A_636 = arith.cmpi sgt, %jit3A_626, %sign3A_635 : i32
      %sign3A_637 = arith.extui %sign3A_636 : i1 to i32
      %sign3A_638 = arith.constant 0 : i32
      %sign3A_639 = arith.cmpi slt, %jit3A_626, %sign3A_638 : i32
      %sign3A_640 = arith.extui %sign3A_639 : i1 to i32
      %sign3A_641 = arith.subi %sign3A_637, %sign3A_640 : i32
      %ne3A_642 = arith.cmpi ne, %sign3A_634, %sign3A_641 : i32
      %rem3A_643 = arith.remsi %add3A_614, %jit3A_626 : i32
      %ne3A_644 = arith.constant 0 : i32
      %ne3A_645 = arith.cmpi ne, %rem3A_643, %ne3A_644 : i32
      %and3A_646 = arith.andi %ne3A_642, %ne3A_645 : i1
      %sub3A_647 = arith.constant 1 : i32
      %sub3A_648 = arith.subi %div3A_627, %sub3A_647 : i32
      %select_n3A_649 = arith.select %and3A_646, %sub3A_648, %div3A_627 : i32
      %jit3A_650 = arith.constant 4 : i32
      %eq3A_651 = arith.constant 0 : i32
      %eq3A_652 = arith.cmpi eq, %jit3A_650, %eq3A_651 : i32
      %jit3A_653 = arith.constant 1 : i32
      %select_n3A_654 = arith.select %eq3A_652, %jit3A_653, %jit3A_650 : i32
      %rem3A_655 = arith.remsi %add3A_614, %select_n3A_654 : i32
      %ne3A_656 = arith.constant 0 : i32
      %ne3A_657 = arith.cmpi ne, %rem3A_655, %ne3A_656 : i32
      %lt3A_658 = arith.constant 0 : i32
      %lt3A_659 = arith.cmpi slt, %rem3A_655, %lt3A_658 : i32
      %lt3A_660 = arith.constant 0 : i32
      %lt3A_661 = arith.cmpi slt, %select_n3A_654, %lt3A_660 : i32
      %ne3A_662 = arith.xori %lt3A_659, %lt3A_661 : i1
      %and3A_663 = arith.andi %ne3A_662, %ne3A_657 : i1
      %add3A_664 = arith.addi %rem3A_655, %select_n3A_654 : i32
      %select_n3A_665 = arith.select %and3A_663, %add3A_664, %rem3A_655 : i32
      %mul3A_666 = arith.constant 1024 : i32
      %mul3A_667 = arith.muli %select_n3A_649, %mul3A_666 : i32
      %add3A_668 = arith.addi %mul3A_667, %mul3A_2 : i32
      %mul3A_669 = arith.constant 8 : i32
      %mul3A_670 = arith.muli %select_n3A_665, %mul3A_669 : i32
      %add3A_671 = arith.addi %add3A_668, %mul3A_670 : i32
      %dma_start3A_672 = arith.constant 1 : i32
      %dma_start3A_673 = arith.constant 0 : i32
      %dma_start3A_674 = arith.constant 0 : i32
      %dma_start3A_675 = tpu.memref_slice %arg6[%dma_start3A_672, %dma_start3A_673, %dma_start3A_674] : memref<10x8x1024xf32, #tpu.memory_space<vmem>> -> memref<1x8x1024xf32, #tpu.memory_space<vmem>>
      %dma_start3A_676 = tpu.memref_squeeze %dma_start3A_675 : memref<1x8x1024xf32, #tpu.memory_space<vmem>> -> memref<8x1024xf32, #tpu.memory_space<vmem>>
      %dma_start3A_677 = arith.constant 0 : i32
      %dma_start3A_678 = tpu.memref_slice %arg4[%add3A_671, %dma_start3A_677] : memref<51200x1024xf32, #tpu.memory_space<hbm>> -> memref<8x1024xf32, #tpu.memory_space<hbm>>
      %dma_start3A_679 = arith.constant 0 : i32
      %dma_start3A_680 = tpu.memref_slice %arg4[%add3A_671, %dma_start3A_679] : memref<51200x1024xf32, #tpu.memory_space<hbm>> -> memref<8x1024xf32, #tpu.memory_space<hbm>>
      %dma_start3A_681 = arith.constant 0 : i32
      %dma_start3A_682 = arith.constant 0 : i32
      %dma_start3A_683 = tpu.memref_slice %arg6[%dma_start3A_672, %dma_start3A_681, %dma_start3A_682] : memref<10x8x1024xf32, #tpu.memory_space<vmem>> -> memref<1x8x1024xf32, #tpu.memory_space<vmem>>
      %dma_start3A_684 = tpu.memref_squeeze %dma_start3A_683 : memref<1x8x1024xf32, #tpu.memory_space<vmem>> -> memref<8x1024xf32, #tpu.memory_space<vmem>>
      tpu.enqueue_dma source(%dma_start3A_684 : memref<8x1024xf32, #tpu.memory_space<vmem>>) target(%dma_start3A_680 : memref<8x1024xf32, #tpu.memory_space<hbm>>) target_semaphore(%arg18 : memref<!tpu.dma_semaphore, #tpu.memory_space<semaphore_mem>>)
      %mul3A_685 = arith.constant 10 : i32
      %mul3A_686 = arith.muli %scan3A_546, %mul3A_685 : i32
      %add3A_687 = arith.constant 2 : i32
      %add3A_688 = arith.addi %mul3A_686, %add3A_687 : i32
      %mul3A_689 = arith.constant 8 : i32
      %mul3A_690 = arith.muli %add3A_688, %mul3A_689 : i32
      %dma_wait3A_691 = arith.constant 2 : i32
      %dma_wait3A_692 = arith.constant 0 : i32
      %dma_wait3A_693 = arith.constant 0 : i32
      %dma_wait3A_694 = tpu.memref_slice %arg6[%dma_wait3A_691, %dma_wait3A_692, %dma_wait3A_693] : memref<10x8x1024xf32, #tpu.memory_space<vmem>> -> memref<1x8x1024xf32, #tpu.memory_space<vmem>>
      %dma_wait3A_695 = tpu.memref_squeeze %dma_wait3A_694 : memref<1x8x1024xf32, #tpu.memory_space<vmem>> -> memref<8x1024xf32, #tpu.memory_space<vmem>>
      %dma_wait3A_696 = tpu.memref_slice %arg5[%mul3A_690] : memref<1600xi32, #tpu.memory_space<vmem>> -> memref<8xi32, #tpu.memory_space<vmem>>
      %dma_wait3A_697 = arith.constant 0 : i32
      %dma_wait3A_698 = arith.constant 0 : i32
      %dma_wait3A_699 = tpu.memref_slice %arg3[%dma_wait3A_697, %dma_wait3A_698] : memref<50000x1024xf32, #tpu.memory_space<hbm>> -> memref<50000x1024xf32, #tpu.memory_space<hbm>>
      tpu.wait_indirect_dma semaphore(%arg9 : memref<!tpu.dma_semaphore, #tpu.memory_space<semaphore_mem>>) src(%dma_wait3A_699 : memref<50000x1024xf32, #tpu.memory_space<hbm>>) dst(%dma_wait3A_695 : memref<8x1024xf32, #tpu.memory_space<vmem>>)
      %jit3A_700 = arith.constant 4 : i32
      %div3A_701 = arith.divsi %add3A_688, %jit3A_700 : i32
      %sign3A_702 = arith.constant 0 : i32
      %sign3A_703 = arith.cmpi sgt, %add3A_688, %sign3A_702 : i32
      %sign3A_704 = arith.extui %sign3A_703 : i1 to i32
      %sign3A_705 = arith.constant 0 : i32
      %sign3A_706 = arith.cmpi slt, %add3A_688, %sign3A_705 : i32
      %sign3A_707 = arith.extui %sign3A_706 : i1 to i32
      %sign3A_708 = arith.subi %sign3A_704, %sign3A_707 : i32
      %sign3A_709 = arith.constant 0 : i32
      %sign3A_710 = arith.cmpi sgt, %jit3A_700, %sign3A_709 : i32
      %sign3A_711 = arith.extui %sign3A_710 : i1 to i32
      %sign3A_712 = arith.constant 0 : i32
      %sign3A_713 = arith.cmpi slt, %jit3A_700, %sign3A_712 : i32
      %sign3A_714 = arith.extui %sign3A_713 : i1 to i32
      %sign3A_715 = arith.subi %sign3A_711, %sign3A_714 : i32
      %ne3A_716 = arith.cmpi ne, %sign3A_708, %sign3A_715 : i32
      %rem3A_717 = arith.remsi %add3A_688, %jit3A_700 : i32
      %ne3A_718 = arith.constant 0 : i32
      %ne3A_719 = arith.cmpi ne, %rem3A_717, %ne3A_718 : i32
      %and3A_720 = arith.andi %ne3A_716, %ne3A_719 : i1
      %sub3A_721 = arith.constant 1 : i32
      %sub3A_722 = arith.subi %div3A_701, %sub3A_721 : i32
      %select_n3A_723 = arith.select %and3A_720, %sub3A_722, %div3A_701 : i32
      %jit3A_724 = arith.constant 4 : i32
      %eq3A_725 = arith.constant 0 : i32
      %eq3A_726 = arith.cmpi eq, %jit3A_724, %eq3A_725 : i32
      %jit3A_727 = arith.constant 1 : i32
      %select_n3A_728 = arith.select %eq3A_726, %jit3A_727, %jit3A_724 : i32
      %rem3A_729 = arith.remsi %add3A_688, %select_n3A_728 : i32
      %ne3A_730 = arith.constant 0 : i32
      %ne3A_731 = arith.cmpi ne, %rem3A_729, %ne3A_730 : i32
      %lt3A_732 = arith.constant 0 : i32
      %lt3A_733 = arith.cmpi slt, %rem3A_729, %lt3A_732 : i32
      %lt3A_734 = arith.constant 0 : i32
      %lt3A_735 = arith.cmpi slt, %select_n3A_728, %lt3A_734 : i32
      %ne3A_736 = arith.xori %lt3A_733, %lt3A_735 : i1
      %and3A_737 = arith.andi %ne3A_736, %ne3A_731 : i1
      %add3A_738 = arith.addi %rem3A_729, %select_n3A_728 : i32
      %select_n3A_739 = arith.select %and3A_737, %add3A_738, %rem3A_729 : i32
      %mul3A_740 = arith.constant 1024 : i32
      %mul3A_741 = arith.muli %select_n3A_723, %mul3A_740 : i32
      %add3A_742 = arith.addi %mul3A_741, %mul3A_2 : i32
      %mul3A_743 = arith.constant 8 : i32
      %mul3A_744 = arith.muli %select_n3A_739, %mul3A_743 : i32
      %add3A_745 = arith.addi %add3A_742, %mul3A_744 : i32
      %dma_start3A_746 = arith.constant 2 : i32
      %dma_start3A_747 = arith.constant 0 : i32
      %dma_start3A_748 = arith.constant 0 : i32
      %dma_start3A_749 = tpu.memref_slice %arg6[%dma_start3A_746, %dma_start3A_747, %dma_start3A_748] : memref<10x8x1024xf32, #tpu.memory_space<vmem>> -> memref<1x8x1024xf32, #tpu.memory_space<vmem>>
      %dma_start3A_750 = tpu.memref_squeeze %dma_start3A_749 : memref<1x8x1024xf32, #tpu.memory_space<vmem>> -> memref<8x1024xf32, #tpu.memory_space<vmem>>
      %dma_start3A_751 = arith.constant 0 : i32
      %dma_start3A_752 = tpu.memref_slice %arg4[%add3A_745, %dma_start3A_751] : memref<51200x1024xf32, #tpu.memory_space<hbm>> -> memref<8x1024xf32, #tpu.memory_space<hbm>>
      %dma_start3A_753 = arith.constant 0 : i32
      %dma_start3A_754 = tpu.memref_slice %arg4[%add3A_745, %dma_start3A_753] : memref<51200x1024xf32, #tpu.memory_space<hbm>> -> memref<8x1024xf32, #tpu.memory_space<hbm>>
      %dma_start3A_755 = arith.constant 0 : i32
      %dma_start3A_756 = arith.constant 0 : i32
      %dma_start3A_757 = tpu.memref_slice %arg6[%dma_start3A_746, %dma_start3A_755, %dma_start3A_756] : memref<10x8x1024xf32, #tpu.memory_space<vmem>> -> memref<1x8x1024xf32, #tpu.memory_space<vmem>>
      %dma_start3A_758 = tpu.memref_squeeze %dma_start3A_757 : memref<1x8x1024xf32, #tpu.memory_space<vmem>> -> memref<8x1024xf32, #tpu.memory_space<vmem>>
      tpu.enqueue_dma source(%dma_start3A_758 : memref<8x1024xf32, #tpu.memory_space<vmem>>) target(%dma_start3A_754 : memref<8x1024xf32, #tpu.memory_space<hbm>>) target_semaphore(%arg19 : memref<!tpu.dma_semaphore, #tpu.memory_space<semaphore_mem>>)
      %mul3A_759 = arith.constant 10 : i32
      %mul3A_760 = arith.muli %scan3A_546, %mul3A_759 : i32
      %add3A_761 = arith.constant 3 : i32
      %add3A_762 = arith.addi %mul3A_760, %add3A_761 : i32
      %mul3A_763 = arith.constant 8 : i32
      %mul3A_764 = arith.muli %add3A_762, %mul3A_763 : i32
      %dma_wait3A_765 = arith.constant 3 : i32
      %dma_wait3A_766 = arith.constant 0 : i32
      %dma_wait3A_767 = arith.constant 0 : i32
      %dma_wait3A_768 = tpu.memref_slice %arg6[%dma_wait3A_765, %dma_wait3A_766, %dma_wait3A_767] : memref<10x8x1024xf32, #tpu.memory_space<vmem>> -> memref<1x8x1024xf32, #tpu.memory_space<vmem>>
      %dma_wait3A_769 = tpu.memref_squeeze %dma_wait3A_768 : memref<1x8x1024xf32, #tpu.memory_space<vmem>> -> memref<8x1024xf32, #tpu.memory_space<vmem>>
      %dma_wait3A_770 = tpu.memref_slice %arg5[%mul3A_764] : memref<1600xi32, #tpu.memory_space<vmem>> -> memref<8xi32, #tpu.memory_space<vmem>>
      %dma_wait3A_771 = arith.constant 0 : i32
      %dma_wait3A_772 = arith.constant 0 : i32
      %dma_wait3A_773 = tpu.memref_slice %arg3[%dma_wait3A_771, %dma_wait3A_772] : memref<50000x1024xf32, #tpu.memory_space<hbm>> -> memref<50000x1024xf32, #tpu.memory_space<hbm>>
      tpu.wait_indirect_dma semaphore(%arg10 : memref<!tpu.dma_semaphore, #tpu.memory_space<semaphore_mem>>) src(%dma_wait3A_773 : memref<50000x1024xf32, #tpu.memory_space<hbm>>) dst(%dma_wait3A_769 : memref<8x1024xf32, #tpu.memory_space<vmem>>)
      %jit3A_774 = arith.constant 4 : i32
      %div3A_775 = arith.divsi %add3A_762, %jit3A_774 : i32
      %sign3A_776 = arith.constant 0 : i32
      %sign3A_777 = arith.cmpi sgt, %add3A_762, %sign3A_776 : i32
      %sign3A_778 = arith.extui %sign3A_777 : i1 to i32
      %sign3A_779 = arith.constant 0 : i32
      %sign3A_780 = arith.cmpi slt, %add3A_762, %sign3A_779 : i32
      %sign3A_781 = arith.extui %sign3A_780 : i1 to i32
      %sign3A_782 = arith.subi %sign3A_778, %sign3A_781 : i32
      %sign3A_783 = arith.constant 0 : i32
      %sign3A_784 = arith.cmpi sgt, %jit3A_774, %sign3A_783 : i32
      %sign3A_785 = arith.extui %sign3A_784 : i1 to i32
      %sign3A_786 = arith.constant 0 : i32
      %sign3A_787 = arith.cmpi slt, %jit3A_774, %sign3A_786 : i32
      %sign3A_788 = arith.extui %sign3A_787 : i1 to i32
      %sign3A_789 = arith.subi %sign3A_785, %sign3A_788 : i32
      %ne3A_790 = arith.cmpi ne, %sign3A_782, %sign3A_789 : i32
      %rem3A_791 = arith.remsi %add3A_762, %jit3A_774 : i32
      %ne3A_792 = arith.constant 0 : i32
      %ne3A_793 = arith.cmpi ne, %rem3A_791, %ne3A_792 : i32
      %and3A_794 = arith.andi %ne3A_790, %ne3A_793 : i1
      %sub3A_795 = arith.constant 1 : i32
      %sub3A_796 = arith.subi %div3A_775, %sub3A_795 : i32
      %select_n3A_797 = arith.select %and3A_794, %sub3A_796, %div3A_775 : i32
      %jit3A_798 = arith.constant 4 : i32
      %eq3A_799 = arith.constant 0 : i32
      %eq3A_800 = arith.cmpi eq, %jit3A_798, %eq3A_799 : i32
      %jit3A_801 = arith.constant 1 : i32
      %select_n3A_802 = arith.select %eq3A_800, %jit3A_801, %jit3A_798 : i32
      %rem3A_803 = arith.remsi %add3A_762, %select_n3A_802 : i32
      %ne3A_804 = arith.constant 0 : i32
      %ne3A_805 = arith.cmpi ne, %rem3A_803, %ne3A_804 : i32
      %lt3A_806 = arith.constant 0 : i32
      %lt3A_807 = arith.cmpi slt, %rem3A_803, %lt3A_806 : i32
      %lt3A_808 = arith.constant 0 : i32
      %lt3A_809 = arith.cmpi slt, %select_n3A_802, %lt3A_808 : i32
      %ne3A_810 = arith.xori %lt3A_807, %lt3A_809 : i1
      %and3A_811 = arith.andi %ne3A_810, %ne3A_805 : i1
      %add3A_812 = arith.addi %rem3A_803, %select_n3A_802 : i32
      %select_n3A_813 = arith.select %and3A_811, %add3A_812, %rem3A_803 : i32
      %mul3A_814 = arith.constant 1024 : i32
      %mul3A_815 = arith.muli %select_n3A_797, %mul3A_814 : i32
      %add3A_816 = arith.addi %mul3A_815, %mul3A_2 : i32
      %mul3A_817 = arith.constant 8 : i32
      %mul3A_818 = arith.muli %select_n3A_813, %mul3A_817 : i32
      %add3A_819 = arith.addi %add3A_816, %mul3A_818 : i32
      %dma_start3A_820 = arith.constant 3 : i32
      %dma_start3A_821 = arith.constant 0 : i32
      %dma_start3A_822 = arith.constant 0 : i32
      %dma_start3A_823 = tpu.memref_slice %arg6[%dma_start3A_820, %dma_start3A_821, %dma_start3A_822] : memref<10x8x1024xf32, #tpu.memory_space<vmem>> -> memref<1x8x1024xf32, #tpu.memory_space<vmem>>
      %dma_start3A_824 = tpu.memref_squeeze %dma_start3A_823 : memref<1x8x1024xf32, #tpu.memory_space<vmem>> -> memref<8x1024xf32, #tpu.memory_space<vmem>>
      %dma_start3A_825 = arith.constant 0 : i32
      %dma_start3A_826 = tpu.memref_slice %arg4[%add3A_819, %dma_start3A_825] : memref<51200x1024xf32, #tpu.memory_space<hbm>> -> memref<8x1024xf32, #tpu.memory_space<hbm>>
      %dma_start3A_827 = arith.constant 0 : i32
      %dma_start3A_828 = tpu.memref_slice %arg4[%add3A_819, %dma_start3A_827] : memref<51200x1024xf32, #tpu.memory_space<hbm>> -> memref<8x1024xf32, #tpu.memory_space<hbm>>
      %dma_start3A_829 = arith.constant 0 : i32
      %dma_start3A_830 = arith.constant 0 : i32
      %dma_start3A_831 = tpu.memref_slice %arg6[%dma_start3A_820, %dma_start3A_829, %dma_start3A_830] : memref<10x8x1024xf32, #tpu.memory_space<vmem>> -> memref<1x8x1024xf32, #tpu.memory_space<vmem>>
      %dma_start3A_832 = tpu.memref_squeeze %dma_start3A_831 : memref<1x8x1024xf32, #tpu.memory_space<vmem>> -> memref<8x1024xf32, #tpu.memory_space<vmem>>
      tpu.enqueue_dma source(%dma_start3A_832 : memref<8x1024xf32, #tpu.memory_space<vmem>>) target(%dma_start3A_828 : memref<8x1024xf32, #tpu.memory_space<hbm>>) target_semaphore(%arg20 : memref<!tpu.dma_semaphore, #tpu.memory_space<semaphore_mem>>)
      %mul3A_833 = arith.constant 10 : i32
      %mul3A_834 = arith.muli %scan3A_546, %mul3A_833 : i32
      %add3A_835 = arith.constant 4 : i32
      %add3A_836 = arith.addi %mul3A_834, %add3A_835 : i32
      %mul3A_837 = arith.constant 8 : i32
      %mul3A_838 = arith.muli %add3A_836, %mul3A_837 : i32
      %dma_wait3A_839 = arith.constant 4 : i32
      %dma_wait3A_840 = arith.constant 0 : i32
      %dma_wait3A_841 = arith.constant 0 : i32
      %dma_wait3A_842 = tpu.memref_slice %arg6[%dma_wait3A_839, %dma_wait3A_840, %dma_wait3A_841] : memref<10x8x1024xf32, #tpu.memory_space<vmem>> -> memref<1x8x1024xf32, #tpu.memory_space<vmem>>
      %dma_wait3A_843 = tpu.memref_squeeze %dma_wait3A_842 : memref<1x8x1024xf32, #tpu.memory_space<vmem>> -> memref<8x1024xf32, #tpu.memory_space<vmem>>
      %dma_wait3A_844 = tpu.memref_slice %arg5[%mul3A_838] : memref<1600xi32, #tpu.memory_space<vmem>> -> memref<8xi32, #tpu.memory_space<vmem>>
      %dma_wait3A_845 = arith.constant 0 : i32
      %dma_wait3A_846 = arith.constant 0 : i32
      %dma_wait3A_847 = tpu.memref_slice %arg3[%dma_wait3A_845, %dma_wait3A_846] : memref<50000x1024xf32, #tpu.memory_space<hbm>> -> memref<50000x1024xf32, #tpu.memory_space<hbm>>
      tpu.wait_indirect_dma semaphore(%arg11 : memref<!tpu.dma_semaphore, #tpu.memory_space<semaphore_mem>>) src(%dma_wait3A_847 : memref<50000x1024xf32, #tpu.memory_space<hbm>>) dst(%dma_wait3A_843 : memref<8x1024xf32, #tpu.memory_space<vmem>>)
      %jit3A_848 = arith.constant 4 : i32
      %div3A_849 = arith.divsi %add3A_836, %jit3A_848 : i32
      %sign3A_850 = arith.constant 0 : i32
      %sign3A_851 = arith.cmpi sgt, %add3A_836, %sign3A_850 : i32
      %sign3A_852 = arith.extui %sign3A_851 : i1 to i32
      %sign3A_853 = arith.constant 0 : i32
      %sign3A_854 = arith.cmpi slt, %add3A_836, %sign3A_853 : i32
      %sign3A_855 = arith.extui %sign3A_854 : i1 to i32
      %sign3A_856 = arith.subi %sign3A_852, %sign3A_855 : i32
      %sign3A_857 = arith.constant 0 : i32
      %sign3A_858 = arith.cmpi sgt, %jit3A_848, %sign3A_857 : i32
      %sign3A_859 = arith.extui %sign3A_858 : i1 to i32
      %sign3A_860 = arith.constant 0 : i32
      %sign3A_861 = arith.cmpi slt, %jit3A_848, %sign3A_860 : i32
      %sign3A_862 = arith.extui %sign3A_861 : i1 to i32
      %sign3A_863 = arith.subi %sign3A_859, %sign3A_862 : i32
      %ne3A_864 = arith.cmpi ne, %sign3A_856, %sign3A_863 : i32
      %rem3A_865 = arith.remsi %add3A_836, %jit3A_848 : i32
      %ne3A_866 = arith.constant 0 : i32
      %ne3A_867 = arith.cmpi ne, %rem3A_865, %ne3A_866 : i32
      %and3A_868 = arith.andi %ne3A_864, %ne3A_867 : i1
      %sub3A_869 = arith.constant 1 : i32
      %sub3A_870 = arith.subi %div3A_849, %sub3A_869 : i32
      %select_n3A_871 = arith.select %and3A_868, %sub3A_870, %div3A_849 : i32
      %jit3A_872 = arith.constant 4 : i32
      %eq3A_873 = arith.constant 0 : i32
      %eq3A_874 = arith.cmpi eq, %jit3A_872, %eq3A_873 : i32
      %jit3A_875 = arith.constant 1 : i32
      %select_n3A_876 = arith.select %eq3A_874, %jit3A_875, %jit3A_872 : i32
      %rem3A_877 = arith.remsi %add3A_836, %select_n3A_876 : i32
      %ne3A_878 = arith.constant 0 : i32
      %ne3A_879 = arith.cmpi ne, %rem3A_877, %ne3A_878 : i32
      %lt3A_880 = arith.constant 0 : i32
      %lt3A_881 = arith.cmpi slt, %rem3A_877, %lt3A_880 : i32
      %lt3A_882 = arith.constant 0 : i32
      %lt3A_883 = arith.cmpi slt, %select_n3A_876, %lt3A_882 : i32
      %ne3A_884 = arith.xori %lt3A_881, %lt3A_883 : i1
      %and3A_885 = arith.andi %ne3A_884, %ne3A_879 : i1
      %add3A_886 = arith.addi %rem3A_877, %select_n3A_876 : i32
      %select_n3A_887 = arith.select %and3A_885, %add3A_886, %rem3A_877 : i32
      %mul3A_888 = arith.constant 1024 : i32
      %mul3A_889 = arith.muli %select_n3A_871, %mul3A_888 : i32
      %add3A_890 = arith.addi %mul3A_889, %mul3A_2 : i32
      %mul3A_891 = arith.constant 8 : i32
      %mul3A_892 = arith.muli %select_n3A_887, %mul3A_891 : i32
      %add3A_893 = arith.addi %add3A_890, %mul3A_892 : i32
      %dma_start3A_894 = arith.constant 4 : i32
      %dma_start3A_895 = arith.constant 0 : i32
      %dma_start3A_896 = arith.constant 0 : i32
      %dma_start3A_897 = tpu.memref_slice %arg6[%dma_start3A_894, %dma_start3A_895, %dma_start3A_896] : memref<10x8x1024xf32, #tpu.memory_space<vmem>> -> memref<1x8x1024xf32, #tpu.memory_space<vmem>>
      %dma_start3A_898 = tpu.memref_squeeze %dma_start3A_897 : memref<1x8x1024xf32, #tpu.memory_space<vmem>> -> memref<8x1024xf32, #tpu.memory_space<vmem>>
      %dma_start3A_899 = arith.constant 0 : i32
      %dma_start3A_900 = tpu.memref_slice %arg4[%add3A_893, %dma_start3A_899] : memref<51200x1024xf32, #tpu.memory_space<hbm>> -> memref<8x1024xf32, #tpu.memory_space<hbm>>
      %dma_start3A_901 = arith.constant 0 : i32
      %dma_start3A_902 = tpu.memref_slice %arg4[%add3A_893, %dma_start3A_901] : memref<51200x1024xf32, #tpu.memory_space<hbm>> -> memref<8x1024xf32, #tpu.memory_space<hbm>>
      %dma_start3A_903 = arith.constant 0 : i32
      %dma_start3A_904 = arith.constant 0 : i32
      %dma_start3A_905 = tpu.memref_slice %arg6[%dma_start3A_894, %dma_start3A_903, %dma_start3A_904] : memref<10x8x1024xf32, #tpu.memory_space<vmem>> -> memref<1x8x1024xf32, #tpu.memory_space<vmem>>
      %dma_start3A_906 = tpu.memref_squeeze %dma_start3A_905 : memref<1x8x1024xf32, #tpu.memory_space<vmem>> -> memref<8x1024xf32, #tpu.memory_space<vmem>>
      tpu.enqueue_dma source(%dma_start3A_906 : memref<8x1024xf32, #tpu.memory_space<vmem>>) target(%dma_start3A_902 : memref<8x1024xf32, #tpu.memory_space<hbm>>) target_semaphore(%arg21 : memref<!tpu.dma_semaphore, #tpu.memory_space<semaphore_mem>>)
      %mul3A_907 = arith.constant 10 : i32
      %mul3A_908 = arith.muli %scan3A_546, %mul3A_907 : i32
      %add3A_909 = arith.constant 5 : i32
      %add3A_910 = arith.addi %mul3A_908, %add3A_909 : i32
      %mul3A_911 = arith.constant 8 : i32
      %mul3A_912 = arith.muli %add3A_910, %mul3A_911 : i32
      %dma_wait3A_913 = arith.constant 5 : i32
      %dma_wait3A_914 = arith.constant 0 : i32
      %dma_wait3A_915 = arith.constant 0 : i32
      %dma_wait3A_916 = tpu.memref_slice %arg6[%dma_wait3A_913, %dma_wait3A_914, %dma_wait3A_915] : memref<10x8x1024xf32, #tpu.memory_space<vmem>> -> memref<1x8x1024xf32, #tpu.memory_space<vmem>>
      %dma_wait3A_917 = tpu.memref_squeeze %dma_wait3A_916 : memref<1x8x1024xf32, #tpu.memory_space<vmem>> -> memref<8x1024xf32, #tpu.memory_space<vmem>>
      %dma_wait3A_918 = tpu.memref_slice %arg5[%mul3A_912] : memref<1600xi32, #tpu.memory_space<vmem>> -> memref<8xi32, #tpu.memory_space<vmem>>
      %dma_wait3A_919 = arith.constant 0 : i32
      %dma_wait3A_920 = arith.constant 0 : i32
      %dma_wait3A_921 = tpu.memref_slice %arg3[%dma_wait3A_919, %dma_wait3A_920] : memref<50000x1024xf32, #tpu.memory_space<hbm>> -> memref<50000x1024xf32, #tpu.memory_space<hbm>>
      tpu.wait_indirect_dma semaphore(%arg12 : memref<!tpu.dma_semaphore, #tpu.memory_space<semaphore_mem>>) src(%dma_wait3A_921 : memref<50000x1024xf32, #tpu.memory_space<hbm>>) dst(%dma_wait3A_917 : memref<8x1024xf32, #tpu.memory_space<vmem>>)
      %jit3A_922 = arith.constant 4 : i32
      %div3A_923 = arith.divsi %add3A_910, %jit3A_922 : i32
      %sign3A_924 = arith.constant 0 : i32
      %sign3A_925 = arith.cmpi sgt, %add3A_910, %sign3A_924 : i32
      %sign3A_926 = arith.extui %sign3A_925 : i1 to i32
      %sign3A_927 = arith.constant 0 : i32
      %sign3A_928 = arith.cmpi slt, %add3A_910, %sign3A_927 : i32
      %sign3A_929 = arith.extui %sign3A_928 : i1 to i32
      %sign3A_930 = arith.subi %sign3A_926, %sign3A_929 : i32
      %sign3A_931 = arith.constant 0 : i32
      %sign3A_932 = arith.cmpi sgt, %jit3A_922, %sign3A_931 : i32
      %sign3A_933 = arith.extui %sign3A_932 : i1 to i32
      %sign3A_934 = arith.constant 0 : i32
      %sign3A_935 = arith.cmpi slt, %jit3A_922, %sign3A_934 : i32
      %sign3A_936 = arith.extui %sign3A_935 : i1 to i32
      %sign3A_937 = arith.subi %sign3A_933, %sign3A_936 : i32
      %ne3A_938 = arith.cmpi ne, %sign3A_930, %sign3A_937 : i32
      %rem3A_939 = arith.remsi %add3A_910, %jit3A_922 : i32
      %ne3A_940 = arith.constant 0 : i32
      %ne3A_941 = arith.cmpi ne, %rem3A_939, %ne3A_940 : i32
      %and3A_942 = arith.andi %ne3A_938, %ne3A_941 : i1
      %sub3A_943 = arith.constant 1 : i32
      %sub3A_944 = arith.subi %div3A_923, %sub3A_943 : i32
      %select_n3A_945 = arith.select %and3A_942, %sub3A_944, %div3A_923 : i32
      %jit3A_946 = arith.constant 4 : i32
      %eq3A_947 = arith.constant 0 : i32
      %eq3A_948 = arith.cmpi eq, %jit3A_946, %eq3A_947 : i32
      %jit3A_949 = arith.constant 1 : i32
      %select_n3A_950 = arith.select %eq3A_948, %jit3A_949, %jit3A_946 : i32
      %rem3A_951 = arith.remsi %add3A_910, %select_n3A_950 : i32
      %ne3A_952 = arith.constant 0 : i32
      %ne3A_953 = arith.cmpi ne, %rem3A_951, %ne3A_952 : i32
      %lt3A_954 = arith.constant 0 : i32
      %lt3A_955 = arith.cmpi slt, %rem3A_951, %lt3A_954 : i32
      %lt3A_956 = arith.constant 0 : i32
      %lt3A_957 = arith.cmpi slt, %select_n3A_950, %lt3A_956 : i32
      %ne3A_958 = arith.xori %lt3A_955, %lt3A_957 : i1
      %and3A_959 = arith.andi %ne3A_958, %ne3A_953 : i1
      %add3A_960 = arith.addi %rem3A_951, %select_n3A_950 : i32
      %select_n3A_961 = arith.select %and3A_959, %add3A_960, %rem3A_951 : i32
      %mul3A_962 = arith.constant 1024 : i32
      %mul3A_963 = arith.muli %select_n3A_945, %mul3A_962 : i32
      %add3A_964 = arith.addi %mul3A_963, %mul3A_2 : i32
      %mul3A_965 = arith.constant 8 : i32
      %mul3A_966 = arith.muli %select_n3A_961, %mul3A_965 : i32
      %add3A_967 = arith.addi %add3A_964, %mul3A_966 : i32
      %dma_start3A_968 = arith.constant 5 : i32
      %dma_start3A_969 = arith.constant 0 : i32
      %dma_start3A_970 = arith.constant 0 : i32
      %dma_start3A_971 = tpu.memref_slice %arg6[%dma_start3A_968, %dma_start3A_969, %dma_start3A_970] : memref<10x8x1024xf32, #tpu.memory_space<vmem>> -> memref<1x8x1024xf32, #tpu.memory_space<vmem>>
      %dma_start3A_972 = tpu.memref_squeeze %dma_start3A_971 : memref<1x8x1024xf32, #tpu.memory_space<vmem>> -> memref<8x1024xf32, #tpu.memory_space<vmem>>
      %dma_start3A_973 = arith.constant 0 : i32
      %dma_start3A_974 = tpu.memref_slice %arg4[%add3A_967, %dma_start3A_973] : memref<51200x1024xf32, #tpu.memory_space<hbm>> -> memref<8x1024xf32, #tpu.memory_space<hbm>>
      %dma_start3A_975 = arith.constant 0 : i32
      %dma_start3A_976 = tpu.memref_slice %arg4[%add3A_967, %dma_start3A_975] : memref<51200x1024xf32, #tpu.memory_space<hbm>> -> memref<8x1024xf32, #tpu.memory_space<hbm>>
      %dma_start3A_977 = arith.constant 0 : i32
      %dma_start3A_978 = arith.constant 0 : i32
      %dma_start3A_979 = tpu.memref_slice %arg6[%dma_start3A_968, %dma_start3A_977, %dma_start3A_978] : memref<10x8x1024xf32, #tpu.memory_space<vmem>> -> memref<1x8x1024xf32, #tpu.memory_space<vmem>>
      %dma_start3A_980 = tpu.memref_squeeze %dma_start3A_979 : memref<1x8x1024xf32, #tpu.memory_space<vmem>> -> memref<8x1024xf32, #tpu.memory_space<vmem>>
      tpu.enqueue_dma source(%dma_start3A_980 : memref<8x1024xf32, #tpu.memory_space<vmem>>) target(%dma_start3A_976 : memref<8x1024xf32, #tpu.memory_space<hbm>>) target_semaphore(%arg22 : memref<!tpu.dma_semaphore, #tpu.memory_space<semaphore_mem>>)
      %mul3A_981 = arith.constant 10 : i32
      %mul3A_982 = arith.muli %scan3A_546, %mul3A_981 : i32
      %add3A_983 = arith.constant 6 : i32
      %add3A_984 = arith.addi %mul3A_982, %add3A_983 : i32
      %mul3A_985 = arith.constant 8 : i32
      %mul3A_986 = arith.muli %add3A_984, %mul3A_985 : i32
      %dma_wait3A_987 = arith.constant 6 : i32
      %dma_wait3A_988 = arith.constant 0 : i32
      %dma_wait3A_989 = arith.constant 0 : i32
      %dma_wait3A_990 = tpu.memref_slice %arg6[%dma_wait3A_987, %dma_wait3A_988, %dma_wait3A_989] : memref<10x8x1024xf32, #tpu.memory_space<vmem>> -> memref<1x8x1024xf32, #tpu.memory_space<vmem>>
      %dma_wait3A_991 = tpu.memref_squeeze %dma_wait3A_990 : memref<1x8x1024xf32, #tpu.memory_space<vmem>> -> memref<8x1024xf32, #tpu.memory_space<vmem>>
      %dma_wait3A_992 = tpu.memref_slice %arg5[%mul3A_986] : memref<1600xi32, #tpu.memory_space<vmem>> -> memref<8xi32, #tpu.memory_space<vmem>>
      %dma_wait3A_993 = arith.constant 0 : i32
      %dma_wait3A_994 = arith.constant 0 : i32
      %dma_wait3A_995 = tpu.memref_slice %arg3[%dma_wait3A_993, %dma_wait3A_994] : memref<50000x1024xf32, #tpu.memory_space<hbm>> -> memref<50000x1024xf32, #tpu.memory_space<hbm>>
      tpu.wait_indirect_dma semaphore(%arg13 : memref<!tpu.dma_semaphore, #tpu.memory_space<semaphore_mem>>) src(%dma_wait3A_995 : memref<50000x1024xf32, #tpu.memory_space<hbm>>) dst(%dma_wait3A_991 : memref<8x1024xf32, #tpu.memory_space<vmem>>)
      %jit3A_996 = arith.constant 4 : i32
      %div3A_997 = arith.divsi %add3A_984, %jit3A_996 : i32
      %sign3A_998 = arith.constant 0 : i32
      %sign3A_999 = arith.cmpi sgt, %add3A_984, %sign3A_998 : i32
      %sign3A_1000 = arith.extui %sign3A_999 : i1 to i32
      %sign3A_1001 = arith.constant 0 : i32
      %sign3A_1002 = arith.cmpi slt, %add3A_984, %sign3A_1001 : i32
      %sign3A_1003 = arith.extui %sign3A_1002 : i1 to i32
      %sign3A_1004 = arith.subi %sign3A_1000, %sign3A_1003 : i32
      %sign3A_1005 = arith.constant 0 : i32
      %sign3A_1006 = arith.cmpi sgt, %jit3A_996, %sign3A_1005 : i32
      %sign3A_1007 = arith.extui %sign3A_1006 : i1 to i32
      %sign3A_1008 = arith.constant 0 : i32
      %sign3A_1009 = arith.cmpi slt, %jit3A_996, %sign3A_1008 : i32
      %sign3A_1010 = arith.extui %sign3A_1009 : i1 to i32
      %sign3A_1011 = arith.subi %sign3A_1007, %sign3A_1010 : i32
      %ne3A_1012 = arith.cmpi ne, %sign3A_1004, %sign3A_1011 : i32
      %rem3A_1013 = arith.remsi %add3A_984, %jit3A_996 : i32
      %ne3A_1014 = arith.constant 0 : i32
      %ne3A_1015 = arith.cmpi ne, %rem3A_1013, %ne3A_1014 : i32
      %and3A_1016 = arith.andi %ne3A_1012, %ne3A_1015 : i1
      %sub3A_1017 = arith.constant 1 : i32
      %sub3A_1018 = arith.subi %div3A_997, %sub3A_1017 : i32
      %select_n3A_1019 = arith.select %and3A_1016, %sub3A_1018, %div3A_997 : i32
      %jit3A_1020 = arith.constant 4 : i32
      %eq3A_1021 = arith.constant 0 : i32
      %eq3A_1022 = arith.cmpi eq, %jit3A_1020, %eq3A_1021 : i32
      %jit3A_1023 = arith.constant 1 : i32
      %select_n3A_1024 = arith.select %eq3A_1022, %jit3A_1023, %jit3A_1020 : i32
      %rem3A_1025 = arith.remsi %add3A_984, %select_n3A_1024 : i32
      %ne3A_1026 = arith.constant 0 : i32
      %ne3A_1027 = arith.cmpi ne, %rem3A_1025, %ne3A_1026 : i32
      %lt3A_1028 = arith.constant 0 : i32
      %lt3A_1029 = arith.cmpi slt, %rem3A_1025, %lt3A_1028 : i32
      %lt3A_1030 = arith.constant 0 : i32
      %lt3A_1031 = arith.cmpi slt, %select_n3A_1024, %lt3A_1030 : i32
      %ne3A_1032 = arith.xori %lt3A_1029, %lt3A_1031 : i1
      %and3A_1033 = arith.andi %ne3A_1032, %ne3A_1027 : i1
      %add3A_1034 = arith.addi %rem3A_1025, %select_n3A_1024 : i32
      %select_n3A_1035 = arith.select %and3A_1033, %add3A_1034, %rem3A_1025 : i32
      %mul3A_1036 = arith.constant 1024 : i32
      %mul3A_1037 = arith.muli %select_n3A_1019, %mul3A_1036 : i32
      %add3A_1038 = arith.addi %mul3A_1037, %mul3A_2 : i32
      %mul3A_1039 = arith.constant 8 : i32
      %mul3A_1040 = arith.muli %select_n3A_1035, %mul3A_1039 : i32
      %add3A_1041 = arith.addi %add3A_1038, %mul3A_1040 : i32
      %dma_start3A_1042 = arith.constant 6 : i32
      %dma_start3A_1043 = arith.constant 0 : i32
      %dma_start3A_1044 = arith.constant 0 : i32
      %dma_start3A_1045 = tpu.memref_slice %arg6[%dma_start3A_1042, %dma_start3A_1043, %dma_start3A_1044] : memref<10x8x1024xf32, #tpu.memory_space<vmem>> -> memref<1x8x1024xf32, #tpu.memory_space<vmem>>
      %dma_start3A_1046 = tpu.memref_squeeze %dma_start3A_1045 : memref<1x8x1024xf32, #tpu.memory_space<vmem>> -> memref<8x1024xf32, #tpu.memory_space<vmem>>
      %dma_start3A_1047 = arith.constant 0 : i32
      %dma_start3A_1048 = tpu.memref_slice %arg4[%add3A_1041, %dma_start3A_1047] : memref<51200x1024xf32, #tpu.memory_space<hbm>> -> memref<8x1024xf32, #tpu.memory_space<hbm>>
      %dma_start3A_1049 = arith.constant 0 : i32
      %dma_start3A_1050 = tpu.memref_slice %arg4[%add3A_1041, %dma_start3A_1049] : memref<51200x1024xf32, #tpu.memory_space<hbm>> -> memref<8x1024xf32, #tpu.memory_space<hbm>>
      %dma_start3A_1051 = arith.constant 0 : i32
      %dma_start3A_1052 = arith.constant 0 : i32
      %dma_start3A_1053 = tpu.memref_slice %arg6[%dma_start3A_1042, %dma_start3A_1051, %dma_start3A_1052] : memref<10x8x1024xf32, #tpu.memory_space<vmem>> -> memref<1x8x1024xf32, #tpu.memory_space<vmem>>
      %dma_start3A_1054 = tpu.memref_squeeze %dma_start3A_1053 : memref<1x8x1024xf32, #tpu.memory_space<vmem>> -> memref<8x1024xf32, #tpu.memory_space<vmem>>
      tpu.enqueue_dma source(%dma_start3A_1054 : memref<8x1024xf32, #tpu.memory_space<vmem>>) target(%dma_start3A_1050 : memref<8x1024xf32, #tpu.memory_space<hbm>>) target_semaphore(%arg23 : memref<!tpu.dma_semaphore, #tpu.memory_space<semaphore_mem>>)
      %mul3A_1055 = arith.constant 10 : i32
      %mul3A_1056 = arith.muli %scan3A_546, %mul3A_1055 : i32
      %add3A_1057 = arith.constant 7 : i32
      %add3A_1058 = arith.addi %mul3A_1056, %add3A_1057 : i32
      %mul3A_1059 = arith.constant 8 : i32
      %mul3A_1060 = arith.muli %add3A_1058, %mul3A_1059 : i32
      %dma_wait3A_1061 = arith.constant 7 : i32
      %dma_wait3A_1062 = arith.constant 0 : i32
      %dma_wait3A_1063 = arith.constant 0 : i32
      %dma_wait3A_1064 = tpu.memref_slice %arg6[%dma_wait3A_1061, %dma_wait3A_1062, %dma_wait3A_1063] : memref<10x8x1024xf32, #tpu.memory_space<vmem>> -> memref<1x8x1024xf32, #tpu.memory_space<vmem>>
      %dma_wait3A_1065 = tpu.memref_squeeze %dma_wait3A_1064 : memref<1x8x1024xf32, #tpu.memory_space<vmem>> -> memref<8x1024xf32, #tpu.memory_space<vmem>>
      %dma_wait3A_1066 = tpu.memref_slice %arg5[%mul3A_1060] : memref<1600xi32, #tpu.memory_space<vmem>> -> memref<8xi32, #tpu.memory_space<vmem>>
      %dma_wait3A_1067 = arith.constant 0 : i32
      %dma_wait3A_1068 = arith.constant 0 : i32
      %dma_wait3A_1069 = tpu.memref_slice %arg3[%dma_wait3A_1067, %dma_wait3A_1068] : memref<50000x1024xf32, #tpu.memory_space<hbm>> -> memref<50000x1024xf32, #tpu.memory_space<hbm>>
      tpu.wait_indirect_dma semaphore(%arg14 : memref<!tpu.dma_semaphore, #tpu.memory_space<semaphore_mem>>) src(%dma_wait3A_1069 : memref<50000x1024xf32, #tpu.memory_space<hbm>>) dst(%dma_wait3A_1065 : memref<8x1024xf32, #tpu.memory_space<vmem>>)
      %jit3A_1070 = arith.constant 4 : i32
      %div3A_1071 = arith.divsi %add3A_1058, %jit3A_1070 : i32
      %sign3A_1072 = arith.constant 0 : i32
      %sign3A_1073 = arith.cmpi sgt, %add3A_1058, %sign3A_1072 : i32
      %sign3A_1074 = arith.extui %sign3A_1073 : i1 to i32
      %sign3A_1075 = arith.constant 0 : i32
      %sign3A_1076 = arith.cmpi slt, %add3A_1058, %sign3A_1075 : i32
      %sign3A_1077 = arith.extui %sign3A_1076 : i1 to i32
      %sign3A_1078 = arith.subi %sign3A_1074, %sign3A_1077 : i32
      %sign3A_1079 = arith.constant 0 : i32
      %sign3A_1080 = arith.cmpi sgt, %jit3A_1070, %sign3A_1079 : i32
      %sign3A_1081 = arith.extui %sign3A_1080 : i1 to i32
      %sign3A_1082 = arith.constant 0 : i32
      %sign3A_1083 = arith.cmpi slt, %jit3A_1070, %sign3A_1082 : i32
      %sign3A_1084 = arith.extui %sign3A_1083 : i1 to i32
      %sign3A_1085 = arith.subi %sign3A_1081, %sign3A_1084 : i32
      %ne3A_1086 = arith.cmpi ne, %sign3A_1078, %sign3A_1085 : i32
      %rem3A_1087 = arith.remsi %add3A_1058, %jit3A_1070 : i32
      %ne3A_1088 = arith.constant 0 : i32
      %ne3A_1089 = arith.cmpi ne, %rem3A_1087, %ne3A_1088 : i32
      %and3A_1090 = arith.andi %ne3A_1086, %ne3A_1089 : i1
      %sub3A_1091 = arith.constant 1 : i32
      %sub3A_1092 = arith.subi %div3A_1071, %sub3A_1091 : i32
      %select_n3A_1093 = arith.select %and3A_1090, %sub3A_1092, %div3A_1071 : i32
      %jit3A_1094 = arith.constant 4 : i32
      %eq3A_1095 = arith.constant 0 : i32
      %eq3A_1096 = arith.cmpi eq, %jit3A_1094, %eq3A_1095 : i32
      %jit3A_1097 = arith.constant 1 : i32
      %select_n3A_1098 = arith.select %eq3A_1096, %jit3A_1097, %jit3A_1094 : i32
      %rem3A_1099 = arith.remsi %add3A_1058, %select_n3A_1098 : i32
      %ne3A_1100 = arith.constant 0 : i32
      %ne3A_1101 = arith.cmpi ne, %rem3A_1099, %ne3A_1100 : i32
      %lt3A_1102 = arith.constant 0 : i32
      %lt3A_1103 = arith.cmpi slt, %rem3A_1099, %lt3A_1102 : i32
      %lt3A_1104 = arith.constant 0 : i32
      %lt3A_1105 = arith.cmpi slt, %select_n3A_1098, %lt3A_1104 : i32
      %ne3A_1106 = arith.xori %lt3A_1103, %lt3A_1105 : i1
      %and3A_1107 = arith.andi %ne3A_1106, %ne3A_1101 : i1
      %add3A_1108 = arith.addi %rem3A_1099, %select_n3A_1098 : i32
      %select_n3A_1109 = arith.select %and3A_1107, %add3A_1108, %rem3A_1099 : i32
      %mul3A_1110 = arith.constant 1024 : i32
      %mul3A_1111 = arith.muli %select_n3A_1093, %mul3A_1110 : i32
      %add3A_1112 = arith.addi %mul3A_1111, %mul3A_2 : i32
      %mul3A_1113 = arith.constant 8 : i32
      %mul3A_1114 = arith.muli %select_n3A_1109, %mul3A_1113 : i32
      %add3A_1115 = arith.addi %add3A_1112, %mul3A_1114 : i32
      %dma_start3A_1116 = arith.constant 7 : i32
      %dma_start3A_1117 = arith.constant 0 : i32
      %dma_start3A_1118 = arith.constant 0 : i32
      %dma_start3A_1119 = tpu.memref_slice %arg6[%dma_start3A_1116, %dma_start3A_1117, %dma_start3A_1118] : memref<10x8x1024xf32, #tpu.memory_space<vmem>> -> memref<1x8x1024xf32, #tpu.memory_space<vmem>>
      %dma_start3A_1120 = tpu.memref_squeeze %dma_start3A_1119 : memref<1x8x1024xf32, #tpu.memory_space<vmem>> -> memref<8x1024xf32, #tpu.memory_space<vmem>>
      %dma_start3A_1121 = arith.constant 0 : i32
      %dma_start3A_1122 = tpu.memref_slice %arg4[%add3A_1115, %dma_start3A_1121] : memref<51200x1024xf32, #tpu.memory_space<hbm>> -> memref<8x1024xf32, #tpu.memory_space<hbm>>
      %dma_start3A_1123 = arith.constant 0 : i32
      %dma_start3A_1124 = tpu.memref_slice %arg4[%add3A_1115, %dma_start3A_1123] : memref<51200x1024xf32, #tpu.memory_space<hbm>> -> memref<8x1024xf32, #tpu.memory_space<hbm>>
      %dma_start3A_1125 = arith.constant 0 : i32
      %dma_start3A_1126 = arith.constant 0 : i32
      %dma_start3A_1127 = tpu.memref_slice %arg6[%dma_start3A_1116, %dma_start3A_1125, %dma_start3A_1126] : memref<10x8x1024xf32, #tpu.memory_space<vmem>> -> memref<1x8x1024xf32, #tpu.memory_space<vmem>>
      %dma_start3A_1128 = tpu.memref_squeeze %dma_start3A_1127 : memref<1x8x1024xf32, #tpu.memory_space<vmem>> -> memref<8x1024xf32, #tpu.memory_space<vmem>>
      tpu.enqueue_dma source(%dma_start3A_1128 : memref<8x1024xf32, #tpu.memory_space<vmem>>) target(%dma_start3A_1124 : memref<8x1024xf32, #tpu.memory_space<hbm>>) target_semaphore(%arg24 : memref<!tpu.dma_semaphore, #tpu.memory_space<semaphore_mem>>)
      %mul3A_1129 = arith.constant 10 : i32
      %mul3A_1130 = arith.muli %scan3A_546, %mul3A_1129 : i32
      %add3A_1131 = arith.constant 8 : i32
      %add3A_1132 = arith.addi %mul3A_1130, %add3A_1131 : i32
      %mul3A_1133 = arith.constant 8 : i32
      %mul3A_1134 = arith.muli %add3A_1132, %mul3A_1133 : i32
      %dma_wait3A_1135 = arith.constant 8 : i32
      %dma_wait3A_1136 = arith.constant 0 : i32
      %dma_wait3A_1137 = arith.constant 0 : i32
      %dma_wait3A_1138 = tpu.memref_slice %arg6[%dma_wait3A_1135, %dma_wait3A_1136, %dma_wait3A_1137] : memref<10x8x1024xf32, #tpu.memory_space<vmem>> -> memref<1x8x1024xf32, #tpu.memory_space<vmem>>
      %dma_wait3A_1139 = tpu.memref_squeeze %dma_wait3A_1138 : memref<1x8x1024xf32, #tpu.memory_space<vmem>> -> memref<8x1024xf32, #tpu.memory_space<vmem>>
      %dma_wait3A_1140 = tpu.memref_slice %arg5[%mul3A_1134] : memref<1600xi32, #tpu.memory_space<vmem>> -> memref<8xi32, #tpu.memory_space<vmem>>
      %dma_wait3A_1141 = arith.constant 0 : i32
      %dma_wait3A_1142 = arith.constant 0 : i32
      %dma_wait3A_1143 = tpu.memref_slice %arg3[%dma_wait3A_1141, %dma_wait3A_1142] : memref<50000x1024xf32, #tpu.memory_space<hbm>> -> memref<50000x1024xf32, #tpu.memory_space<hbm>>
      tpu.wait_indirect_dma semaphore(%arg15 : memref<!tpu.dma_semaphore, #tpu.memory_space<semaphore_mem>>) src(%dma_wait3A_1143 : memref<50000x1024xf32, #tpu.memory_space<hbm>>) dst(%dma_wait3A_1139 : memref<8x1024xf32, #tpu.memory_space<vmem>>)
      %jit3A_1144 = arith.constant 4 : i32
      %div3A_1145 = arith.divsi %add3A_1132, %jit3A_1144 : i32
      %sign3A_1146 = arith.constant 0 : i32
      %sign3A_1147 = arith.cmpi sgt, %add3A_1132, %sign3A_1146 : i32
      %sign3A_1148 = arith.extui %sign3A_1147 : i1 to i32
      %sign3A_1149 = arith.constant 0 : i32
      %sign3A_1150 = arith.cmpi slt, %add3A_1132, %sign3A_1149 : i32
      %sign3A_1151 = arith.extui %sign3A_1150 : i1 to i32
      %sign3A_1152 = arith.subi %sign3A_1148, %sign3A_1151 : i32
      %sign3A_1153 = arith.constant 0 : i32
      %sign3A_1154 = arith.cmpi sgt, %jit3A_1144, %sign3A_1153 : i32
      %sign3A_1155 = arith.extui %sign3A_1154 : i1 to i32
      %sign3A_1156 = arith.constant 0 : i32
      %sign3A_1157 = arith.cmpi slt, %jit3A_1144, %sign3A_1156 : i32
      %sign3A_1158 = arith.extui %sign3A_1157 : i1 to i32
      %sign3A_1159 = arith.subi %sign3A_1155, %sign3A_1158 : i32
      %ne3A_1160 = arith.cmpi ne, %sign3A_1152, %sign3A_1159 : i32
      %rem3A_1161 = arith.remsi %add3A_1132, %jit3A_1144 : i32
      %ne3A_1162 = arith.constant 0 : i32
      %ne3A_1163 = arith.cmpi ne, %rem3A_1161, %ne3A_1162 : i32
      %and3A_1164 = arith.andi %ne3A_1160, %ne3A_1163 : i1
      %sub3A_1165 = arith.constant 1 : i32
      %sub3A_1166 = arith.subi %div3A_1145, %sub3A_1165 : i32
      %select_n3A_1167 = arith.select %and3A_1164, %sub3A_1166, %div3A_1145 : i32
      %jit3A_1168 = arith.constant 4 : i32
      %eq3A_1169 = arith.constant 0 : i32
      %eq3A_1170 = arith.cmpi eq, %jit3A_1168, %eq3A_1169 : i32
      %jit3A_1171 = arith.constant 1 : i32
      %select_n3A_1172 = arith.select %eq3A_1170, %jit3A_1171, %jit3A_1168 : i32
      %rem3A_1173 = arith.remsi %add3A_1132, %select_n3A_1172 : i32
      %ne3A_1174 = arith.constant 0 : i32
      %ne3A_1175 = arith.cmpi ne, %rem3A_1173, %ne3A_1174 : i32
      %lt3A_1176 = arith.constant 0 : i32
      %lt3A_1177 = arith.cmpi slt, %rem3A_1173, %lt3A_1176 : i32
      %lt3A_1178 = arith.constant 0 : i32
      %lt3A_1179 = arith.cmpi slt, %select_n3A_1172, %lt3A_1178 : i32
      %ne3A_1180 = arith.xori %lt3A_1177, %lt3A_1179 : i1
      %and3A_1181 = arith.andi %ne3A_1180, %ne3A_1175 : i1
      %add3A_1182 = arith.addi %rem3A_1173, %select_n3A_1172 : i32
      %select_n3A_1183 = arith.select %and3A_1181, %add3A_1182, %rem3A_1173 : i32
      %mul3A_1184 = arith.constant 1024 : i32
      %mul3A_1185 = arith.muli %select_n3A_1167, %mul3A_1184 : i32
      %add3A_1186 = arith.addi %mul3A_1185, %mul3A_2 : i32
      %mul3A_1187 = arith.constant 8 : i32
      %mul3A_1188 = arith.muli %select_n3A_1183, %mul3A_1187 : i32
      %add3A_1189 = arith.addi %add3A_1186, %mul3A_1188 : i32
      %dma_start3A_1190 = arith.constant 8 : i32
      %dma_start3A_1191 = arith.constant 0 : i32
      %dma_start3A_1192 = arith.constant 0 : i32
      %dma_start3A_1193 = tpu.memref_slice %arg6[%dma_start3A_1190, %dma_start3A_1191, %dma_start3A_1192] : memref<10x8x1024xf32, #tpu.memory_space<vmem>> -> memref<1x8x1024xf32, #tpu.memory_space<vmem>>
      %dma_start3A_1194 = tpu.memref_squeeze %dma_start3A_1193 : memref<1x8x1024xf32, #tpu.memory_space<vmem>> -> memref<8x1024xf32, #tpu.memory_space<vmem>>
      %dma_start3A_1195 = arith.constant 0 : i32
      %dma_start3A_1196 = tpu.memref_slice %arg4[%add3A_1189, %dma_start3A_1195] : memref<51200x1024xf32, #tpu.memory_space<hbm>> -> memref<8x1024xf32, #tpu.memory_space<hbm>>
      %dma_start3A_1197 = arith.constant 0 : i32
      %dma_start3A_1198 = tpu.memref_slice %arg4[%add3A_1189, %dma_start3A_1197] : memref<51200x1024xf32, #tpu.memory_space<hbm>> -> memref<8x1024xf32, #tpu.memory_space<hbm>>
      %dma_start3A_1199 = arith.constant 0 : i32
      %dma_start3A_1200 = arith.constant 0 : i32
      %dma_start3A_1201 = tpu.memref_slice %arg6[%dma_start3A_1190, %dma_start3A_1199, %dma_start3A_1200] : memref<10x8x1024xf32, #tpu.memory_space<vmem>> -> memref<1x8x1024xf32, #tpu.memory_space<vmem>>
      %dma_start3A_1202 = tpu.memref_squeeze %dma_start3A_1201 : memref<1x8x1024xf32, #tpu.memory_space<vmem>> -> memref<8x1024xf32, #tpu.memory_space<vmem>>
      tpu.enqueue_dma source(%dma_start3A_1202 : memref<8x1024xf32, #tpu.memory_space<vmem>>) target(%dma_start3A_1198 : memref<8x1024xf32, #tpu.memory_space<hbm>>) target_semaphore(%arg25 : memref<!tpu.dma_semaphore, #tpu.memory_space<semaphore_mem>>)
      %mul3A_1203 = arith.constant 10 : i32
      %mul3A_1204 = arith.muli %scan3A_546, %mul3A_1203 : i32
      %add3A_1205 = arith.constant 9 : i32
      %add3A_1206 = arith.addi %mul3A_1204, %add3A_1205 : i32
      %mul3A_1207 = arith.constant 8 : i32
      %mul3A_1208 = arith.muli %add3A_1206, %mul3A_1207 : i32
      %dma_wait3A_1209 = arith.constant 9 : i32
      %dma_wait3A_1210 = arith.constant 0 : i32
      %dma_wait3A_1211 = arith.constant 0 : i32
      %dma_wait3A_1212 = tpu.memref_slice %arg6[%dma_wait3A_1209, %dma_wait3A_1210, %dma_wait3A_1211] : memref<10x8x1024xf32, #tpu.memory_space<vmem>> -> memref<1x8x1024xf32, #tpu.memory_space<vmem>>
      %dma_wait3A_1213 = tpu.memref_squeeze %dma_wait3A_1212 : memref<1x8x1024xf32, #tpu.memory_space<vmem>> -> memref<8x1024xf32, #tpu.memory_space<vmem>>
      %dma_wait3A_1214 = tpu.memref_slice %arg5[%mul3A_1208] : memref<1600xi32, #tpu.memory_space<vmem>> -> memref<8xi32, #tpu.memory_space<vmem>>
      %dma_wait3A_1215 = arith.constant 0 : i32
      %dma_wait3A_1216 = arith.constant 0 : i32
      %dma_wait3A_1217 = tpu.memref_slice %arg3[%dma_wait3A_1215, %dma_wait3A_1216] : memref<50000x1024xf32, #tpu.memory_space<hbm>> -> memref<50000x1024xf32, #tpu.memory_space<hbm>>
      tpu.wait_indirect_dma semaphore(%arg16 : memref<!tpu.dma_semaphore, #tpu.memory_space<semaphore_mem>>) src(%dma_wait3A_1217 : memref<50000x1024xf32, #tpu.memory_space<hbm>>) dst(%dma_wait3A_1213 : memref<8x1024xf32, #tpu.memory_space<vmem>>)
      %jit3A_1218 = arith.constant 4 : i32
      %div3A_1219 = arith.divsi %add3A_1206, %jit3A_1218 : i32
      %sign3A_1220 = arith.constant 0 : i32
      %sign3A_1221 = arith.cmpi sgt, %add3A_1206, %sign3A_1220 : i32
      %sign3A_1222 = arith.extui %sign3A_1221 : i1 to i32
      %sign3A_1223 = arith.constant 0 : i32
      %sign3A_1224 = arith.cmpi slt, %add3A_1206, %sign3A_1223 : i32
      %sign3A_1225 = arith.extui %sign3A_1224 : i1 to i32
      %sign3A_1226 = arith.subi %sign3A_1222, %sign3A_1225 : i32
      %sign3A_1227 = arith.constant 0 : i32
      %sign3A_1228 = arith.cmpi sgt, %jit3A_1218, %sign3A_1227 : i32
      %sign3A_1229 = arith.extui %sign3A_1228 : i1 to i32
      %sign3A_1230 = arith.constant 0 : i32
      %sign3A_1231 = arith.cmpi slt, %jit3A_1218, %sign3A_1230 : i32
      %sign3A_1232 = arith.extui %sign3A_1231 : i1 to i32
      %sign3A_1233 = arith.subi %sign3A_1229, %sign3A_1232 : i32
      %ne3A_1234 = arith.cmpi ne, %sign3A_1226, %sign3A_1233 : i32
      %rem3A_1235 = arith.remsi %add3A_1206, %jit3A_1218 : i32
      %ne3A_1236 = arith.constant 0 : i32
      %ne3A_1237 = arith.cmpi ne, %rem3A_1235, %ne3A_1236 : i32
      %and3A_1238 = arith.andi %ne3A_1234, %ne3A_1237 : i1
      %sub3A_1239 = arith.constant 1 : i32
      %sub3A_1240 = arith.subi %div3A_1219, %sub3A_1239 : i32
      %select_n3A_1241 = arith.select %and3A_1238, %sub3A_1240, %div3A_1219 : i32
      %jit3A_1242 = arith.constant 4 : i32
      %eq3A_1243 = arith.constant 0 : i32
      %eq3A_1244 = arith.cmpi eq, %jit3A_1242, %eq3A_1243 : i32
      %jit3A_1245 = arith.constant 1 : i32
      %select_n3A_1246 = arith.select %eq3A_1244, %jit3A_1245, %jit3A_1242 : i32
      %rem3A_1247 = arith.remsi %add3A_1206, %select_n3A_1246 : i32
      %ne3A_1248 = arith.constant 0 : i32
      %ne3A_1249 = arith.cmpi ne, %rem3A_1247, %ne3A_1248 : i32
      %lt3A_1250 = arith.constant 0 : i32
      %lt3A_1251 = arith.cmpi slt, %rem3A_1247, %lt3A_1250 : i32
      %lt3A_1252 = arith.constant 0 : i32
      %lt3A_1253 = arith.cmpi slt, %select_n3A_1246, %lt3A_1252 : i32
      %ne3A_1254 = arith.xori %lt3A_1251, %lt3A_1253 : i1
      %and3A_1255 = arith.andi %ne3A_1254, %ne3A_1249 : i1
      %add3A_1256 = arith.addi %rem3A_1247, %select_n3A_1246 : i32
      %select_n3A_1257 = arith.select %and3A_1255, %add3A_1256, %rem3A_1247 : i32
      %mul3A_1258 = arith.constant 1024 : i32
      %mul3A_1259 = arith.muli %select_n3A_1241, %mul3A_1258 : i32
      %add3A_1260 = arith.addi %mul3A_1259, %mul3A_2 : i32
      %mul3A_1261 = arith.constant 8 : i32
      %mul3A_1262 = arith.muli %select_n3A_1257, %mul3A_1261 : i32
      %add3A_1263 = arith.addi %add3A_1260, %mul3A_1262 : i32
      %dma_start3A_1264 = arith.constant 9 : i32
      %dma_start3A_1265 = arith.constant 0 : i32
      %dma_start3A_1266 = arith.constant 0 : i32
      %dma_start3A_1267 = tpu.memref_slice %arg6[%dma_start3A_1264, %dma_start3A_1265, %dma_start3A_1266] : memref<10x8x1024xf32, #tpu.memory_space<vmem>> -> memref<1x8x1024xf32, #tpu.memory_space<vmem>>
      %dma_start3A_1268 = tpu.memref_squeeze %dma_start3A_1267 : memref<1x8x1024xf32, #tpu.memory_space<vmem>> -> memref<8x1024xf32, #tpu.memory_space<vmem>>
      %dma_start3A_1269 = arith.constant 0 : i32
      %dma_start3A_1270 = tpu.memref_slice %arg4[%add3A_1263, %dma_start3A_1269] : memref<51200x1024xf32, #tpu.memory_space<hbm>> -> memref<8x1024xf32, #tpu.memory_space<hbm>>
      %dma_start3A_1271 = arith.constant 0 : i32
      %dma_start3A_1272 = tpu.memref_slice %arg4[%add3A_1263, %dma_start3A_1271] : memref<51200x1024xf32, #tpu.memory_space<hbm>> -> memref<8x1024xf32, #tpu.memory_space<hbm>>
      %dma_start3A_1273 = arith.constant 0 : i32
      %dma_start3A_1274 = arith.constant 0 : i32
      %dma_start3A_1275 = tpu.memref_slice %arg6[%dma_start3A_1264, %dma_start3A_1273, %dma_start3A_1274] : memref<10x8x1024xf32, #tpu.memory_space<vmem>> -> memref<1x8x1024xf32, #tpu.memory_space<vmem>>
      %dma_start3A_1276 = tpu.memref_squeeze %dma_start3A_1275 : memref<1x8x1024xf32, #tpu.memory_space<vmem>> -> memref<8x1024xf32, #tpu.memory_space<vmem>>
      tpu.enqueue_dma source(%dma_start3A_1276 : memref<8x1024xf32, #tpu.memory_space<vmem>>) target(%dma_start3A_1272 : memref<8x1024xf32, #tpu.memory_space<hbm>>) target_semaphore(%arg26 : memref<!tpu.dma_semaphore, #tpu.memory_space<semaphore_mem>>)
      %mul3A_1277 = arith.constant 10 : i32
      %mul3A_1278 = arith.muli %scan3A_546, %mul3A_1277 : i32
      %add3A_1279 = arith.constant 0 : i32
      %add3A_1280 = arith.addi %mul3A_1278, %add3A_1279 : i32
      %jit3A_1281 = arith.constant 4 : i32
      %div3A_1282 = arith.divsi %add3A_1280, %jit3A_1281 : i32
      %sign3A_1283 = arith.constant 0 : i32
      %sign3A_1284 = arith.cmpi sgt, %add3A_1280, %sign3A_1283 : i32
      %sign3A_1285 = arith.extui %sign3A_1284 : i1 to i32
      %sign3A_1286 = arith.constant 0 : i32
      %sign3A_1287 = arith.cmpi slt, %add3A_1280, %sign3A_1286 : i32
      %sign3A_1288 = arith.extui %sign3A_1287 : i1 to i32
      %sign3A_1289 = arith.subi %sign3A_1285, %sign3A_1288 : i32
      %sign3A_1290 = arith.constant 0 : i32
      %sign3A_1291 = arith.cmpi sgt, %jit3A_1281, %sign3A_1290 : i32
      %sign3A_1292 = arith.extui %sign3A_1291 : i1 to i32
      %sign3A_1293 = arith.constant 0 : i32
      %sign3A_1294 = arith.cmpi slt, %jit3A_1281, %sign3A_1293 : i32
      %sign3A_1295 = arith.extui %sign3A_1294 : i1 to i32
      %sign3A_1296 = arith.subi %sign3A_1292, %sign3A_1295 : i32
      %ne3A_1297 = arith.cmpi ne, %sign3A_1289, %sign3A_1296 : i32
      %rem3A_1298 = arith.remsi %add3A_1280, %jit3A_1281 : i32
      %ne3A_1299 = arith.constant 0 : i32
      %ne3A_1300 = arith.cmpi ne, %rem3A_1298, %ne3A_1299 : i32
      %and3A_1301 = arith.andi %ne3A_1297, %ne3A_1300 : i1
      %sub3A_1302 = arith.constant 1 : i32
      %sub3A_1303 = arith.subi %div3A_1282, %sub3A_1302 : i32
      %select_n3A_1304 = arith.select %and3A_1301, %sub3A_1303, %div3A_1282 : i32
      %jit3A_1305 = arith.constant 4 : i32
      %eq3A_1306 = arith.constant 0 : i32
      %eq3A_1307 = arith.cmpi eq, %jit3A_1305, %eq3A_1306 : i32
      %jit3A_1308 = arith.constant 1 : i32
      %select_n3A_1309 = arith.select %eq3A_1307, %jit3A_1308, %jit3A_1305 : i32
      %rem3A_1310 = arith.remsi %add3A_1280, %select_n3A_1309 : i32
      %ne3A_1311 = arith.constant 0 : i32
      %ne3A_1312 = arith.cmpi ne, %rem3A_1310, %ne3A_1311 : i32
      %lt3A_1313 = arith.constant 0 : i32
      %lt3A_1314 = arith.cmpi slt, %rem3A_1310, %lt3A_1313 : i32
      %lt3A_1315 = arith.constant 0 : i32
      %lt3A_1316 = arith.cmpi slt, %select_n3A_1309, %lt3A_1315 : i32
      %ne3A_1317 = arith.xori %lt3A_1314, %lt3A_1316 : i1
      %and3A_1318 = arith.andi %ne3A_1317, %ne3A_1312 : i1
      %add3A_1319 = arith.addi %rem3A_1310, %select_n3A_1309 : i32
      %select_n3A_1320 = arith.select %and3A_1318, %add3A_1319, %rem3A_1310 : i32
      %mul3A_1321 = arith.constant 1024 : i32
      %mul3A_1322 = arith.muli %select_n3A_1304, %mul3A_1321 : i32
      %add3A_1323 = arith.addi %mul3A_1322, %mul3A_2 : i32
      %mul3A_1324 = arith.constant 8 : i32
      %mul3A_1325 = arith.muli %select_n3A_1320, %mul3A_1324 : i32
      %add3A_1326 = arith.addi %add3A_1323, %mul3A_1325 : i32
      %dma_wait3A_1327 = arith.constant 0 : i32
      %dma_wait3A_1328 = arith.constant 0 : i32
      %dma_wait3A_1329 = arith.constant 0 : i32
      %dma_wait3A_1330 = tpu.memref_slice %arg6[%dma_wait3A_1327, %dma_wait3A_1328, %dma_wait3A_1329] : memref<10x8x1024xf32, #tpu.memory_space<vmem>> -> memref<1x8x1024xf32, #tpu.memory_space<vmem>>
      %dma_wait3A_1331 = tpu.memref_squeeze %dma_wait3A_1330 : memref<1x8x1024xf32, #tpu.memory_space<vmem>> -> memref<8x1024xf32, #tpu.memory_space<vmem>>
      %dma_wait3A_1332 = arith.constant 0 : i32
      %dma_wait3A_1333 = tpu.memref_slice %arg4[%add3A_1326, %dma_wait3A_1332] : memref<51200x1024xf32, #tpu.memory_space<hbm>> -> memref<8x1024xf32, #tpu.memory_space<hbm>>
      %dma_wait3A_1334 = arith.constant 0 : i32
      %dma_wait3A_1335 = tpu.memref_slice %arg4[%add3A_1326, %dma_wait3A_1334] : memref<51200x1024xf32, #tpu.memory_space<hbm>> -> memref<8x1024xf32, #tpu.memory_space<hbm>>
      %dma_wait3A_1336 = arith.constant 0 : i32
      %dma_wait3A_1337 = arith.constant 0 : i32
      %dma_wait3A_1338 = tpu.memref_slice %arg6[%dma_wait3A_1327, %dma_wait3A_1336, %dma_wait3A_1337] : memref<10x8x1024xf32, #tpu.memory_space<vmem>> -> memref<1x8x1024xf32, #tpu.memory_space<vmem>>
      %dma_wait3A_1339 = tpu.memref_squeeze %dma_wait3A_1338 : memref<1x8x1024xf32, #tpu.memory_space<vmem>> -> memref<8x1024xf32, #tpu.memory_space<vmem>>
      tpu.wait_dma2 semaphore(%arg17 : memref<!tpu.dma_semaphore, #tpu.memory_space<semaphore_mem>>) src(%dma_wait3A_1339 : memref<8x1024xf32, #tpu.memory_space<vmem>>) dst(%dma_wait3A_1335 : memref<8x1024xf32, #tpu.memory_space<hbm>>)
      %add3A_1340 = arith.constant 10 : i32
      %add3A_1341 = arith.addi %add3A_1280, %add3A_1340 : i32
      %mul3A_1342 = arith.constant 8 : i32
      %mul3A_1343 = arith.muli %add3A_1341, %mul3A_1342 : i32
      %dma_start3A_1344 = arith.constant 0 : i32
      %dma_start3A_1345 = arith.constant 0 : i32
      %dma_start3A_1346 = arith.constant 0 : i32
      %dma_start3A_1347 = tpu.memref_slice %arg6[%dma_start3A_1344, %dma_start3A_1345, %dma_start3A_1346] : memref<10x8x1024xf32, #tpu.memory_space<vmem>> -> memref<1x8x1024xf32, #tpu.memory_space<vmem>>
      %dma_start3A_1348 = tpu.memref_squeeze %dma_start3A_1347 : memref<1x8x1024xf32, #tpu.memory_space<vmem>> -> memref<8x1024xf32, #tpu.memory_space<vmem>>
      %dma_start3A_1349 = tpu.memref_slice %arg5[%mul3A_1343] : memref<1600xi32, #tpu.memory_space<vmem>> -> memref<8xi32, #tpu.memory_space<vmem>>
      %dma_start3A_1350 = arith.constant 0 : i32
      %dma_start3A_1351 = arith.constant 0 : i32
      %dma_start3A_1352 = tpu.memref_slice %arg3[%dma_start3A_1350, %dma_start3A_1351] : memref<50000x1024xf32, #tpu.memory_space<hbm>> -> memref<50000x1024xf32, #tpu.memory_space<hbm>>
      tpu.enqueue_indirect_dma source(%dma_start3A_1352 : memref<50000x1024xf32, #tpu.memory_space<hbm>>) target(%dma_start3A_1348 : memref<8x1024xf32, #tpu.memory_space<vmem>>) offsets(%dma_start3A_1349 : memref<8xi32, #tpu.memory_space<vmem>>) semaphore(%arg7 : memref<!tpu.dma_semaphore, #tpu.memory_space<semaphore_mem>>)
      %mul3A_1353 = arith.constant 10 : i32
      %mul3A_1354 = arith.muli %scan3A_546, %mul3A_1353 : i32
      %add3A_1355 = arith.constant 1 : i32
      %add3A_1356 = arith.addi %mul3A_1354, %add3A_1355 : i32
      %jit3A_1357 = arith.constant 4 : i32
      %div3A_1358 = arith.divsi %add3A_1356, %jit3A_1357 : i32
      %sign3A_1359 = arith.constant 0 : i32
      %sign3A_1360 = arith.cmpi sgt, %add3A_1356, %sign3A_1359 : i32
      %sign3A_1361 = arith.extui %sign3A_1360 : i1 to i32
      %sign3A_1362 = arith.constant 0 : i32
      %sign3A_1363 = arith.cmpi slt, %add3A_1356, %sign3A_1362 : i32
      %sign3A_1364 = arith.extui %sign3A_1363 : i1 to i32
      %sign3A_1365 = arith.subi %sign3A_1361, %sign3A_1364 : i32
      %sign3A_1366 = arith.constant 0 : i32
      %sign3A_1367 = arith.cmpi sgt, %jit3A_1357, %sign3A_1366 : i32
      %sign3A_1368 = arith.extui %sign3A_1367 : i1 to i32
      %sign3A_1369 = arith.constant 0 : i32
      %sign3A_1370 = arith.cmpi slt, %jit3A_1357, %sign3A_1369 : i32
      %sign3A_1371 = arith.extui %sign3A_1370 : i1 to i32
      %sign3A_1372 = arith.subi %sign3A_1368, %sign3A_1371 : i32
      %ne3A_1373 = arith.cmpi ne, %sign3A_1365, %sign3A_1372 : i32
      %rem3A_1374 = arith.remsi %add3A_1356, %jit3A_1357 : i32
      %ne3A_1375 = arith.constant 0 : i32
      %ne3A_1376 = arith.cmpi ne, %rem3A_1374, %ne3A_1375 : i32
      %and3A_1377 = arith.andi %ne3A_1373, %ne3A_1376 : i1
      %sub3A_1378 = arith.constant 1 : i32
      %sub3A_1379 = arith.subi %div3A_1358, %sub3A_1378 : i32
      %select_n3A_1380 = arith.select %and3A_1377, %sub3A_1379, %div3A_1358 : i32
      %jit3A_1381 = arith.constant 4 : i32
      %eq3A_1382 = arith.constant 0 : i32
      %eq3A_1383 = arith.cmpi eq, %jit3A_1381, %eq3A_1382 : i32
      %jit3A_1384 = arith.constant 1 : i32
      %select_n3A_1385 = arith.select %eq3A_1383, %jit3A_1384, %jit3A_1381 : i32
      %rem3A_1386 = arith.remsi %add3A_1356, %select_n3A_1385 : i32
      %ne3A_1387 = arith.constant 0 : i32
      %ne3A_1388 = arith.cmpi ne, %rem3A_1386, %ne3A_1387 : i32
      %lt3A_1389 = arith.constant 0 : i32
      %lt3A_1390 = arith.cmpi slt, %rem3A_1386, %lt3A_1389 : i32
      %lt3A_1391 = arith.constant 0 : i32
      %lt3A_1392 = arith.cmpi slt, %select_n3A_1385, %lt3A_1391 : i32
      %ne3A_1393 = arith.xori %lt3A_1390, %lt3A_1392 : i1
      %and3A_1394 = arith.andi %ne3A_1393, %ne3A_1388 : i1
      %add3A_1395 = arith.addi %rem3A_1386, %select_n3A_1385 : i32
      %select_n3A_1396 = arith.select %and3A_1394, %add3A_1395, %rem3A_1386 : i32
      %mul3A_1397 = arith.constant 1024 : i32
      %mul3A_1398 = arith.muli %select_n3A_1380, %mul3A_1397 : i32
      %add3A_1399 = arith.addi %mul3A_1398, %mul3A_2 : i32
      %mul3A_1400 = arith.constant 8 : i32
      %mul3A_1401 = arith.muli %select_n3A_1396, %mul3A_1400 : i32
      %add3A_1402 = arith.addi %add3A_1399, %mul3A_1401 : i32
      %dma_wait3A_1403 = arith.constant 1 : i32
      %dma_wait3A_1404 = arith.constant 0 : i32
      %dma_wait3A_1405 = arith.constant 0 : i32
      %dma_wait3A_1406 = tpu.memref_slice %arg6[%dma_wait3A_1403, %dma_wait3A_1404, %dma_wait3A_1405] : memref<10x8x1024xf32, #tpu.memory_space<vmem>> -> memref<1x8x1024xf32, #tpu.memory_space<vmem>>
      %dma_wait3A_1407 = tpu.memref_squeeze %dma_wait3A_1406 : memref<1x8x1024xf32, #tpu.memory_space<vmem>> -> memref<8x1024xf32, #tpu.memory_space<vmem>>
      %dma_wait3A_1408 = arith.constant 0 : i32
      %dma_wait3A_1409 = tpu.memref_slice %arg4[%add3A_1402, %dma_wait3A_1408] : memref<51200x1024xf32, #tpu.memory_space<hbm>> -> memref<8x1024xf32, #tpu.memory_space<hbm>>
      %dma_wait3A_1410 = arith.constant 0 : i32
      %dma_wait3A_1411 = tpu.memref_slice %arg4[%add3A_1402, %dma_wait3A_1410] : memref<51200x1024xf32, #tpu.memory_space<hbm>> -> memref<8x1024xf32, #tpu.memory_space<hbm>>
      %dma_wait3A_1412 = arith.constant 0 : i32
      %dma_wait3A_1413 = arith.constant 0 : i32
      %dma_wait3A_1414 = tpu.memref_slice %arg6[%dma_wait3A_1403, %dma_wait3A_1412, %dma_wait3A_1413] : memref<10x8x1024xf32, #tpu.memory_space<vmem>> -> memref<1x8x1024xf32, #tpu.memory_space<vmem>>
      %dma_wait3A_1415 = tpu.memref_squeeze %dma_wait3A_1414 : memref<1x8x1024xf32, #tpu.memory_space<vmem>> -> memref<8x1024xf32, #tpu.memory_space<vmem>>
      tpu.wait_dma2 semaphore(%arg18 : memref<!tpu.dma_semaphore, #tpu.memory_space<semaphore_mem>>) src(%dma_wait3A_1415 : memref<8x1024xf32, #tpu.memory_space<vmem>>) dst(%dma_wait3A_1411 : memref<8x1024xf32, #tpu.memory_space<hbm>>)
      %add3A_1416 = arith.constant 10 : i32
      %add3A_1417 = arith.addi %add3A_1356, %add3A_1416 : i32
      %mul3A_1418 = arith.constant 8 : i32
      %mul3A_1419 = arith.muli %add3A_1417, %mul3A_1418 : i32
      %dma_start3A_1420 = arith.constant 1 : i32
      %dma_start3A_1421 = arith.constant 0 : i32
      %dma_start3A_1422 = arith.constant 0 : i32
      %dma_start3A_1423 = tpu.memref_slice %arg6[%dma_start3A_1420, %dma_start3A_1421, %dma_start3A_1422] : memref<10x8x1024xf32, #tpu.memory_space<vmem>> -> memref<1x8x1024xf32, #tpu.memory_space<vmem>>
      %dma_start3A_1424 = tpu.memref_squeeze %dma_start3A_1423 : memref<1x8x1024xf32, #tpu.memory_space<vmem>> -> memref<8x1024xf32, #tpu.memory_space<vmem>>
      %dma_start3A_1425 = tpu.memref_slice %arg5[%mul3A_1419] : memref<1600xi32, #tpu.memory_space<vmem>> -> memref<8xi32, #tpu.memory_space<vmem>>
      %dma_start3A_1426 = arith.constant 0 : i32
      %dma_start3A_1427 = arith.constant 0 : i32
      %dma_start3A_1428 = tpu.memref_slice %arg3[%dma_start3A_1426, %dma_start3A_1427] : memref<50000x1024xf32, #tpu.memory_space<hbm>> -> memref<50000x1024xf32, #tpu.memory_space<hbm>>
      tpu.enqueue_indirect_dma source(%dma_start3A_1428 : memref<50000x1024xf32, #tpu.memory_space<hbm>>) target(%dma_start3A_1424 : memref<8x1024xf32, #tpu.memory_space<vmem>>) offsets(%dma_start3A_1425 : memref<8xi32, #tpu.memory_space<vmem>>) semaphore(%arg8 : memref<!tpu.dma_semaphore, #tpu.memory_space<semaphore_mem>>)
      %mul3A_1429 = arith.constant 10 : i32
      %mul3A_1430 = arith.muli %scan3A_546, %mul3A_1429 : i32
      %add3A_1431 = arith.constant 2 : i32
      %add3A_1432 = arith.addi %mul3A_1430, %add3A_1431 : i32
      %jit3A_1433 = arith.constant 4 : i32
      %div3A_1434 = arith.divsi %add3A_1432, %jit3A_1433 : i32
      %sign3A_1435 = arith.constant 0 : i32
      %sign3A_1436 = arith.cmpi sgt, %add3A_1432, %sign3A_1435 : i32
      %sign3A_1437 = arith.extui %sign3A_1436 : i1 to i32
      %sign3A_1438 = arith.constant 0 : i32
      %sign3A_1439 = arith.cmpi slt, %add3A_1432, %sign3A_1438 : i32
      %sign3A_1440 = arith.extui %sign3A_1439 : i1 to i32
      %sign3A_1441 = arith.subi %sign3A_1437, %sign3A_1440 : i32
      %sign3A_1442 = arith.constant 0 : i32
      %sign3A_1443 = arith.cmpi sgt, %jit3A_1433, %sign3A_1442 : i32
      %sign3A_1444 = arith.extui %sign3A_1443 : i1 to i32
      %sign3A_1445 = arith.constant 0 : i32
      %sign3A_1446 = arith.cmpi slt, %jit3A_1433, %sign3A_1445 : i32
      %sign3A_1447 = arith.extui %sign3A_1446 : i1 to i32
      %sign3A_1448 = arith.subi %sign3A_1444, %sign3A_1447 : i32
      %ne3A_1449 = arith.cmpi ne, %sign3A_1441, %sign3A_1448 : i32
      %rem3A_1450 = arith.remsi %add3A_1432, %jit3A_1433 : i32
      %ne3A_1451 = arith.constant 0 : i32
      %ne3A_1452 = arith.cmpi ne, %rem3A_1450, %ne3A_1451 : i32
      %and3A_1453 = arith.andi %ne3A_1449, %ne3A_1452 : i1
      %sub3A_1454 = arith.constant 1 : i32
      %sub3A_1455 = arith.subi %div3A_1434, %sub3A_1454 : i32
      %select_n3A_1456 = arith.select %and3A_1453, %sub3A_1455, %div3A_1434 : i32
      %jit3A_1457 = arith.constant 4 : i32
      %eq3A_1458 = arith.constant 0 : i32
      %eq3A_1459 = arith.cmpi eq, %jit3A_1457, %eq3A_1458 : i32
      %jit3A_1460 = arith.constant 1 : i32
      %select_n3A_1461 = arith.select %eq3A_1459, %jit3A_1460, %jit3A_1457 : i32
      %rem3A_1462 = arith.remsi %add3A_1432, %select_n3A_1461 : i32
      %ne3A_1463 = arith.constant 0 : i32
      %ne3A_1464 = arith.cmpi ne, %rem3A_1462, %ne3A_1463 : i32
      %lt3A_1465 = arith.constant 0 : i32
      %lt3A_1466 = arith.cmpi slt, %rem3A_1462, %lt3A_1465 : i32
      %lt3A_1467 = arith.constant 0 : i32
      %lt3A_1468 = arith.cmpi slt, %select_n3A_1461, %lt3A_1467 : i32
      %ne3A_1469 = arith.xori %lt3A_1466, %lt3A_1468 : i1
      %and3A_1470 = arith.andi %ne3A_1469, %ne3A_1464 : i1
      %add3A_1471 = arith.addi %rem3A_1462, %select_n3A_1461 : i32
      %select_n3A_1472 = arith.select %and3A_1470, %add3A_1471, %rem3A_1462 : i32
      %mul3A_1473 = arith.constant 1024 : i32
      %mul3A_1474 = arith.muli %select_n3A_1456, %mul3A_1473 : i32
      %add3A_1475 = arith.addi %mul3A_1474, %mul3A_2 : i32
      %mul3A_1476 = arith.constant 8 : i32
      %mul3A_1477 = arith.muli %select_n3A_1472, %mul3A_1476 : i32
      %add3A_1478 = arith.addi %add3A_1475, %mul3A_1477 : i32
      %dma_wait3A_1479 = arith.constant 2 : i32
      %dma_wait3A_1480 = arith.constant 0 : i32
      %dma_wait3A_1481 = arith.constant 0 : i32
      %dma_wait3A_1482 = tpu.memref_slice %arg6[%dma_wait3A_1479, %dma_wait3A_1480, %dma_wait3A_1481] : memref<10x8x1024xf32, #tpu.memory_space<vmem>> -> memref<1x8x1024xf32, #tpu.memory_space<vmem>>
      %dma_wait3A_1483 = tpu.memref_squeeze %dma_wait3A_1482 : memref<1x8x1024xf32, #tpu.memory_space<vmem>> -> memref<8x1024xf32, #tpu.memory_space<vmem>>
      %dma_wait3A_1484 = arith.constant 0 : i32
      %dma_wait3A_1485 = tpu.memref_slice %arg4[%add3A_1478, %dma_wait3A_1484] : memref<51200x1024xf32, #tpu.memory_space<hbm>> -> memref<8x1024xf32, #tpu.memory_space<hbm>>
      %dma_wait3A_1486 = arith.constant 0 : i32
      %dma_wait3A_1487 = tpu.memref_slice %arg4[%add3A_1478, %dma_wait3A_1486] : memref<51200x1024xf32, #tpu.memory_space<hbm>> -> memref<8x1024xf32, #tpu.memory_space<hbm>>
      %dma_wait3A_1488 = arith.constant 0 : i32
      %dma_wait3A_1489 = arith.constant 0 : i32
      %dma_wait3A_1490 = tpu.memref_slice %arg6[%dma_wait3A_1479, %dma_wait3A_1488, %dma_wait3A_1489] : memref<10x8x1024xf32, #tpu.memory_space<vmem>> -> memref<1x8x1024xf32, #tpu.memory_space<vmem>>
      %dma_wait3A_1491 = tpu.memref_squeeze %dma_wait3A_1490 : memref<1x8x1024xf32, #tpu.memory_space<vmem>> -> memref<8x1024xf32, #tpu.memory_space<vmem>>
      tpu.wait_dma2 semaphore(%arg19 : memref<!tpu.dma_semaphore, #tpu.memory_space<semaphore_mem>>) src(%dma_wait3A_1491 : memref<8x1024xf32, #tpu.memory_space<vmem>>) dst(%dma_wait3A_1487 : memref<8x1024xf32, #tpu.memory_space<hbm>>)
      %add3A_1492 = arith.constant 10 : i32
      %add3A_1493 = arith.addi %add3A_1432, %add3A_1492 : i32
      %mul3A_1494 = arith.constant 8 : i32
      %mul3A_1495 = arith.muli %add3A_1493, %mul3A_1494 : i32
      %dma_start3A_1496 = arith.constant 2 : i32
      %dma_start3A_1497 = arith.constant 0 : i32
      %dma_start3A_1498 = arith.constant 0 : i32
      %dma_start3A_1499 = tpu.memref_slice %arg6[%dma_start3A_1496, %dma_start3A_1497, %dma_start3A_1498] : memref<10x8x1024xf32, #tpu.memory_space<vmem>> -> memref<1x8x1024xf32, #tpu.memory_space<vmem>>
      %dma_start3A_1500 = tpu.memref_squeeze %dma_start3A_1499 : memref<1x8x1024xf32, #tpu.memory_space<vmem>> -> memref<8x1024xf32, #tpu.memory_space<vmem>>
      %dma_start3A_1501 = tpu.memref_slice %arg5[%mul3A_1495] : memref<1600xi32, #tpu.memory_space<vmem>> -> memref<8xi32, #tpu.memory_space<vmem>>
      %dma_start3A_1502 = arith.constant 0 : i32
      %dma_start3A_1503 = arith.constant 0 : i32
      %dma_start3A_1504 = tpu.memref_slice %arg3[%dma_start3A_1502, %dma_start3A_1503] : memref<50000x1024xf32, #tpu.memory_space<hbm>> -> memref<50000x1024xf32, #tpu.memory_space<hbm>>
      tpu.enqueue_indirect_dma source(%dma_start3A_1504 : memref<50000x1024xf32, #tpu.memory_space<hbm>>) target(%dma_start3A_1500 : memref<8x1024xf32, #tpu.memory_space<vmem>>) offsets(%dma_start3A_1501 : memref<8xi32, #tpu.memory_space<vmem>>) semaphore(%arg9 : memref<!tpu.dma_semaphore, #tpu.memory_space<semaphore_mem>>)
      %mul3A_1505 = arith.constant 10 : i32
      %mul3A_1506 = arith.muli %scan3A_546, %mul3A_1505 : i32
      %add3A_1507 = arith.constant 3 : i32
      %add3A_1508 = arith.addi %mul3A_1506, %add3A_1507 : i32
      %jit3A_1509 = arith.constant 4 : i32
      %div3A_1510 = arith.divsi %add3A_1508, %jit3A_1509 : i32
      %sign3A_1511 = arith.constant 0 : i32
      %sign3A_1512 = arith.cmpi sgt, %add3A_1508, %sign3A_1511 : i32
      %sign3A_1513 = arith.extui %sign3A_1512 : i1 to i32
      %sign3A_1514 = arith.constant 0 : i32
      %sign3A_1515 = arith.cmpi slt, %add3A_1508, %sign3A_1514 : i32
      %sign3A_1516 = arith.extui %sign3A_1515 : i1 to i32
      %sign3A_1517 = arith.subi %sign3A_1513, %sign3A_1516 : i32
      %sign3A_1518 = arith.constant 0 : i32
      %sign3A_1519 = arith.cmpi sgt, %jit3A_1509, %sign3A_1518 : i32
      %sign3A_1520 = arith.extui %sign3A_1519 : i1 to i32
      %sign3A_1521 = arith.constant 0 : i32
      %sign3A_1522 = arith.cmpi slt, %jit3A_1509, %sign3A_1521 : i32
      %sign3A_1523 = arith.extui %sign3A_1522 : i1 to i32
      %sign3A_1524 = arith.subi %sign3A_1520, %sign3A_1523 : i32
      %ne3A_1525 = arith.cmpi ne, %sign3A_1517, %sign3A_1524 : i32
      %rem3A_1526 = arith.remsi %add3A_1508, %jit3A_1509 : i32
      %ne3A_1527 = arith.constant 0 : i32
      %ne3A_1528 = arith.cmpi ne, %rem3A_1526, %ne3A_1527 : i32
      %and3A_1529 = arith.andi %ne3A_1525, %ne3A_1528 : i1
      %sub3A_1530 = arith.constant 1 : i32
      %sub3A_1531 = arith.subi %div3A_1510, %sub3A_1530 : i32
      %select_n3A_1532 = arith.select %and3A_1529, %sub3A_1531, %div3A_1510 : i32
      %jit3A_1533 = arith.constant 4 : i32
      %eq3A_1534 = arith.constant 0 : i32
      %eq3A_1535 = arith.cmpi eq, %jit3A_1533, %eq3A_1534 : i32
      %jit3A_1536 = arith.constant 1 : i32
      %select_n3A_1537 = arith.select %eq3A_1535, %jit3A_1536, %jit3A_1533 : i32
      %rem3A_1538 = arith.remsi %add3A_1508, %select_n3A_1537 : i32
      %ne3A_1539 = arith.constant 0 : i32
      %ne3A_1540 = arith.cmpi ne, %rem3A_1538, %ne3A_1539 : i32
      %lt3A_1541 = arith.constant 0 : i32
      %lt3A_1542 = arith.cmpi slt, %rem3A_1538, %lt3A_1541 : i32
      %lt3A_1543 = arith.constant 0 : i32
      %lt3A_1544 = arith.cmpi slt, %select_n3A_1537, %lt3A_1543 : i32
      %ne3A_1545 = arith.xori %lt3A_1542, %lt3A_1544 : i1
      %and3A_1546 = arith.andi %ne3A_1545, %ne3A_1540 : i1
      %add3A_1547 = arith.addi %rem3A_1538, %select_n3A_1537 : i32
      %select_n3A_1548 = arith.select %and3A_1546, %add3A_1547, %rem3A_1538 : i32
      %mul3A_1549 = arith.constant 1024 : i32
      %mul3A_1550 = arith.muli %select_n3A_1532, %mul3A_1549 : i32
      %add3A_1551 = arith.addi %mul3A_1550, %mul3A_2 : i32
      %mul3A_1552 = arith.constant 8 : i32
      %mul3A_1553 = arith.muli %select_n3A_1548, %mul3A_1552 : i32
      %add3A_1554 = arith.addi %add3A_1551, %mul3A_1553 : i32
      %dma_wait3A_1555 = arith.constant 3 : i32
      %dma_wait3A_1556 = arith.constant 0 : i32
      %dma_wait3A_1557 = arith.constant 0 : i32
      %dma_wait3A_1558 = tpu.memref_slice %arg6[%dma_wait3A_1555, %dma_wait3A_1556, %dma_wait3A_1557] : memref<10x8x1024xf32, #tpu.memory_space<vmem>> -> memref<1x8x1024xf32, #tpu.memory_space<vmem>>
      %dma_wait3A_1559 = tpu.memref_squeeze %dma_wait3A_1558 : memref<1x8x1024xf32, #tpu.memory_space<vmem>> -> memref<8x1024xf32, #tpu.memory_space<vmem>>
      %dma_wait3A_1560 = arith.constant 0 : i32
      %dma_wait3A_1561 = tpu.memref_slice %arg4[%add3A_1554, %dma_wait3A_1560] : memref<51200x1024xf32, #tpu.memory_space<hbm>> -> memref<8x1024xf32, #tpu.memory_space<hbm>>
      %dma_wait3A_1562 = arith.constant 0 : i32
      %dma_wait3A_1563 = tpu.memref_slice %arg4[%add3A_1554, %dma_wait3A_1562] : memref<51200x1024xf32, #tpu.memory_space<hbm>> -> memref<8x1024xf32, #tpu.memory_space<hbm>>
      %dma_wait3A_1564 = arith.constant 0 : i32
      %dma_wait3A_1565 = arith.constant 0 : i32
      %dma_wait3A_1566 = tpu.memref_slice %arg6[%dma_wait3A_1555, %dma_wait3A_1564, %dma_wait3A_1565] : memref<10x8x1024xf32, #tpu.memory_space<vmem>> -> memref<1x8x1024xf32, #tpu.memory_space<vmem>>
      %dma_wait3A_1567 = tpu.memref_squeeze %dma_wait3A_1566 : memref<1x8x1024xf32, #tpu.memory_space<vmem>> -> memref<8x1024xf32, #tpu.memory_space<vmem>>
      tpu.wait_dma2 semaphore(%arg20 : memref<!tpu.dma_semaphore, #tpu.memory_space<semaphore_mem>>) src(%dma_wait3A_1567 : memref<8x1024xf32, #tpu.memory_space<vmem>>) dst(%dma_wait3A_1563 : memref<8x1024xf32, #tpu.memory_space<hbm>>)
      %add3A_1568 = arith.constant 10 : i32
      %add3A_1569 = arith.addi %add3A_1508, %add3A_1568 : i32
      %mul3A_1570 = arith.constant 8 : i32
      %mul3A_1571 = arith.muli %add3A_1569, %mul3A_1570 : i32
      %dma_start3A_1572 = arith.constant 3 : i32
      %dma_start3A_1573 = arith.constant 0 : i32
      %dma_start3A_1574 = arith.constant 0 : i32
      %dma_start3A_1575 = tpu.memref_slice %arg6[%dma_start3A_1572, %dma_start3A_1573, %dma_start3A_1574] : memref<10x8x1024xf32, #tpu.memory_space<vmem>> -> memref<1x8x1024xf32, #tpu.memory_space<vmem>>
      %dma_start3A_1576 = tpu.memref_squeeze %dma_start3A_1575 : memref<1x8x1024xf32, #tpu.memory_space<vmem>> -> memref<8x1024xf32, #tpu.memory_space<vmem>>
      %dma_start3A_1577 = tpu.memref_slice %arg5[%mul3A_1571] : memref<1600xi32, #tpu.memory_space<vmem>> -> memref<8xi32, #tpu.memory_space<vmem>>
      %dma_start3A_1578 = arith.constant 0 : i32
      %dma_start3A_1579 = arith.constant 0 : i32
      %dma_start3A_1580 = tpu.memref_slice %arg3[%dma_start3A_1578, %dma_start3A_1579] : memref<50000x1024xf32, #tpu.memory_space<hbm>> -> memref<50000x1024xf32, #tpu.memory_space<hbm>>
      tpu.enqueue_indirect_dma source(%dma_start3A_1580 : memref<50000x1024xf32, #tpu.memory_space<hbm>>) target(%dma_start3A_1576 : memref<8x1024xf32, #tpu.memory_space<vmem>>) offsets(%dma_start3A_1577 : memref<8xi32, #tpu.memory_space<vmem>>) semaphore(%arg10 : memref<!tpu.dma_semaphore, #tpu.memory_space<semaphore_mem>>)
      %mul3A_1581 = arith.constant 10 : i32
      %mul3A_1582 = arith.muli %scan3A_546, %mul3A_1581 : i32
      %add3A_1583 = arith.constant 4 : i32
      %add3A_1584 = arith.addi %mul3A_1582, %add3A_1583 : i32
      %jit3A_1585 = arith.constant 4 : i32
      %div3A_1586 = arith.divsi %add3A_1584, %jit3A_1585 : i32
      %sign3A_1587 = arith.constant 0 : i32
      %sign3A_1588 = arith.cmpi sgt, %add3A_1584, %sign3A_1587 : i32
      %sign3A_1589 = arith.extui %sign3A_1588 : i1 to i32
      %sign3A_1590 = arith.constant 0 : i32
      %sign3A_1591 = arith.cmpi slt, %add3A_1584, %sign3A_1590 : i32
      %sign3A_1592 = arith.extui %sign3A_1591 : i1 to i32
      %sign3A_1593 = arith.subi %sign3A_1589, %sign3A_1592 : i32
      %sign3A_1594 = arith.constant 0 : i32
      %sign3A_1595 = arith.cmpi sgt, %jit3A_1585, %sign3A_1594 : i32
      %sign3A_1596 = arith.extui %sign3A_1595 : i1 to i32
      %sign3A_1597 = arith.constant 0 : i32
      %sign3A_1598 = arith.cmpi slt, %jit3A_1585, %sign3A_1597 : i32
      %sign3A_1599 = arith.extui %sign3A_1598 : i1 to i32
      %sign3A_1600 = arith.subi %sign3A_1596, %sign3A_1599 : i32
      %ne3A_1601 = arith.cmpi ne, %sign3A_1593, %sign3A_1600 : i32
      %rem3A_1602 = arith.remsi %add3A_1584, %jit3A_1585 : i32
      %ne3A_1603 = arith.constant 0 : i32
      %ne3A_1604 = arith.cmpi ne, %rem3A_1602, %ne3A_1603 : i32
      %and3A_1605 = arith.andi %ne3A_1601, %ne3A_1604 : i1
      %sub3A_1606 = arith.constant 1 : i32
      %sub3A_1607 = arith.subi %div3A_1586, %sub3A_1606 : i32
      %select_n3A_1608 = arith.select %and3A_1605, %sub3A_1607, %div3A_1586 : i32
      %jit3A_1609 = arith.constant 4 : i32
      %eq3A_1610 = arith.constant 0 : i32
      %eq3A_1611 = arith.cmpi eq, %jit3A_1609, %eq3A_1610 : i32
      %jit3A_1612 = arith.constant 1 : i32
      %select_n3A_1613 = arith.select %eq3A_1611, %jit3A_1612, %jit3A_1609 : i32
      %rem3A_1614 = arith.remsi %add3A_1584, %select_n3A_1613 : i32
      %ne3A_1615 = arith.constant 0 : i32
      %ne3A_1616 = arith.cmpi ne, %rem3A_1614, %ne3A_1615 : i32
      %lt3A_1617 = arith.constant 0 : i32
      %lt3A_1618 = arith.cmpi slt, %rem3A_1614, %lt3A_1617 : i32
      %lt3A_1619 = arith.constant 0 : i32
      %lt3A_1620 = arith.cmpi slt, %select_n3A_1613, %lt3A_1619 : i32
      %ne3A_1621 = arith.xori %lt3A_1618, %lt3A_1620 : i1
      %and3A_1622 = arith.andi %ne3A_1621, %ne3A_1616 : i1
      %add3A_1623 = arith.addi %rem3A_1614, %select_n3A_1613 : i32
      %select_n3A_1624 = arith.select %and3A_1622, %add3A_1623, %rem3A_1614 : i32
      %mul3A_1625 = arith.constant 1024 : i32
      %mul3A_1626 = arith.muli %select_n3A_1608, %mul3A_1625 : i32
      %add3A_1627 = arith.addi %mul3A_1626, %mul3A_2 : i32
      %mul3A_1628 = arith.constant 8 : i32
      %mul3A_1629 = arith.muli %select_n3A_1624, %mul3A_1628 : i32
      %add3A_1630 = arith.addi %add3A_1627, %mul3A_1629 : i32
      %dma_wait3A_1631 = arith.constant 4 : i32
      %dma_wait3A_1632 = arith.constant 0 : i32
      %dma_wait3A_1633 = arith.constant 0 : i32
      %dma_wait3A_1634 = tpu.memref_slice %arg6[%dma_wait3A_1631, %dma_wait3A_1632, %dma_wait3A_1633] : memref<10x8x1024xf32, #tpu.memory_space<vmem>> -> memref<1x8x1024xf32, #tpu.memory_space<vmem>>
      %dma_wait3A_1635 = tpu.memref_squeeze %dma_wait3A_1634 : memref<1x8x1024xf32, #tpu.memory_space<vmem>> -> memref<8x1024xf32, #tpu.memory_space<vmem>>
      %dma_wait3A_1636 = arith.constant 0 : i32
      %dma_wait3A_1637 = tpu.memref_slice %arg4[%add3A_1630, %dma_wait3A_1636] : memref<51200x1024xf32, #tpu.memory_space<hbm>> -> memref<8x1024xf32, #tpu.memory_space<hbm>>
      %dma_wait3A_1638 = arith.constant 0 : i32
      %dma_wait3A_1639 = tpu.memref_slice %arg4[%add3A_1630, %dma_wait3A_1638] : memref<51200x1024xf32, #tpu.memory_space<hbm>> -> memref<8x1024xf32, #tpu.memory_space<hbm>>
      %dma_wait3A_1640 = arith.constant 0 : i32
      %dma_wait3A_1641 = arith.constant 0 : i32
      %dma_wait3A_1642 = tpu.memref_slice %arg6[%dma_wait3A_1631, %dma_wait3A_1640, %dma_wait3A_1641] : memref<10x8x1024xf32, #tpu.memory_space<vmem>> -> memref<1x8x1024xf32, #tpu.memory_space<vmem>>
      %dma_wait3A_1643 = tpu.memref_squeeze %dma_wait3A_1642 : memref<1x8x1024xf32, #tpu.memory_space<vmem>> -> memref<8x1024xf32, #tpu.memory_space<vmem>>
      tpu.wait_dma2 semaphore(%arg21 : memref<!tpu.dma_semaphore, #tpu.memory_space<semaphore_mem>>) src(%dma_wait3A_1643 : memref<8x1024xf32, #tpu.memory_space<vmem>>) dst(%dma_wait3A_1639 : memref<8x1024xf32, #tpu.memory_space<hbm>>)
      %add3A_1644 = arith.constant 10 : i32
      %add3A_1645 = arith.addi %add3A_1584, %add3A_1644 : i32
      %mul3A_1646 = arith.constant 8 : i32
      %mul3A_1647 = arith.muli %add3A_1645, %mul3A_1646 : i32
      %dma_start3A_1648 = arith.constant 4 : i32
      %dma_start3A_1649 = arith.constant 0 : i32
      %dma_start3A_1650 = arith.constant 0 : i32
      %dma_start3A_1651 = tpu.memref_slice %arg6[%dma_start3A_1648, %dma_start3A_1649, %dma_start3A_1650] : memref<10x8x1024xf32, #tpu.memory_space<vmem>> -> memref<1x8x1024xf32, #tpu.memory_space<vmem>>
      %dma_start3A_1652 = tpu.memref_squeeze %dma_start3A_1651 : memref<1x8x1024xf32, #tpu.memory_space<vmem>> -> memref<8x1024xf32, #tpu.memory_space<vmem>>
      %dma_start3A_1653 = tpu.memref_slice %arg5[%mul3A_1647] : memref<1600xi32, #tpu.memory_space<vmem>> -> memref<8xi32, #tpu.memory_space<vmem>>
      %dma_start3A_1654 = arith.constant 0 : i32
      %dma_start3A_1655 = arith.constant 0 : i32
      %dma_start3A_1656 = tpu.memref_slice %arg3[%dma_start3A_1654, %dma_start3A_1655] : memref<50000x1024xf32, #tpu.memory_space<hbm>> -> memref<50000x1024xf32, #tpu.memory_space<hbm>>
      tpu.enqueue_indirect_dma source(%dma_start3A_1656 : memref<50000x1024xf32, #tpu.memory_space<hbm>>) target(%dma_start3A_1652 : memref<8x1024xf32, #tpu.memory_space<vmem>>) offsets(%dma_start3A_1653 : memref<8xi32, #tpu.memory_space<vmem>>) semaphore(%arg11 : memref<!tpu.dma_semaphore, #tpu.memory_space<semaphore_mem>>)
      %mul3A_1657 = arith.constant 10 : i32
      %mul3A_1658 = arith.muli %scan3A_546, %mul3A_1657 : i32
      %add3A_1659 = arith.constant 5 : i32
      %add3A_1660 = arith.addi %mul3A_1658, %add3A_1659 : i32
      %jit3A_1661 = arith.constant 4 : i32
      %div3A_1662 = arith.divsi %add3A_1660, %jit3A_1661 : i32
      %sign3A_1663 = arith.constant 0 : i32
      %sign3A_1664 = arith.cmpi sgt, %add3A_1660, %sign3A_1663 : i32
      %sign3A_1665 = arith.extui %sign3A_1664 : i1 to i32
      %sign3A_1666 = arith.constant 0 : i32
      %sign3A_1667 = arith.cmpi slt, %add3A_1660, %sign3A_1666 : i32
      %sign3A_1668 = arith.extui %sign3A_1667 : i1 to i32
      %sign3A_1669 = arith.subi %sign3A_1665, %sign3A_1668 : i32
      %sign3A_1670 = arith.constant 0 : i32
      %sign3A_1671 = arith.cmpi sgt, %jit3A_1661, %sign3A_1670 : i32
      %sign3A_1672 = arith.extui %sign3A_1671 : i1 to i32
      %sign3A_1673 = arith.constant 0 : i32
      %sign3A_1674 = arith.cmpi slt, %jit3A_1661, %sign3A_1673 : i32
      %sign3A_1675 = arith.extui %sign3A_1674 : i1 to i32
      %sign3A_1676 = arith.subi %sign3A_1672, %sign3A_1675 : i32
      %ne3A_1677 = arith.cmpi ne, %sign3A_1669, %sign3A_1676 : i32
      %rem3A_1678 = arith.remsi %add3A_1660, %jit3A_1661 : i32
      %ne3A_1679 = arith.constant 0 : i32
      %ne3A_1680 = arith.cmpi ne, %rem3A_1678, %ne3A_1679 : i32
      %and3A_1681 = arith.andi %ne3A_1677, %ne3A_1680 : i1
      %sub3A_1682 = arith.constant 1 : i32
      %sub3A_1683 = arith.subi %div3A_1662, %sub3A_1682 : i32
      %select_n3A_1684 = arith.select %and3A_1681, %sub3A_1683, %div3A_1662 : i32
      %jit3A_1685 = arith.constant 4 : i32
      %eq3A_1686 = arith.constant 0 : i32
      %eq3A_1687 = arith.cmpi eq, %jit3A_1685, %eq3A_1686 : i32
      %jit3A_1688 = arith.constant 1 : i32
      %select_n3A_1689 = arith.select %eq3A_1687, %jit3A_1688, %jit3A_1685 : i32
      %rem3A_1690 = arith.remsi %add3A_1660, %select_n3A_1689 : i32
      %ne3A_1691 = arith.constant 0 : i32
      %ne3A_1692 = arith.cmpi ne, %rem3A_1690, %ne3A_1691 : i32
      %lt3A_1693 = arith.constant 0 : i32
      %lt3A_1694 = arith.cmpi slt, %rem3A_1690, %lt3A_1693 : i32
      %lt3A_1695 = arith.constant 0 : i32
      %lt3A_1696 = arith.cmpi slt, %select_n3A_1689, %lt3A_1695 : i32
      %ne3A_1697 = arith.xori %lt3A_1694, %lt3A_1696 : i1
      %and3A_1698 = arith.andi %ne3A_1697, %ne3A_1692 : i1
      %add3A_1699 = arith.addi %rem3A_1690, %select_n3A_1689 : i32
      %select_n3A_1700 = arith.select %and3A_1698, %add3A_1699, %rem3A_1690 : i32
      %mul3A_1701 = arith.constant 1024 : i32
      %mul3A_1702 = arith.muli %select_n3A_1684, %mul3A_1701 : i32
      %add3A_1703 = arith.addi %mul3A_1702, %mul3A_2 : i32
      %mul3A_1704 = arith.constant 8 : i32
      %mul3A_1705 = arith.muli %select_n3A_1700, %mul3A_1704 : i32
      %add3A_1706 = arith.addi %add3A_1703, %mul3A_1705 : i32
      %dma_wait3A_1707 = arith.constant 5 : i32
      %dma_wait3A_1708 = arith.constant 0 : i32
      %dma_wait3A_1709 = arith.constant 0 : i32
      %dma_wait3A_1710 = tpu.memref_slice %arg6[%dma_wait3A_1707, %dma_wait3A_1708, %dma_wait3A_1709] : memref<10x8x1024xf32, #tpu.memory_space<vmem>> -> memref<1x8x1024xf32, #tpu.memory_space<vmem>>
      %dma_wait3A_1711 = tpu.memref_squeeze %dma_wait3A_1710 : memref<1x8x1024xf32, #tpu.memory_space<vmem>> -> memref<8x1024xf32, #tpu.memory_space<vmem>>
      %dma_wait3A_1712 = arith.constant 0 : i32
      %dma_wait3A_1713 = tpu.memref_slice %arg4[%add3A_1706, %dma_wait3A_1712] : memref<51200x1024xf32, #tpu.memory_space<hbm>> -> memref<8x1024xf32, #tpu.memory_space<hbm>>
      %dma_wait3A_1714 = arith.constant 0 : i32
      %dma_wait3A_1715 = tpu.memref_slice %arg4[%add3A_1706, %dma_wait3A_1714] : memref<51200x1024xf32, #tpu.memory_space<hbm>> -> memref<8x1024xf32, #tpu.memory_space<hbm>>
      %dma_wait3A_1716 = arith.constant 0 : i32
      %dma_wait3A_1717 = arith.constant 0 : i32
      %dma_wait3A_1718 = tpu.memref_slice %arg6[%dma_wait3A_1707, %dma_wait3A_1716, %dma_wait3A_1717] : memref<10x8x1024xf32, #tpu.memory_space<vmem>> -> memref<1x8x1024xf32, #tpu.memory_space<vmem>>
      %dma_wait3A_1719 = tpu.memref_squeeze %dma_wait3A_1718 : memref<1x8x1024xf32, #tpu.memory_space<vmem>> -> memref<8x1024xf32, #tpu.memory_space<vmem>>
      tpu.wait_dma2 semaphore(%arg22 : memref<!tpu.dma_semaphore, #tpu.memory_space<semaphore_mem>>) src(%dma_wait3A_1719 : memref<8x1024xf32, #tpu.memory_space<vmem>>) dst(%dma_wait3A_1715 : memref<8x1024xf32, #tpu.memory_space<hbm>>)
      %add3A_1720 = arith.constant 10 : i32
      %add3A_1721 = arith.addi %add3A_1660, %add3A_1720 : i32
      %mul3A_1722 = arith.constant 8 : i32
      %mul3A_1723 = arith.muli %add3A_1721, %mul3A_1722 : i32
      %dma_start3A_1724 = arith.constant 5 : i32
      %dma_start3A_1725 = arith.constant 0 : i32
      %dma_start3A_1726 = arith.constant 0 : i32
      %dma_start3A_1727 = tpu.memref_slice %arg6[%dma_start3A_1724, %dma_start3A_1725, %dma_start3A_1726] : memref<10x8x1024xf32, #tpu.memory_space<vmem>> -> memref<1x8x1024xf32, #tpu.memory_space<vmem>>
      %dma_start3A_1728 = tpu.memref_squeeze %dma_start3A_1727 : memref<1x8x1024xf32, #tpu.memory_space<vmem>> -> memref<8x1024xf32, #tpu.memory_space<vmem>>
      %dma_start3A_1729 = tpu.memref_slice %arg5[%mul3A_1723] : memref<1600xi32, #tpu.memory_space<vmem>> -> memref<8xi32, #tpu.memory_space<vmem>>
      %dma_start3A_1730 = arith.constant 0 : i32
      %dma_start3A_1731 = arith.constant 0 : i32
      %dma_start3A_1732 = tpu.memref_slice %arg3[%dma_start3A_1730, %dma_start3A_1731] : memref<50000x1024xf32, #tpu.memory_space<hbm>> -> memref<50000x1024xf32, #tpu.memory_space<hbm>>
      tpu.enqueue_indirect_dma source(%dma_start3A_1732 : memref<50000x1024xf32, #tpu.memory_space<hbm>>) target(%dma_start3A_1728 : memref<8x1024xf32, #tpu.memory_space<vmem>>) offsets(%dma_start3A_1729 : memref<8xi32, #tpu.memory_space<vmem>>) semaphore(%arg12 : memref<!tpu.dma_semaphore, #tpu.memory_space<semaphore_mem>>)
      %mul3A_1733 = arith.constant 10 : i32
      %mul3A_1734 = arith.muli %scan3A_546, %mul3A_1733 : i32
      %add3A_1735 = arith.constant 6 : i32
      %add3A_1736 = arith.addi %mul3A_1734, %add3A_1735 : i32
      %jit3A_1737 = arith.constant 4 : i32
      %div3A_1738 = arith.divsi %add3A_1736, %jit3A_1737 : i32
      %sign3A_1739 = arith.constant 0 : i32
      %sign3A_1740 = arith.cmpi sgt, %add3A_1736, %sign3A_1739 : i32
      %sign3A_1741 = arith.extui %sign3A_1740 : i1 to i32
      %sign3A_1742 = arith.constant 0 : i32
      %sign3A_1743 = arith.cmpi slt, %add3A_1736, %sign3A_1742 : i32
      %sign3A_1744 = arith.extui %sign3A_1743 : i1 to i32
      %sign3A_1745 = arith.subi %sign3A_1741, %sign3A_1744 : i32
      %sign3A_1746 = arith.constant 0 : i32
      %sign3A_1747 = arith.cmpi sgt, %jit3A_1737, %sign3A_1746 : i32
      %sign3A_1748 = arith.extui %sign3A_1747 : i1 to i32
      %sign3A_1749 = arith.constant 0 : i32
      %sign3A_1750 = arith.cmpi slt, %jit3A_1737, %sign3A_1749 : i32
      %sign3A_1751 = arith.extui %sign3A_1750 : i1 to i32
      %sign3A_1752 = arith.subi %sign3A_1748, %sign3A_1751 : i32
      %ne3A_1753 = arith.cmpi ne, %sign3A_1745, %sign3A_1752 : i32
      %rem3A_1754 = arith.remsi %add3A_1736, %jit3A_1737 : i32
      %ne3A_1755 = arith.constant 0 : i32
      %ne3A_1756 = arith.cmpi ne, %rem3A_1754, %ne3A_1755 : i32
      %and3A_1757 = arith.andi %ne3A_1753, %ne3A_1756 : i1
      %sub3A_1758 = arith.constant 1 : i32
      %sub3A_1759 = arith.subi %div3A_1738, %sub3A_1758 : i32
      %select_n3A_1760 = arith.select %and3A_1757, %sub3A_1759, %div3A_1738 : i32
      %jit3A_1761 = arith.constant 4 : i32
      %eq3A_1762 = arith.constant 0 : i32
      %eq3A_1763 = arith.cmpi eq, %jit3A_1761, %eq3A_1762 : i32
      %jit3A_1764 = arith.constant 1 : i32
      %select_n3A_1765 = arith.select %eq3A_1763, %jit3A_1764, %jit3A_1761 : i32
      %rem3A_1766 = arith.remsi %add3A_1736, %select_n3A_1765 : i32
      %ne3A_1767 = arith.constant 0 : i32
      %ne3A_1768 = arith.cmpi ne, %rem3A_1766, %ne3A_1767 : i32
      %lt3A_1769 = arith.constant 0 : i32
      %lt3A_1770 = arith.cmpi slt, %rem3A_1766, %lt3A_1769 : i32
      %lt3A_1771 = arith.constant 0 : i32
      %lt3A_1772 = arith.cmpi slt, %select_n3A_1765, %lt3A_1771 : i32
      %ne3A_1773 = arith.xori %lt3A_1770, %lt3A_1772 : i1
      %and3A_1774 = arith.andi %ne3A_1773, %ne3A_1768 : i1
      %add3A_1775 = arith.addi %rem3A_1766, %select_n3A_1765 : i32
      %select_n3A_1776 = arith.select %and3A_1774, %add3A_1775, %rem3A_1766 : i32
      %mul3A_1777 = arith.constant 1024 : i32
      %mul3A_1778 = arith.muli %select_n3A_1760, %mul3A_1777 : i32
      %add3A_1779 = arith.addi %mul3A_1778, %mul3A_2 : i32
      %mul3A_1780 = arith.constant 8 : i32
      %mul3A_1781 = arith.muli %select_n3A_1776, %mul3A_1780 : i32
      %add3A_1782 = arith.addi %add3A_1779, %mul3A_1781 : i32
      %dma_wait3A_1783 = arith.constant 6 : i32
      %dma_wait3A_1784 = arith.constant 0 : i32
      %dma_wait3A_1785 = arith.constant 0 : i32
      %dma_wait3A_1786 = tpu.memref_slice %arg6[%dma_wait3A_1783, %dma_wait3A_1784, %dma_wait3A_1785] : memref<10x8x1024xf32, #tpu.memory_space<vmem>> -> memref<1x8x1024xf32, #tpu.memory_space<vmem>>
      %dma_wait3A_1787 = tpu.memref_squeeze %dma_wait3A_1786 : memref<1x8x1024xf32, #tpu.memory_space<vmem>> -> memref<8x1024xf32, #tpu.memory_space<vmem>>
      %dma_wait3A_1788 = arith.constant 0 : i32
      %dma_wait3A_1789 = tpu.memref_slice %arg4[%add3A_1782, %dma_wait3A_1788] : memref<51200x1024xf32, #tpu.memory_space<hbm>> -> memref<8x1024xf32, #tpu.memory_space<hbm>>
      %dma_wait3A_1790 = arith.constant 0 : i32
      %dma_wait3A_1791 = tpu.memref_slice %arg4[%add3A_1782, %dma_wait3A_1790] : memref<51200x1024xf32, #tpu.memory_space<hbm>> -> memref<8x1024xf32, #tpu.memory_space<hbm>>
      %dma_wait3A_1792 = arith.constant 0 : i32
      %dma_wait3A_1793 = arith.constant 0 : i32
      %dma_wait3A_1794 = tpu.memref_slice %arg6[%dma_wait3A_1783, %dma_wait3A_1792, %dma_wait3A_1793] : memref<10x8x1024xf32, #tpu.memory_space<vmem>> -> memref<1x8x1024xf32, #tpu.memory_space<vmem>>
      %dma_wait3A_1795 = tpu.memref_squeeze %dma_wait3A_1794 : memref<1x8x1024xf32, #tpu.memory_space<vmem>> -> memref<8x1024xf32, #tpu.memory_space<vmem>>
      tpu.wait_dma2 semaphore(%arg23 : memref<!tpu.dma_semaphore, #tpu.memory_space<semaphore_mem>>) src(%dma_wait3A_1795 : memref<8x1024xf32, #tpu.memory_space<vmem>>) dst(%dma_wait3A_1791 : memref<8x1024xf32, #tpu.memory_space<hbm>>)
      %add3A_1796 = arith.constant 10 : i32
      %add3A_1797 = arith.addi %add3A_1736, %add3A_1796 : i32
      %mul3A_1798 = arith.constant 8 : i32
      %mul3A_1799 = arith.muli %add3A_1797, %mul3A_1798 : i32
      %dma_start3A_1800 = arith.constant 6 : i32
      %dma_start3A_1801 = arith.constant 0 : i32
      %dma_start3A_1802 = arith.constant 0 : i32
      %dma_start3A_1803 = tpu.memref_slice %arg6[%dma_start3A_1800, %dma_start3A_1801, %dma_start3A_1802] : memref<10x8x1024xf32, #tpu.memory_space<vmem>> -> memref<1x8x1024xf32, #tpu.memory_space<vmem>>
      %dma_start3A_1804 = tpu.memref_squeeze %dma_start3A_1803 : memref<1x8x1024xf32, #tpu.memory_space<vmem>> -> memref<8x1024xf32, #tpu.memory_space<vmem>>
      %dma_start3A_1805 = tpu.memref_slice %arg5[%mul3A_1799] : memref<1600xi32, #tpu.memory_space<vmem>> -> memref<8xi32, #tpu.memory_space<vmem>>
      %dma_start3A_1806 = arith.constant 0 : i32
      %dma_start3A_1807 = arith.constant 0 : i32
      %dma_start3A_1808 = tpu.memref_slice %arg3[%dma_start3A_1806, %dma_start3A_1807] : memref<50000x1024xf32, #tpu.memory_space<hbm>> -> memref<50000x1024xf32, #tpu.memory_space<hbm>>
      tpu.enqueue_indirect_dma source(%dma_start3A_1808 : memref<50000x1024xf32, #tpu.memory_space<hbm>>) target(%dma_start3A_1804 : memref<8x1024xf32, #tpu.memory_space<vmem>>) offsets(%dma_start3A_1805 : memref<8xi32, #tpu.memory_space<vmem>>) semaphore(%arg13 : memref<!tpu.dma_semaphore, #tpu.memory_space<semaphore_mem>>)
      %mul3A_1809 = arith.constant 10 : i32
      %mul3A_1810 = arith.muli %scan3A_546, %mul3A_1809 : i32
      %add3A_1811 = arith.constant 7 : i32
      %add3A_1812 = arith.addi %mul3A_1810, %add3A_1811 : i32
      %jit3A_1813 = arith.constant 4 : i32
      %div3A_1814 = arith.divsi %add3A_1812, %jit3A_1813 : i32
      %sign3A_1815 = arith.constant 0 : i32
      %sign3A_1816 = arith.cmpi sgt, %add3A_1812, %sign3A_1815 : i32
      %sign3A_1817 = arith.extui %sign3A_1816 : i1 to i32
      %sign3A_1818 = arith.constant 0 : i32
      %sign3A_1819 = arith.cmpi slt, %add3A_1812, %sign3A_1818 : i32
      %sign3A_1820 = arith.extui %sign3A_1819 : i1 to i32
      %sign3A_1821 = arith.subi %sign3A_1817, %sign3A_1820 : i32
      %sign3A_1822 = arith.constant 0 : i32
      %sign3A_1823 = arith.cmpi sgt, %jit3A_1813, %sign3A_1822 : i32
      %sign3A_1824 = arith.extui %sign3A_1823 : i1 to i32
      %sign3A_1825 = arith.constant 0 : i32
      %sign3A_1826 = arith.cmpi slt, %jit3A_1813, %sign3A_1825 : i32
      %sign3A_1827 = arith.extui %sign3A_1826 : i1 to i32
      %sign3A_1828 = arith.subi %sign3A_1824, %sign3A_1827 : i32
      %ne3A_1829 = arith.cmpi ne, %sign3A_1821, %sign3A_1828 : i32
      %rem3A_1830 = arith.remsi %add3A_1812, %jit3A_1813 : i32
      %ne3A_1831 = arith.constant 0 : i32
      %ne3A_1832 = arith.cmpi ne, %rem3A_1830, %ne3A_1831 : i32
      %and3A_1833 = arith.andi %ne3A_1829, %ne3A_1832 : i1
      %sub3A_1834 = arith.constant 1 : i32
      %sub3A_1835 = arith.subi %div3A_1814, %sub3A_1834 : i32
      %select_n3A_1836 = arith.select %and3A_1833, %sub3A_1835, %div3A_1814 : i32
      %jit3A_1837 = arith.constant 4 : i32
      %eq3A_1838 = arith.constant 0 : i32
      %eq3A_1839 = arith.cmpi eq, %jit3A_1837, %eq3A_1838 : i32
      %jit3A_1840 = arith.constant 1 : i32
      %select_n3A_1841 = arith.select %eq3A_1839, %jit3A_1840, %jit3A_1837 : i32
      %rem3A_1842 = arith.remsi %add3A_1812, %select_n3A_1841 : i32
      %ne3A_1843 = arith.constant 0 : i32
      %ne3A_1844 = arith.cmpi ne, %rem3A_1842, %ne3A_1843 : i32
      %lt3A_1845 = arith.constant 0 : i32
      %lt3A_1846 = arith.cmpi slt, %rem3A_1842, %lt3A_1845 : i32
      %lt3A_1847 = arith.constant 0 : i32
      %lt3A_1848 = arith.cmpi slt, %select_n3A_1841, %lt3A_1847 : i32
      %ne3A_1849 = arith.xori %lt3A_1846, %lt3A_1848 : i1
      %and3A_1850 = arith.andi %ne3A_1849, %ne3A_1844 : i1
      %add3A_1851 = arith.addi %rem3A_1842, %select_n3A_1841 : i32
      %select_n3A_1852 = arith.select %and3A_1850, %add3A_1851, %rem3A_1842 : i32
      %mul3A_1853 = arith.constant 1024 : i32
      %mul3A_1854 = arith.muli %select_n3A_1836, %mul3A_1853 : i32
      %add3A_1855 = arith.addi %mul3A_1854, %mul3A_2 : i32
      %mul3A_1856 = arith.constant 8 : i32
      %mul3A_1857 = arith.muli %select_n3A_1852, %mul3A_1856 : i32
      %add3A_1858 = arith.addi %add3A_1855, %mul3A_1857 : i32
      %dma_wait3A_1859 = arith.constant 7 : i32
      %dma_wait3A_1860 = arith.constant 0 : i32
      %dma_wait3A_1861 = arith.constant 0 : i32
      %dma_wait3A_1862 = tpu.memref_slice %arg6[%dma_wait3A_1859, %dma_wait3A_1860, %dma_wait3A_1861] : memref<10x8x1024xf32, #tpu.memory_space<vmem>> -> memref<1x8x1024xf32, #tpu.memory_space<vmem>>
      %dma_wait3A_1863 = tpu.memref_squeeze %dma_wait3A_1862 : memref<1x8x1024xf32, #tpu.memory_space<vmem>> -> memref<8x1024xf32, #tpu.memory_space<vmem>>
      %dma_wait3A_1864 = arith.constant 0 : i32
      %dma_wait3A_1865 = tpu.memref_slice %arg4[%add3A_1858, %dma_wait3A_1864] : memref<51200x1024xf32, #tpu.memory_space<hbm>> -> memref<8x1024xf32, #tpu.memory_space<hbm>>
      %dma_wait3A_1866 = arith.constant 0 : i32
      %dma_wait3A_1867 = tpu.memref_slice %arg4[%add3A_1858, %dma_wait3A_1866] : memref<51200x1024xf32, #tpu.memory_space<hbm>> -> memref<8x1024xf32, #tpu.memory_space<hbm>>
      %dma_wait3A_1868 = arith.constant 0 : i32
      %dma_wait3A_1869 = arith.constant 0 : i32
      %dma_wait3A_1870 = tpu.memref_slice %arg6[%dma_wait3A_1859, %dma_wait3A_1868, %dma_wait3A_1869] : memref<10x8x1024xf32, #tpu.memory_space<vmem>> -> memref<1x8x1024xf32, #tpu.memory_space<vmem>>
      %dma_wait3A_1871 = tpu.memref_squeeze %dma_wait3A_1870 : memref<1x8x1024xf32, #tpu.memory_space<vmem>> -> memref<8x1024xf32, #tpu.memory_space<vmem>>
      tpu.wait_dma2 semaphore(%arg24 : memref<!tpu.dma_semaphore, #tpu.memory_space<semaphore_mem>>) src(%dma_wait3A_1871 : memref<8x1024xf32, #tpu.memory_space<vmem>>) dst(%dma_wait3A_1867 : memref<8x1024xf32, #tpu.memory_space<hbm>>)
      %add3A_1872 = arith.constant 10 : i32
      %add3A_1873 = arith.addi %add3A_1812, %add3A_1872 : i32
      %mul3A_1874 = arith.constant 8 : i32
      %mul3A_1875 = arith.muli %add3A_1873, %mul3A_1874 : i32
      %dma_start3A_1876 = arith.constant 7 : i32
      %dma_start3A_1877 = arith.constant 0 : i32
      %dma_start3A_1878 = arith.constant 0 : i32
      %dma_start3A_1879 = tpu.memref_slice %arg6[%dma_start3A_1876, %dma_start3A_1877, %dma_start3A_1878] : memref<10x8x1024xf32, #tpu.memory_space<vmem>> -> memref<1x8x1024xf32, #tpu.memory_space<vmem>>
      %dma_start3A_1880 = tpu.memref_squeeze %dma_start3A_1879 : memref<1x8x1024xf32, #tpu.memory_space<vmem>> -> memref<8x1024xf32, #tpu.memory_space<vmem>>
      %dma_start3A_1881 = tpu.memref_slice %arg5[%mul3A_1875] : memref<1600xi32, #tpu.memory_space<vmem>> -> memref<8xi32, #tpu.memory_space<vmem>>
      %dma_start3A_1882 = arith.constant 0 : i32
      %dma_start3A_1883 = arith.constant 0 : i32
      %dma_start3A_1884 = tpu.memref_slice %arg3[%dma_start3A_1882, %dma_start3A_1883] : memref<50000x1024xf32, #tpu.memory_space<hbm>> -> memref<50000x1024xf32, #tpu.memory_space<hbm>>
      tpu.enqueue_indirect_dma source(%dma_start3A_1884 : memref<50000x1024xf32, #tpu.memory_space<hbm>>) target(%dma_start3A_1880 : memref<8x1024xf32, #tpu.memory_space<vmem>>) offsets(%dma_start3A_1881 : memref<8xi32, #tpu.memory_space<vmem>>) semaphore(%arg14 : memref<!tpu.dma_semaphore, #tpu.memory_space<semaphore_mem>>)
      %mul3A_1885 = arith.constant 10 : i32
      %mul3A_1886 = arith.muli %scan3A_546, %mul3A_1885 : i32
      %add3A_1887 = arith.constant 8 : i32
      %add3A_1888 = arith.addi %mul3A_1886, %add3A_1887 : i32
      %jit3A_1889 = arith.constant 4 : i32
      %div3A_1890 = arith.divsi %add3A_1888, %jit3A_1889 : i32
      %sign3A_1891 = arith.constant 0 : i32
      %sign3A_1892 = arith.cmpi sgt, %add3A_1888, %sign3A_1891 : i32
      %sign3A_1893 = arith.extui %sign3A_1892 : i1 to i32
      %sign3A_1894 = arith.constant 0 : i32
      %sign3A_1895 = arith.cmpi slt, %add3A_1888, %sign3A_1894 : i32
      %sign3A_1896 = arith.extui %sign3A_1895 : i1 to i32
      %sign3A_1897 = arith.subi %sign3A_1893, %sign3A_1896 : i32
      %sign3A_1898 = arith.constant 0 : i32
      %sign3A_1899 = arith.cmpi sgt, %jit3A_1889, %sign3A_1898 : i32
      %sign3A_1900 = arith.extui %sign3A_1899 : i1 to i32
      %sign3A_1901 = arith.constant 0 : i32
      %sign3A_1902 = arith.cmpi slt, %jit3A_1889, %sign3A_1901 : i32
      %sign3A_1903 = arith.extui %sign3A_1902 : i1 to i32
      %sign3A_1904 = arith.subi %sign3A_1900, %sign3A_1903 : i32
      %ne3A_1905 = arith.cmpi ne, %sign3A_1897, %sign3A_1904 : i32
      %rem3A_1906 = arith.remsi %add3A_1888, %jit3A_1889 : i32
      %ne3A_1907 = arith.constant 0 : i32
      %ne3A_1908 = arith.cmpi ne, %rem3A_1906, %ne3A_1907 : i32
      %and3A_1909 = arith.andi %ne3A_1905, %ne3A_1908 : i1
      %sub3A_1910 = arith.constant 1 : i32
      %sub3A_1911 = arith.subi %div3A_1890, %sub3A_1910 : i32
      %select_n3A_1912 = arith.select %and3A_1909, %sub3A_1911, %div3A_1890 : i32
      %jit3A_1913 = arith.constant 4 : i32
      %eq3A_1914 = arith.constant 0 : i32
      %eq3A_1915 = arith.cmpi eq, %jit3A_1913, %eq3A_1914 : i32
      %jit3A_1916 = arith.constant 1 : i32
      %select_n3A_1917 = arith.select %eq3A_1915, %jit3A_1916, %jit3A_1913 : i32
      %rem3A_1918 = arith.remsi %add3A_1888, %select_n3A_1917 : i32
      %ne3A_1919 = arith.constant 0 : i32
      %ne3A_1920 = arith.cmpi ne, %rem3A_1918, %ne3A_1919 : i32
      %lt3A_1921 = arith.constant 0 : i32
      %lt3A_1922 = arith.cmpi slt, %rem3A_1918, %lt3A_1921 : i32
      %lt3A_1923 = arith.constant 0 : i32
      %lt3A_1924 = arith.cmpi slt, %select_n3A_1917, %lt3A_1923 : i32
      %ne3A_1925 = arith.xori %lt3A_1922, %lt3A_1924 : i1
      %and3A_1926 = arith.andi %ne3A_1925, %ne3A_1920 : i1
      %add3A_1927 = arith.addi %rem3A_1918, %select_n3A_1917 : i32
      %select_n3A_1928 = arith.select %and3A_1926, %add3A_1927, %rem3A_1918 : i32
      %mul3A_1929 = arith.constant 1024 : i32
      %mul3A_1930 = arith.muli %select_n3A_1912, %mul3A_1929 : i32
      %add3A_1931 = arith.addi %mul3A_1930, %mul3A_2 : i32
      %mul3A_1932 = arith.constant 8 : i32
      %mul3A_1933 = arith.muli %select_n3A_1928, %mul3A_1932 : i32
      %add3A_1934 = arith.addi %add3A_1931, %mul3A_1933 : i32
      %dma_wait3A_1935 = arith.constant 8 : i32
      %dma_wait3A_1936 = arith.constant 0 : i32
      %dma_wait3A_1937 = arith.constant 0 : i32
      %dma_wait3A_1938 = tpu.memref_slice %arg6[%dma_wait3A_1935, %dma_wait3A_1936, %dma_wait3A_1937] : memref<10x8x1024xf32, #tpu.memory_space<vmem>> -> memref<1x8x1024xf32, #tpu.memory_space<vmem>>
      %dma_wait3A_1939 = tpu.memref_squeeze %dma_wait3A_1938 : memref<1x8x1024xf32, #tpu.memory_space<vmem>> -> memref<8x1024xf32, #tpu.memory_space<vmem>>
      %dma_wait3A_1940 = arith.constant 0 : i32
      %dma_wait3A_1941 = tpu.memref_slice %arg4[%add3A_1934, %dma_wait3A_1940] : memref<51200x1024xf32, #tpu.memory_space<hbm>> -> memref<8x1024xf32, #tpu.memory_space<hbm>>
      %dma_wait3A_1942 = arith.constant 0 : i32
      %dma_wait3A_1943 = tpu.memref_slice %arg4[%add3A_1934, %dma_wait3A_1942] : memref<51200x1024xf32, #tpu.memory_space<hbm>> -> memref<8x1024xf32, #tpu.memory_space<hbm>>
      %dma_wait3A_1944 = arith.constant 0 : i32
      %dma_wait3A_1945 = arith.constant 0 : i32
      %dma_wait3A_1946 = tpu.memref_slice %arg6[%dma_wait3A_1935, %dma_wait3A_1944, %dma_wait3A_1945] : memref<10x8x1024xf32, #tpu.memory_space<vmem>> -> memref<1x8x1024xf32, #tpu.memory_space<vmem>>
      %dma_wait3A_1947 = tpu.memref_squeeze %dma_wait3A_1946 : memref<1x8x1024xf32, #tpu.memory_space<vmem>> -> memref<8x1024xf32, #tpu.memory_space<vmem>>
      tpu.wait_dma2 semaphore(%arg25 : memref<!tpu.dma_semaphore, #tpu.memory_space<semaphore_mem>>) src(%dma_wait3A_1947 : memref<8x1024xf32, #tpu.memory_space<vmem>>) dst(%dma_wait3A_1943 : memref<8x1024xf32, #tpu.memory_space<hbm>>)
      %add3A_1948 = arith.constant 10 : i32
      %add3A_1949 = arith.addi %add3A_1888, %add3A_1948 : i32
      %mul3A_1950 = arith.constant 8 : i32
      %mul3A_1951 = arith.muli %add3A_1949, %mul3A_1950 : i32
      %dma_start3A_1952 = arith.constant 8 : i32
      %dma_start3A_1953 = arith.constant 0 : i32
      %dma_start3A_1954 = arith.constant 0 : i32
      %dma_start3A_1955 = tpu.memref_slice %arg6[%dma_start3A_1952, %dma_start3A_1953, %dma_start3A_1954] : memref<10x8x1024xf32, #tpu.memory_space<vmem>> -> memref<1x8x1024xf32, #tpu.memory_space<vmem>>
      %dma_start3A_1956 = tpu.memref_squeeze %dma_start3A_1955 : memref<1x8x1024xf32, #tpu.memory_space<vmem>> -> memref<8x1024xf32, #tpu.memory_space<vmem>>
      %dma_start3A_1957 = tpu.memref_slice %arg5[%mul3A_1951] : memref<1600xi32, #tpu.memory_space<vmem>> -> memref<8xi32, #tpu.memory_space<vmem>>
      %dma_start3A_1958 = arith.constant 0 : i32
      %dma_start3A_1959 = arith.constant 0 : i32
      %dma_start3A_1960 = tpu.memref_slice %arg3[%dma_start3A_1958, %dma_start3A_1959] : memref<50000x1024xf32, #tpu.memory_space<hbm>> -> memref<50000x1024xf32, #tpu.memory_space<hbm>>
      tpu.enqueue_indirect_dma source(%dma_start3A_1960 : memref<50000x1024xf32, #tpu.memory_space<hbm>>) target(%dma_start3A_1956 : memref<8x1024xf32, #tpu.memory_space<vmem>>) offsets(%dma_start3A_1957 : memref<8xi32, #tpu.memory_space<vmem>>) semaphore(%arg15 : memref<!tpu.dma_semaphore, #tpu.memory_space<semaphore_mem>>)
      %mul3A_1961 = arith.constant 10 : i32
      %mul3A_1962 = arith.muli %scan3A_546, %mul3A_1961 : i32
      %add3A_1963 = arith.constant 9 : i32
      %add3A_1964 = arith.addi %mul3A_1962, %add3A_1963 : i32
      %jit3A_1965 = arith.constant 4 : i32
      %div3A_1966 = arith.divsi %add3A_1964, %jit3A_1965 : i32
      %sign3A_1967 = arith.constant 0 : i32
      %sign3A_1968 = arith.cmpi sgt, %add3A_1964, %sign3A_1967 : i32
      %sign3A_1969 = arith.extui %sign3A_1968 : i1 to i32
      %sign3A_1970 = arith.constant 0 : i32
      %sign3A_1971 = arith.cmpi slt, %add3A_1964, %sign3A_1970 : i32
      %sign3A_1972 = arith.extui %sign3A_1971 : i1 to i32
      %sign3A_1973 = arith.subi %sign3A_1969, %sign3A_1972 : i32
      %sign3A_1974 = arith.constant 0 : i32
      %sign3A_1975 = arith.cmpi sgt, %jit3A_1965, %sign3A_1974 : i32
      %sign3A_1976 = arith.extui %sign3A_1975 : i1 to i32
      %sign3A_1977 = arith.constant 0 : i32
      %sign3A_1978 = arith.cmpi slt, %jit3A_1965, %sign3A_1977 : i32
      %sign3A_1979 = arith.extui %sign3A_1978 : i1 to i32
      %sign3A_1980 = arith.subi %sign3A_1976, %sign3A_1979 : i32
      %ne3A_1981 = arith.cmpi ne, %sign3A_1973, %sign3A_1980 : i32
      %rem3A_1982 = arith.remsi %add3A_1964, %jit3A_1965 : i32
      %ne3A_1983 = arith.constant 0 : i32
      %ne3A_1984 = arith.cmpi ne, %rem3A_1982, %ne3A_1983 : i32
      %and3A_1985 = arith.andi %ne3A_1981, %ne3A_1984 : i1
      %sub3A_1986 = arith.constant 1 : i32
      %sub3A_1987 = arith.subi %div3A_1966, %sub3A_1986 : i32
      %select_n3A_1988 = arith.select %and3A_1985, %sub3A_1987, %div3A_1966 : i32
      %jit3A_1989 = arith.constant 4 : i32
      %eq3A_1990 = arith.constant 0 : i32
      %eq3A_1991 = arith.cmpi eq, %jit3A_1989, %eq3A_1990 : i32
      %jit3A_1992 = arith.constant 1 : i32
      %select_n3A_1993 = arith.select %eq3A_1991, %jit3A_1992, %jit3A_1989 : i32
      %rem3A_1994 = arith.remsi %add3A_1964, %select_n3A_1993 : i32
      %ne3A_1995 = arith.constant 0 : i32
      %ne3A_1996 = arith.cmpi ne, %rem3A_1994, %ne3A_1995 : i32
      %lt3A_1997 = arith.constant 0 : i32
      %lt3A_1998 = arith.cmpi slt, %rem3A_1994, %lt3A_1997 : i32
      %lt3A_1999 = arith.constant 0 : i32
      %lt3A_2000 = arith.cmpi slt, %select_n3A_1993, %lt3A_1999 : i32
      %ne3A_2001 = arith.xori %lt3A_1998, %lt3A_2000 : i1
      %and3A_2002 = arith.andi %ne3A_2001, %ne3A_1996 : i1
      %add3A_2003 = arith.addi %rem3A_1994, %select_n3A_1993 : i32
      %select_n3A_2004 = arith.select %and3A_2002, %add3A_2003, %rem3A_1994 : i32
      %mul3A_2005 = arith.constant 1024 : i32
      %mul3A_2006 = arith.muli %select_n3A_1988, %mul3A_2005 : i32
      %add3A_2007 = arith.addi %mul3A_2006, %mul3A_2 : i32
      %mul3A_2008 = arith.constant 8 : i32
      %mul3A_2009 = arith.muli %select_n3A_2004, %mul3A_2008 : i32
      %add3A_2010 = arith.addi %add3A_2007, %mul3A_2009 : i32
      %dma_wait3A_2011 = arith.constant 9 : i32
      %dma_wait3A_2012 = arith.constant 0 : i32
      %dma_wait3A_2013 = arith.constant 0 : i32
      %dma_wait3A_2014 = tpu.memref_slice %arg6[%dma_wait3A_2011, %dma_wait3A_2012, %dma_wait3A_2013] : memref<10x8x1024xf32, #tpu.memory_space<vmem>> -> memref<1x8x1024xf32, #tpu.memory_space<vmem>>
      %dma_wait3A_2015 = tpu.memref_squeeze %dma_wait3A_2014 : memref<1x8x1024xf32, #tpu.memory_space<vmem>> -> memref<8x1024xf32, #tpu.memory_space<vmem>>
      %dma_wait3A_2016 = arith.constant 0 : i32
      %dma_wait3A_2017 = tpu.memref_slice %arg4[%add3A_2010, %dma_wait3A_2016] : memref<51200x1024xf32, #tpu.memory_space<hbm>> -> memref<8x1024xf32, #tpu.memory_space<hbm>>
      %dma_wait3A_2018 = arith.constant 0 : i32
      %dma_wait3A_2019 = tpu.memref_slice %arg4[%add3A_2010, %dma_wait3A_2018] : memref<51200x1024xf32, #tpu.memory_space<hbm>> -> memref<8x1024xf32, #tpu.memory_space<hbm>>
      %dma_wait3A_2020 = arith.constant 0 : i32
      %dma_wait3A_2021 = arith.constant 0 : i32
      %dma_wait3A_2022 = tpu.memref_slice %arg6[%dma_wait3A_2011, %dma_wait3A_2020, %dma_wait3A_2021] : memref<10x8x1024xf32, #tpu.memory_space<vmem>> -> memref<1x8x1024xf32, #tpu.memory_space<vmem>>
      %dma_wait3A_2023 = tpu.memref_squeeze %dma_wait3A_2022 : memref<1x8x1024xf32, #tpu.memory_space<vmem>> -> memref<8x1024xf32, #tpu.memory_space<vmem>>
      tpu.wait_dma2 semaphore(%arg26 : memref<!tpu.dma_semaphore, #tpu.memory_space<semaphore_mem>>) src(%dma_wait3A_2023 : memref<8x1024xf32, #tpu.memory_space<vmem>>) dst(%dma_wait3A_2019 : memref<8x1024xf32, #tpu.memory_space<hbm>>)
      %add3A_2024 = arith.constant 10 : i32
      %add3A_2025 = arith.addi %add3A_1964, %add3A_2024 : i32
      %mul3A_2026 = arith.constant 8 : i32
      %mul3A_2027 = arith.muli %add3A_2025, %mul3A_2026 : i32
      %dma_start3A_2028 = arith.constant 9 : i32
      %dma_start3A_2029 = arith.constant 0 : i32
      %dma_start3A_2030 = arith.constant 0 : i32
      %dma_start3A_2031 = tpu.memref_slice %arg6[%dma_start3A_2028, %dma_start3A_2029, %dma_start3A_2030] : memref<10x8x1024xf32, #tpu.memory_space<vmem>> -> memref<1x8x1024xf32, #tpu.memory_space<vmem>>
      %dma_start3A_2032 = tpu.memref_squeeze %dma_start3A_2031 : memref<1x8x1024xf32, #tpu.memory_space<vmem>> -> memref<8x1024xf32, #tpu.memory_space<vmem>>
      %dma_start3A_2033 = tpu.memref_slice %arg5[%mul3A_2027] : memref<1600xi32, #tpu.memory_space<vmem>> -> memref<8xi32, #tpu.memory_space<vmem>>
      %dma_start3A_2034 = arith.constant 0 : i32
      %dma_start3A_2035 = arith.constant 0 : i32
      %dma_start3A_2036 = tpu.memref_slice %arg3[%dma_start3A_2034, %dma_start3A_2035] : memref<50000x1024xf32, #tpu.memory_space<hbm>> -> memref<50000x1024xf32, #tpu.memory_space<hbm>>
      tpu.enqueue_indirect_dma source(%dma_start3A_2036 : memref<50000x1024xf32, #tpu.memory_space<hbm>>) target(%dma_start3A_2032 : memref<8x1024xf32, #tpu.memory_space<vmem>>) offsets(%dma_start3A_2033 : memref<8xi32, #tpu.memory_space<vmem>>) semaphore(%arg16 : memref<!tpu.dma_semaphore, #tpu.memory_space<semaphore_mem>>)
    }
    %scan3A_106 = arith.constant 19 : i32
    %dma_wait3A = arith.constant 0 : i32
    %dma_wait3A_107 = arith.constant 0 : i32
    %dma_wait3A_108 = arith.constant 0 : i32
    %dma_wait3A_109 = tpu.memref_slice %arg6[%dma_wait3A, %dma_wait3A_107, %dma_wait3A_108] : memref<10x8x1024xf32, #tpu.memory_space<vmem>> -> memref<1x8x1024xf32, #tpu.memory_space<vmem>>
    %dma_wait3A_110 = tpu.memref_squeeze %dma_wait3A_109 : memref<1x8x1024xf32, #tpu.memory_space<vmem>> -> memref<8x1024xf32, #tpu.memory_space<vmem>>
    %dma_wait3A_111 = arith.constant 1520 : i32
    %dma_wait3A_112 = tpu.memref_slice %arg5[%dma_wait3A_111] : memref<1600xi32, #tpu.memory_space<vmem>> -> memref<8xi32, #tpu.memory_space<vmem>>
    %dma_wait3A_113 = arith.constant 0 : i32
    %dma_wait3A_114 = arith.constant 0 : i32
    %dma_wait3A_115 = tpu.memref_slice %arg3[%dma_wait3A_113, %dma_wait3A_114] : memref<50000x1024xf32, #tpu.memory_space<hbm>> -> memref<50000x1024xf32, #tpu.memory_space<hbm>>
    tpu.wait_indirect_dma semaphore(%arg7 : memref<!tpu.dma_semaphore, #tpu.memory_space<semaphore_mem>>) src(%dma_wait3A_115 : memref<50000x1024xf32, #tpu.memory_space<hbm>>) dst(%dma_wait3A_110 : memref<8x1024xf32, #tpu.memory_space<vmem>>)
    %add3A_116 = arith.constant 48128 : i32
    %add3A_117 = arith.addi %add3A_116, %mul3A_2 : i32
    %add3A_118 = arith.constant 16 : i32
    %add3A_119 = arith.addi %add3A_117, %add3A_118 : i32
    %dma_start3A_120 = arith.constant 0 : i32
    %dma_start3A_121 = arith.constant 0 : i32
    %dma_start3A_122 = arith.constant 0 : i32
    %dma_start3A_123 = tpu.memref_slice %arg6[%dma_start3A_120, %dma_start3A_121, %dma_start3A_122] : memref<10x8x1024xf32, #tpu.memory_space<vmem>> -> memref<1x8x1024xf32, #tpu.memory_space<vmem>>
    %dma_start3A_124 = tpu.memref_squeeze %dma_start3A_123 : memref<1x8x1024xf32, #tpu.memory_space<vmem>> -> memref<8x1024xf32, #tpu.memory_space<vmem>>
    %dma_start3A_125 = arith.constant 0 : i32
    %dma_start3A_126 = tpu.memref_slice %arg4[%add3A_119, %dma_start3A_125] : memref<51200x1024xf32, #tpu.memory_space<hbm>> -> memref<8x1024xf32, #tpu.memory_space<hbm>>
    %dma_start3A_127 = arith.constant 0 : i32
    %dma_start3A_128 = tpu.memref_slice %arg4[%add3A_119, %dma_start3A_127] : memref<51200x1024xf32, #tpu.memory_space<hbm>> -> memref<8x1024xf32, #tpu.memory_space<hbm>>
    %dma_start3A_129 = arith.constant 0 : i32
    %dma_start3A_130 = arith.constant 0 : i32
    %dma_start3A_131 = tpu.memref_slice %arg6[%dma_start3A_120, %dma_start3A_129, %dma_start3A_130] : memref<10x8x1024xf32, #tpu.memory_space<vmem>> -> memref<1x8x1024xf32, #tpu.memory_space<vmem>>
    %dma_start3A_132 = tpu.memref_squeeze %dma_start3A_131 : memref<1x8x1024xf32, #tpu.memory_space<vmem>> -> memref<8x1024xf32, #tpu.memory_space<vmem>>
    tpu.enqueue_dma source(%dma_start3A_132 : memref<8x1024xf32, #tpu.memory_space<vmem>>) target(%dma_start3A_128 : memref<8x1024xf32, #tpu.memory_space<hbm>>) target_semaphore(%arg17 : memref<!tpu.dma_semaphore, #tpu.memory_space<semaphore_mem>>)
    %dma_wait3A_133 = arith.constant 1 : i32
    %dma_wait3A_134 = arith.constant 0 : i32
    %dma_wait3A_135 = arith.constant 0 : i32
    %dma_wait3A_136 = tpu.memref_slice %arg6[%dma_wait3A_133, %dma_wait3A_134, %dma_wait3A_135] : memref<10x8x1024xf32, #tpu.memory_space<vmem>> -> memref<1x8x1024xf32, #tpu.memory_space<vmem>>
    %dma_wait3A_137 = tpu.memref_squeeze %dma_wait3A_136 : memref<1x8x1024xf32, #tpu.memory_space<vmem>> -> memref<8x1024xf32, #tpu.memory_space<vmem>>
    %dma_wait3A_138 = arith.constant 1528 : i32
    %dma_wait3A_139 = tpu.memref_slice %arg5[%dma_wait3A_138] : memref<1600xi32, #tpu.memory_space<vmem>> -> memref<8xi32, #tpu.memory_space<vmem>>
    %dma_wait3A_140 = arith.constant 0 : i32
    %dma_wait3A_141 = arith.constant 0 : i32
    %dma_wait3A_142 = tpu.memref_slice %arg3[%dma_wait3A_140, %dma_wait3A_141] : memref<50000x1024xf32, #tpu.memory_space<hbm>> -> memref<50000x1024xf32, #tpu.memory_space<hbm>>
    tpu.wait_indirect_dma semaphore(%arg8 : memref<!tpu.dma_semaphore, #tpu.memory_space<semaphore_mem>>) src(%dma_wait3A_142 : memref<50000x1024xf32, #tpu.memory_space<hbm>>) dst(%dma_wait3A_137 : memref<8x1024xf32, #tpu.memory_space<vmem>>)
    %add3A_143 = arith.constant 48128 : i32
    %add3A_144 = arith.addi %add3A_143, %mul3A_2 : i32
    %add3A_145 = arith.constant 24 : i32
    %add3A_146 = arith.addi %add3A_144, %add3A_145 : i32
    %dma_start3A_147 = arith.constant 1 : i32
    %dma_start3A_148 = arith.constant 0 : i32
    %dma_start3A_149 = arith.constant 0 : i32
    %dma_start3A_150 = tpu.memref_slice %arg6[%dma_start3A_147, %dma_start3A_148, %dma_start3A_149] : memref<10x8x1024xf32, #tpu.memory_space<vmem>> -> memref<1x8x1024xf32, #tpu.memory_space<vmem>>
    %dma_start3A_151 = tpu.memref_squeeze %dma_start3A_150 : memref<1x8x1024xf32, #tpu.memory_space<vmem>> -> memref<8x1024xf32, #tpu.memory_space<vmem>>
    %dma_start3A_152 = arith.constant 0 : i32
    %dma_start3A_153 = tpu.memref_slice %arg4[%add3A_146, %dma_start3A_152] : memref<51200x1024xf32, #tpu.memory_space<hbm>> -> memref<8x1024xf32, #tpu.memory_space<hbm>>
    %dma_start3A_154 = arith.constant 0 : i32
    %dma_start3A_155 = tpu.memref_slice %arg4[%add3A_146, %dma_start3A_154] : memref<51200x1024xf32, #tpu.memory_space<hbm>> -> memref<8x1024xf32, #tpu.memory_space<hbm>>
    %dma_start3A_156 = arith.constant 0 : i32
    %dma_start3A_157 = arith.constant 0 : i32
    %dma_start3A_158 = tpu.memref_slice %arg6[%dma_start3A_147, %dma_start3A_156, %dma_start3A_157] : memref<10x8x1024xf32, #tpu.memory_space<vmem>> -> memref<1x8x1024xf32, #tpu.memory_space<vmem>>
    %dma_start3A_159 = tpu.memref_squeeze %dma_start3A_158 : memref<1x8x1024xf32, #tpu.memory_space<vmem>> -> memref<8x1024xf32, #tpu.memory_space<vmem>>
    tpu.enqueue_dma source(%dma_start3A_159 : memref<8x1024xf32, #tpu.memory_space<vmem>>) target(%dma_start3A_155 : memref<8x1024xf32, #tpu.memory_space<hbm>>) target_semaphore(%arg18 : memref<!tpu.dma_semaphore, #tpu.memory_space<semaphore_mem>>)
    %dma_wait3A_160 = arith.constant 2 : i32
    %dma_wait3A_161 = arith.constant 0 : i32
    %dma_wait3A_162 = arith.constant 0 : i32
    %dma_wait3A_163 = tpu.memref_slice %arg6[%dma_wait3A_160, %dma_wait3A_161, %dma_wait3A_162] : memref<10x8x1024xf32, #tpu.memory_space<vmem>> -> memref<1x8x1024xf32, #tpu.memory_space<vmem>>
    %dma_wait3A_164 = tpu.memref_squeeze %dma_wait3A_163 : memref<1x8x1024xf32, #tpu.memory_space<vmem>> -> memref<8x1024xf32, #tpu.memory_space<vmem>>
    %dma_wait3A_165 = arith.constant 1536 : i32
    %dma_wait3A_166 = tpu.memref_slice %arg5[%dma_wait3A_165] : memref<1600xi32, #tpu.memory_space<vmem>> -> memref<8xi32, #tpu.memory_space<vmem>>
    %dma_wait3A_167 = arith.constant 0 : i32
    %dma_wait3A_168 = arith.constant 0 : i32
    %dma_wait3A_169 = tpu.memref_slice %arg3[%dma_wait3A_167, %dma_wait3A_168] : memref<50000x1024xf32, #tpu.memory_space<hbm>> -> memref<50000x1024xf32, #tpu.memory_space<hbm>>
    tpu.wait_indirect_dma semaphore(%arg9 : memref<!tpu.dma_semaphore, #tpu.memory_space<semaphore_mem>>) src(%dma_wait3A_169 : memref<50000x1024xf32, #tpu.memory_space<hbm>>) dst(%dma_wait3A_164 : memref<8x1024xf32, #tpu.memory_space<vmem>>)
    %add3A_170 = arith.constant 49152 : i32
    %add3A_171 = arith.addi %add3A_170, %mul3A_2 : i32
    %add3A_172 = arith.constant 0 : i32
    %add3A_173 = arith.addi %add3A_171, %add3A_172 : i32
    %dma_start3A_174 = arith.constant 2 : i32
    %dma_start3A_175 = arith.constant 0 : i32
    %dma_start3A_176 = arith.constant 0 : i32
    %dma_start3A_177 = tpu.memref_slice %arg6[%dma_start3A_174, %dma_start3A_175, %dma_start3A_176] : memref<10x8x1024xf32, #tpu.memory_space<vmem>> -> memref<1x8x1024xf32, #tpu.memory_space<vmem>>
    %dma_start3A_178 = tpu.memref_squeeze %dma_start3A_177 : memref<1x8x1024xf32, #tpu.memory_space<vmem>> -> memref<8x1024xf32, #tpu.memory_space<vmem>>
    %dma_start3A_179 = arith.constant 0 : i32
    %dma_start3A_180 = tpu.memref_slice %arg4[%add3A_173, %dma_start3A_179] : memref<51200x1024xf32, #tpu.memory_space<hbm>> -> memref<8x1024xf32, #tpu.memory_space<hbm>>
    %dma_start3A_181 = arith.constant 0 : i32
    %dma_start3A_182 = tpu.memref_slice %arg4[%add3A_173, %dma_start3A_181] : memref<51200x1024xf32, #tpu.memory_space<hbm>> -> memref<8x1024xf32, #tpu.memory_space<hbm>>
    %dma_start3A_183 = arith.constant 0 : i32
    %dma_start3A_184 = arith.constant 0 : i32
    %dma_start3A_185 = tpu.memref_slice %arg6[%dma_start3A_174, %dma_start3A_183, %dma_start3A_184] : memref<10x8x1024xf32, #tpu.memory_space<vmem>> -> memref<1x8x1024xf32, #tpu.memory_space<vmem>>
    %dma_start3A_186 = tpu.memref_squeeze %dma_start3A_185 : memref<1x8x1024xf32, #tpu.memory_space<vmem>> -> memref<8x1024xf32, #tpu.memory_space<vmem>>
    tpu.enqueue_dma source(%dma_start3A_186 : memref<8x1024xf32, #tpu.memory_space<vmem>>) target(%dma_start3A_182 : memref<8x1024xf32, #tpu.memory_space<hbm>>) target_semaphore(%arg19 : memref<!tpu.dma_semaphore, #tpu.memory_space<semaphore_mem>>)
    %dma_wait3A_187 = arith.constant 3 : i32
    %dma_wait3A_188 = arith.constant 0 : i32
    %dma_wait3A_189 = arith.constant 0 : i32
    %dma_wait3A_190 = tpu.memref_slice %arg6[%dma_wait3A_187, %dma_wait3A_188, %dma_wait3A_189] : memref<10x8x1024xf32, #tpu.memory_space<vmem>> -> memref<1x8x1024xf32, #tpu.memory_space<vmem>>
    %dma_wait3A_191 = tpu.memref_squeeze %dma_wait3A_190 : memref<1x8x1024xf32, #tpu.memory_space<vmem>> -> memref<8x1024xf32, #tpu.memory_space<vmem>>
    %dma_wait3A_192 = arith.constant 1544 : i32
    %dma_wait3A_193 = tpu.memref_slice %arg5[%dma_wait3A_192] : memref<1600xi32, #tpu.memory_space<vmem>> -> memref<8xi32, #tpu.memory_space<vmem>>
    %dma_wait3A_194 = arith.constant 0 : i32
    %dma_wait3A_195 = arith.constant 0 : i32
    %dma_wait3A_196 = tpu.memref_slice %arg3[%dma_wait3A_194, %dma_wait3A_195] : memref<50000x1024xf32, #tpu.memory_space<hbm>> -> memref<50000x1024xf32, #tpu.memory_space<hbm>>
    tpu.wait_indirect_dma semaphore(%arg10 : memref<!tpu.dma_semaphore, #tpu.memory_space<semaphore_mem>>) src(%dma_wait3A_196 : memref<50000x1024xf32, #tpu.memory_space<hbm>>) dst(%dma_wait3A_191 : memref<8x1024xf32, #tpu.memory_space<vmem>>)
    %add3A_197 = arith.constant 49152 : i32
    %add3A_198 = arith.addi %add3A_197, %mul3A_2 : i32
    %add3A_199 = arith.constant 8 : i32
    %add3A_200 = arith.addi %add3A_198, %add3A_199 : i32
    %dma_start3A_201 = arith.constant 3 : i32
    %dma_start3A_202 = arith.constant 0 : i32
    %dma_start3A_203 = arith.constant 0 : i32
    %dma_start3A_204 = tpu.memref_slice %arg6[%dma_start3A_201, %dma_start3A_202, %dma_start3A_203] : memref<10x8x1024xf32, #tpu.memory_space<vmem>> -> memref<1x8x1024xf32, #tpu.memory_space<vmem>>
    %dma_start3A_205 = tpu.memref_squeeze %dma_start3A_204 : memref<1x8x1024xf32, #tpu.memory_space<vmem>> -> memref<8x1024xf32, #tpu.memory_space<vmem>>
    %dma_start3A_206 = arith.constant 0 : i32
    %dma_start3A_207 = tpu.memref_slice %arg4[%add3A_200, %dma_start3A_206] : memref<51200x1024xf32, #tpu.memory_space<hbm>> -> memref<8x1024xf32, #tpu.memory_space<hbm>>
    %dma_start3A_208 = arith.constant 0 : i32
    %dma_start3A_209 = tpu.memref_slice %arg4[%add3A_200, %dma_start3A_208] : memref<51200x1024xf32, #tpu.memory_space<hbm>> -> memref<8x1024xf32, #tpu.memory_space<hbm>>
    %dma_start3A_210 = arith.constant 0 : i32
    %dma_start3A_211 = arith.constant 0 : i32
    %dma_start3A_212 = tpu.memref_slice %arg6[%dma_start3A_201, %dma_start3A_210, %dma_start3A_211] : memref<10x8x1024xf32, #tpu.memory_space<vmem>> -> memref<1x8x1024xf32, #tpu.memory_space<vmem>>
    %dma_start3A_213 = tpu.memref_squeeze %dma_start3A_212 : memref<1x8x1024xf32, #tpu.memory_space<vmem>> -> memref<8x1024xf32, #tpu.memory_space<vmem>>
    tpu.enqueue_dma source(%dma_start3A_213 : memref<8x1024xf32, #tpu.memory_space<vmem>>) target(%dma_start3A_209 : memref<8x1024xf32, #tpu.memory_space<hbm>>) target_semaphore(%arg20 : memref<!tpu.dma_semaphore, #tpu.memory_space<semaphore_mem>>)
    %dma_wait3A_214 = arith.constant 4 : i32
    %dma_wait3A_215 = arith.constant 0 : i32
    %dma_wait3A_216 = arith.constant 0 : i32
    %dma_wait3A_217 = tpu.memref_slice %arg6[%dma_wait3A_214, %dma_wait3A_215, %dma_wait3A_216] : memref<10x8x1024xf32, #tpu.memory_space<vmem>> -> memref<1x8x1024xf32, #tpu.memory_space<vmem>>
    %dma_wait3A_218 = tpu.memref_squeeze %dma_wait3A_217 : memref<1x8x1024xf32, #tpu.memory_space<vmem>> -> memref<8x1024xf32, #tpu.memory_space<vmem>>
    %dma_wait3A_219 = arith.constant 1552 : i32
    %dma_wait3A_220 = tpu.memref_slice %arg5[%dma_wait3A_219] : memref<1600xi32, #tpu.memory_space<vmem>> -> memref<8xi32, #tpu.memory_space<vmem>>
    %dma_wait3A_221 = arith.constant 0 : i32
    %dma_wait3A_222 = arith.constant 0 : i32
    %dma_wait3A_223 = tpu.memref_slice %arg3[%dma_wait3A_221, %dma_wait3A_222] : memref<50000x1024xf32, #tpu.memory_space<hbm>> -> memref<50000x1024xf32, #tpu.memory_space<hbm>>
    tpu.wait_indirect_dma semaphore(%arg11 : memref<!tpu.dma_semaphore, #tpu.memory_space<semaphore_mem>>) src(%dma_wait3A_223 : memref<50000x1024xf32, #tpu.memory_space<hbm>>) dst(%dma_wait3A_218 : memref<8x1024xf32, #tpu.memory_space<vmem>>)
    %add3A_224 = arith.constant 49152 : i32
    %add3A_225 = arith.addi %add3A_224, %mul3A_2 : i32
    %add3A_226 = arith.constant 16 : i32
    %add3A_227 = arith.addi %add3A_225, %add3A_226 : i32
    %dma_start3A_228 = arith.constant 4 : i32
    %dma_start3A_229 = arith.constant 0 : i32
    %dma_start3A_230 = arith.constant 0 : i32
    %dma_start3A_231 = tpu.memref_slice %arg6[%dma_start3A_228, %dma_start3A_229, %dma_start3A_230] : memref<10x8x1024xf32, #tpu.memory_space<vmem>> -> memref<1x8x1024xf32, #tpu.memory_space<vmem>>
    %dma_start3A_232 = tpu.memref_squeeze %dma_start3A_231 : memref<1x8x1024xf32, #tpu.memory_space<vmem>> -> memref<8x1024xf32, #tpu.memory_space<vmem>>
    %dma_start3A_233 = arith.constant 0 : i32
    %dma_start3A_234 = tpu.memref_slice %arg4[%add3A_227, %dma_start3A_233] : memref<51200x1024xf32, #tpu.memory_space<hbm>> -> memref<8x1024xf32, #tpu.memory_space<hbm>>
    %dma_start3A_235 = arith.constant 0 : i32
    %dma_start3A_236 = tpu.memref_slice %arg4[%add3A_227, %dma_start3A_235] : memref<51200x1024xf32, #tpu.memory_space<hbm>> -> memref<8x1024xf32, #tpu.memory_space<hbm>>
    %dma_start3A_237 = arith.constant 0 : i32
    %dma_start3A_238 = arith.constant 0 : i32
    %dma_start3A_239 = tpu.memref_slice %arg6[%dma_start3A_228, %dma_start3A_237, %dma_start3A_238] : memref<10x8x1024xf32, #tpu.memory_space<vmem>> -> memref<1x8x1024xf32, #tpu.memory_space<vmem>>
    %dma_start3A_240 = tpu.memref_squeeze %dma_start3A_239 : memref<1x8x1024xf32, #tpu.memory_space<vmem>> -> memref<8x1024xf32, #tpu.memory_space<vmem>>
    tpu.enqueue_dma source(%dma_start3A_240 : memref<8x1024xf32, #tpu.memory_space<vmem>>) target(%dma_start3A_236 : memref<8x1024xf32, #tpu.memory_space<hbm>>) target_semaphore(%arg21 : memref<!tpu.dma_semaphore, #tpu.memory_space<semaphore_mem>>)
    %dma_wait3A_241 = arith.constant 5 : i32
    %dma_wait3A_242 = arith.constant 0 : i32
    %dma_wait3A_243 = arith.constant 0 : i32
    %dma_wait3A_244 = tpu.memref_slice %arg6[%dma_wait3A_241, %dma_wait3A_242, %dma_wait3A_243] : memref<10x8x1024xf32, #tpu.memory_space<vmem>> -> memref<1x8x1024xf32, #tpu.memory_space<vmem>>
    %dma_wait3A_245 = tpu.memref_squeeze %dma_wait3A_244 : memref<1x8x1024xf32, #tpu.memory_space<vmem>> -> memref<8x1024xf32, #tpu.memory_space<vmem>>
    %dma_wait3A_246 = arith.constant 1560 : i32
    %dma_wait3A_247 = tpu.memref_slice %arg5[%dma_wait3A_246] : memref<1600xi32, #tpu.memory_space<vmem>> -> memref<8xi32, #tpu.memory_space<vmem>>
    %dma_wait3A_248 = arith.constant 0 : i32
    %dma_wait3A_249 = arith.constant 0 : i32
    %dma_wait3A_250 = tpu.memref_slice %arg3[%dma_wait3A_248, %dma_wait3A_249] : memref<50000x1024xf32, #tpu.memory_space<hbm>> -> memref<50000x1024xf32, #tpu.memory_space<hbm>>
    tpu.wait_indirect_dma semaphore(%arg12 : memref<!tpu.dma_semaphore, #tpu.memory_space<semaphore_mem>>) src(%dma_wait3A_250 : memref<50000x1024xf32, #tpu.memory_space<hbm>>) dst(%dma_wait3A_245 : memref<8x1024xf32, #tpu.memory_space<vmem>>)
    %add3A_251 = arith.constant 49152 : i32
    %add3A_252 = arith.addi %add3A_251, %mul3A_2 : i32
    %add3A_253 = arith.constant 24 : i32
    %add3A_254 = arith.addi %add3A_252, %add3A_253 : i32
    %dma_start3A_255 = arith.constant 5 : i32
    %dma_start3A_256 = arith.constant 0 : i32
    %dma_start3A_257 = arith.constant 0 : i32
    %dma_start3A_258 = tpu.memref_slice %arg6[%dma_start3A_255, %dma_start3A_256, %dma_start3A_257] : memref<10x8x1024xf32, #tpu.memory_space<vmem>> -> memref<1x8x1024xf32, #tpu.memory_space<vmem>>
    %dma_start3A_259 = tpu.memref_squeeze %dma_start3A_258 : memref<1x8x1024xf32, #tpu.memory_space<vmem>> -> memref<8x1024xf32, #tpu.memory_space<vmem>>
    %dma_start3A_260 = arith.constant 0 : i32
    %dma_start3A_261 = tpu.memref_slice %arg4[%add3A_254, %dma_start3A_260] : memref<51200x1024xf32, #tpu.memory_space<hbm>> -> memref<8x1024xf32, #tpu.memory_space<hbm>>
    %dma_start3A_262 = arith.constant 0 : i32
    %dma_start3A_263 = tpu.memref_slice %arg4[%add3A_254, %dma_start3A_262] : memref<51200x1024xf32, #tpu.memory_space<hbm>> -> memref<8x1024xf32, #tpu.memory_space<hbm>>
    %dma_start3A_264 = arith.constant 0 : i32
    %dma_start3A_265 = arith.constant 0 : i32
    %dma_start3A_266 = tpu.memref_slice %arg6[%dma_start3A_255, %dma_start3A_264, %dma_start3A_265] : memref<10x8x1024xf32, #tpu.memory_space<vmem>> -> memref<1x8x1024xf32, #tpu.memory_space<vmem>>
    %dma_start3A_267 = tpu.memref_squeeze %dma_start3A_266 : memref<1x8x1024xf32, #tpu.memory_space<vmem>> -> memref<8x1024xf32, #tpu.memory_space<vmem>>
    tpu.enqueue_dma source(%dma_start3A_267 : memref<8x1024xf32, #tpu.memory_space<vmem>>) target(%dma_start3A_263 : memref<8x1024xf32, #tpu.memory_space<hbm>>) target_semaphore(%arg22 : memref<!tpu.dma_semaphore, #tpu.memory_space<semaphore_mem>>)
    %dma_wait3A_268 = arith.constant 6 : i32
    %dma_wait3A_269 = arith.constant 0 : i32
    %dma_wait3A_270 = arith.constant 0 : i32
    %dma_wait3A_271 = tpu.memref_slice %arg6[%dma_wait3A_268, %dma_wait3A_269, %dma_wait3A_270] : memref<10x8x1024xf32, #tpu.memory_space<vmem>> -> memref<1x8x1024xf32, #tpu.memory_space<vmem>>
    %dma_wait3A_272 = tpu.memref_squeeze %dma_wait3A_271 : memref<1x8x1024xf32, #tpu.memory_space<vmem>> -> memref<8x1024xf32, #tpu.memory_space<vmem>>
    %dma_wait3A_273 = arith.constant 1568 : i32
    %dma_wait3A_274 = tpu.memref_slice %arg5[%dma_wait3A_273] : memref<1600xi32, #tpu.memory_space<vmem>> -> memref<8xi32, #tpu.memory_space<vmem>>
    %dma_wait3A_275 = arith.constant 0 : i32
    %dma_wait3A_276 = arith.constant 0 : i32
    %dma_wait3A_277 = tpu.memref_slice %arg3[%dma_wait3A_275, %dma_wait3A_276] : memref<50000x1024xf32, #tpu.memory_space<hbm>> -> memref<50000x1024xf32, #tpu.memory_space<hbm>>
    tpu.wait_indirect_dma semaphore(%arg13 : memref<!tpu.dma_semaphore, #tpu.memory_space<semaphore_mem>>) src(%dma_wait3A_277 : memref<50000x1024xf32, #tpu.memory_space<hbm>>) dst(%dma_wait3A_272 : memref<8x1024xf32, #tpu.memory_space<vmem>>)
    %add3A_278 = arith.constant 50176 : i32
    %add3A_279 = arith.addi %add3A_278, %mul3A_2 : i32
    %add3A_280 = arith.constant 0 : i32
    %add3A_281 = arith.addi %add3A_279, %add3A_280 : i32
    %dma_start3A_282 = arith.constant 6 : i32
    %dma_start3A_283 = arith.constant 0 : i32
    %dma_start3A_284 = arith.constant 0 : i32
    %dma_start3A_285 = tpu.memref_slice %arg6[%dma_start3A_282, %dma_start3A_283, %dma_start3A_284] : memref<10x8x1024xf32, #tpu.memory_space<vmem>> -> memref<1x8x1024xf32, #tpu.memory_space<vmem>>
    %dma_start3A_286 = tpu.memref_squeeze %dma_start3A_285 : memref<1x8x1024xf32, #tpu.memory_space<vmem>> -> memref<8x1024xf32, #tpu.memory_space<vmem>>
    %dma_start3A_287 = arith.constant 0 : i32
    %dma_start3A_288 = tpu.memref_slice %arg4[%add3A_281, %dma_start3A_287] : memref<51200x1024xf32, #tpu.memory_space<hbm>> -> memref<8x1024xf32, #tpu.memory_space<hbm>>
    %dma_start3A_289 = arith.constant 0 : i32
    %dma_start3A_290 = tpu.memref_slice %arg4[%add3A_281, %dma_start3A_289] : memref<51200x1024xf32, #tpu.memory_space<hbm>> -> memref<8x1024xf32, #tpu.memory_space<hbm>>
    %dma_start3A_291 = arith.constant 0 : i32
    %dma_start3A_292 = arith.constant 0 : i32
    %dma_start3A_293 = tpu.memref_slice %arg6[%dma_start3A_282, %dma_start3A_291, %dma_start3A_292] : memref<10x8x1024xf32, #tpu.memory_space<vmem>> -> memref<1x8x1024xf32, #tpu.memory_space<vmem>>
    %dma_start3A_294 = tpu.memref_squeeze %dma_start3A_293 : memref<1x8x1024xf32, #tpu.memory_space<vmem>> -> memref<8x1024xf32, #tpu.memory_space<vmem>>
    tpu.enqueue_dma source(%dma_start3A_294 : memref<8x1024xf32, #tpu.memory_space<vmem>>) target(%dma_start3A_290 : memref<8x1024xf32, #tpu.memory_space<hbm>>) target_semaphore(%arg23 : memref<!tpu.dma_semaphore, #tpu.memory_space<semaphore_mem>>)
    %dma_wait3A_295 = arith.constant 7 : i32
    %dma_wait3A_296 = arith.constant 0 : i32
    %dma_wait3A_297 = arith.constant 0 : i32
    %dma_wait3A_298 = tpu.memref_slice %arg6[%dma_wait3A_295, %dma_wait3A_296, %dma_wait3A_297] : memref<10x8x1024xf32, #tpu.memory_space<vmem>> -> memref<1x8x1024xf32, #tpu.memory_space<vmem>>
    %dma_wait3A_299 = tpu.memref_squeeze %dma_wait3A_298 : memref<1x8x1024xf32, #tpu.memory_space<vmem>> -> memref<8x1024xf32, #tpu.memory_space<vmem>>
    %dma_wait3A_300 = arith.constant 1576 : i32
    %dma_wait3A_301 = tpu.memref_slice %arg5[%dma_wait3A_300] : memref<1600xi32, #tpu.memory_space<vmem>> -> memref<8xi32, #tpu.memory_space<vmem>>
    %dma_wait3A_302 = arith.constant 0 : i32
    %dma_wait3A_303 = arith.constant 0 : i32
    %dma_wait3A_304 = tpu.memref_slice %arg3[%dma_wait3A_302, %dma_wait3A_303] : memref<50000x1024xf32, #tpu.memory_space<hbm>> -> memref<50000x1024xf32, #tpu.memory_space<hbm>>
    tpu.wait_indirect_dma semaphore(%arg14 : memref<!tpu.dma_semaphore, #tpu.memory_space<semaphore_mem>>) src(%dma_wait3A_304 : memref<50000x1024xf32, #tpu.memory_space<hbm>>) dst(%dma_wait3A_299 : memref<8x1024xf32, #tpu.memory_space<vmem>>)
    %add3A_305 = arith.constant 50176 : i32
    %add3A_306 = arith.addi %add3A_305, %mul3A_2 : i32
    %add3A_307 = arith.constant 8 : i32
    %add3A_308 = arith.addi %add3A_306, %add3A_307 : i32
    %dma_start3A_309 = arith.constant 7 : i32
    %dma_start3A_310 = arith.constant 0 : i32
    %dma_start3A_311 = arith.constant 0 : i32
    %dma_start3A_312 = tpu.memref_slice %arg6[%dma_start3A_309, %dma_start3A_310, %dma_start3A_311] : memref<10x8x1024xf32, #tpu.memory_space<vmem>> -> memref<1x8x1024xf32, #tpu.memory_space<vmem>>
    %dma_start3A_313 = tpu.memref_squeeze %dma_start3A_312 : memref<1x8x1024xf32, #tpu.memory_space<vmem>> -> memref<8x1024xf32, #tpu.memory_space<vmem>>
    %dma_start3A_314 = arith.constant 0 : i32
    %dma_start3A_315 = tpu.memref_slice %arg4[%add3A_308, %dma_start3A_314] : memref<51200x1024xf32, #tpu.memory_space<hbm>> -> memref<8x1024xf32, #tpu.memory_space<hbm>>
    %dma_start3A_316 = arith.constant 0 : i32
    %dma_start3A_317 = tpu.memref_slice %arg4[%add3A_308, %dma_start3A_316] : memref<51200x1024xf32, #tpu.memory_space<hbm>> -> memref<8x1024xf32, #tpu.memory_space<hbm>>
    %dma_start3A_318 = arith.constant 0 : i32
    %dma_start3A_319 = arith.constant 0 : i32
    %dma_start3A_320 = tpu.memref_slice %arg6[%dma_start3A_309, %dma_start3A_318, %dma_start3A_319] : memref<10x8x1024xf32, #tpu.memory_space<vmem>> -> memref<1x8x1024xf32, #tpu.memory_space<vmem>>
    %dma_start3A_321 = tpu.memref_squeeze %dma_start3A_320 : memref<1x8x1024xf32, #tpu.memory_space<vmem>> -> memref<8x1024xf32, #tpu.memory_space<vmem>>
    tpu.enqueue_dma source(%dma_start3A_321 : memref<8x1024xf32, #tpu.memory_space<vmem>>) target(%dma_start3A_317 : memref<8x1024xf32, #tpu.memory_space<hbm>>) target_semaphore(%arg24 : memref<!tpu.dma_semaphore, #tpu.memory_space<semaphore_mem>>)
    %dma_wait3A_322 = arith.constant 8 : i32
    %dma_wait3A_323 = arith.constant 0 : i32
    %dma_wait3A_324 = arith.constant 0 : i32
    %dma_wait3A_325 = tpu.memref_slice %arg6[%dma_wait3A_322, %dma_wait3A_323, %dma_wait3A_324] : memref<10x8x1024xf32, #tpu.memory_space<vmem>> -> memref<1x8x1024xf32, #tpu.memory_space<vmem>>
    %dma_wait3A_326 = tpu.memref_squeeze %dma_wait3A_325 : memref<1x8x1024xf32, #tpu.memory_space<vmem>> -> memref<8x1024xf32, #tpu.memory_space<vmem>>
    %dma_wait3A_327 = arith.constant 1584 : i32
    %dma_wait3A_328 = tpu.memref_slice %arg5[%dma_wait3A_327] : memref<1600xi32, #tpu.memory_space<vmem>> -> memref<8xi32, #tpu.memory_space<vmem>>
    %dma_wait3A_329 = arith.constant 0 : i32
    %dma_wait3A_330 = arith.constant 0 : i32
    %dma_wait3A_331 = tpu.memref_slice %arg3[%dma_wait3A_329, %dma_wait3A_330] : memref<50000x1024xf32, #tpu.memory_space<hbm>> -> memref<50000x1024xf32, #tpu.memory_space<hbm>>
    tpu.wait_indirect_dma semaphore(%arg15 : memref<!tpu.dma_semaphore, #tpu.memory_space<semaphore_mem>>) src(%dma_wait3A_331 : memref<50000x1024xf32, #tpu.memory_space<hbm>>) dst(%dma_wait3A_326 : memref<8x1024xf32, #tpu.memory_space<vmem>>)
    %add3A_332 = arith.constant 50176 : i32
    %add3A_333 = arith.addi %add3A_332, %mul3A_2 : i32
    %add3A_334 = arith.constant 16 : i32
    %add3A_335 = arith.addi %add3A_333, %add3A_334 : i32
    %dma_start3A_336 = arith.constant 8 : i32
    %dma_start3A_337 = arith.constant 0 : i32
    %dma_start3A_338 = arith.constant 0 : i32
    %dma_start3A_339 = tpu.memref_slice %arg6[%dma_start3A_336, %dma_start3A_337, %dma_start3A_338] : memref<10x8x1024xf32, #tpu.memory_space<vmem>> -> memref<1x8x1024xf32, #tpu.memory_space<vmem>>
    %dma_start3A_340 = tpu.memref_squeeze %dma_start3A_339 : memref<1x8x1024xf32, #tpu.memory_space<vmem>> -> memref<8x1024xf32, #tpu.memory_space<vmem>>
    %dma_start3A_341 = arith.constant 0 : i32
    %dma_start3A_342 = tpu.memref_slice %arg4[%add3A_335, %dma_start3A_341] : memref<51200x1024xf32, #tpu.memory_space<hbm>> -> memref<8x1024xf32, #tpu.memory_space<hbm>>
    %dma_start3A_343 = arith.constant 0 : i32
    %dma_start3A_344 = tpu.memref_slice %arg4[%add3A_335, %dma_start3A_343] : memref<51200x1024xf32, #tpu.memory_space<hbm>> -> memref<8x1024xf32, #tpu.memory_space<hbm>>
    %dma_start3A_345 = arith.constant 0 : i32
    %dma_start3A_346 = arith.constant 0 : i32
    %dma_start3A_347 = tpu.memref_slice %arg6[%dma_start3A_336, %dma_start3A_345, %dma_start3A_346] : memref<10x8x1024xf32, #tpu.memory_space<vmem>> -> memref<1x8x1024xf32, #tpu.memory_space<vmem>>
    %dma_start3A_348 = tpu.memref_squeeze %dma_start3A_347 : memref<1x8x1024xf32, #tpu.memory_space<vmem>> -> memref<8x1024xf32, #tpu.memory_space<vmem>>
    tpu.enqueue_dma source(%dma_start3A_348 : memref<8x1024xf32, #tpu.memory_space<vmem>>) target(%dma_start3A_344 : memref<8x1024xf32, #tpu.memory_space<hbm>>) target_semaphore(%arg25 : memref<!tpu.dma_semaphore, #tpu.memory_space<semaphore_mem>>)
    %dma_wait3A_349 = arith.constant 9 : i32
    %dma_wait3A_350 = arith.constant 0 : i32
    %dma_wait3A_351 = arith.constant 0 : i32
    %dma_wait3A_352 = tpu.memref_slice %arg6[%dma_wait3A_349, %dma_wait3A_350, %dma_wait3A_351] : memref<10x8x1024xf32, #tpu.memory_space<vmem>> -> memref<1x8x1024xf32, #tpu.memory_space<vmem>>
    %dma_wait3A_353 = tpu.memref_squeeze %dma_wait3A_352 : memref<1x8x1024xf32, #tpu.memory_space<vmem>> -> memref<8x1024xf32, #tpu.memory_space<vmem>>
    %dma_wait3A_354 = arith.constant 1592 : i32
    %dma_wait3A_355 = tpu.memref_slice %arg5[%dma_wait3A_354] : memref<1600xi32, #tpu.memory_space<vmem>> -> memref<8xi32, #tpu.memory_space<vmem>>
    %dma_wait3A_356 = arith.constant 0 : i32
    %dma_wait3A_357 = arith.constant 0 : i32
    %dma_wait3A_358 = tpu.memref_slice %arg3[%dma_wait3A_356, %dma_wait3A_357] : memref<50000x1024xf32, #tpu.memory_space<hbm>> -> memref<50000x1024xf32, #tpu.memory_space<hbm>>
    tpu.wait_indirect_dma semaphore(%arg16 : memref<!tpu.dma_semaphore, #tpu.memory_space<semaphore_mem>>) src(%dma_wait3A_358 : memref<50000x1024xf32, #tpu.memory_space<hbm>>) dst(%dma_wait3A_353 : memref<8x1024xf32, #tpu.memory_space<vmem>>)
    %add3A_359 = arith.constant 50176 : i32
    %add3A_360 = arith.addi %add3A_359, %mul3A_2 : i32
    %add3A_361 = arith.constant 24 : i32
    %add3A_362 = arith.addi %add3A_360, %add3A_361 : i32
    %dma_start3A_363 = arith.constant 9 : i32
    %dma_start3A_364 = arith.constant 0 : i32
    %dma_start3A_365 = arith.constant 0 : i32
    %dma_start3A_366 = tpu.memref_slice %arg6[%dma_start3A_363, %dma_start3A_364, %dma_start3A_365] : memref<10x8x1024xf32, #tpu.memory_space<vmem>> -> memref<1x8x1024xf32, #tpu.memory_space<vmem>>
    %dma_start3A_367 = tpu.memref_squeeze %dma_start3A_366 : memref<1x8x1024xf32, #tpu.memory_space<vmem>> -> memref<8x1024xf32, #tpu.memory_space<vmem>>
    %dma_start3A_368 = arith.constant 0 : i32
    %dma_start3A_369 = tpu.memref_slice %arg4[%add3A_362, %dma_start3A_368] : memref<51200x1024xf32, #tpu.memory_space<hbm>> -> memref<8x1024xf32, #tpu.memory_space<hbm>>
    %dma_start3A_370 = arith.constant 0 : i32
    %dma_start3A_371 = tpu.memref_slice %arg4[%add3A_362, %dma_start3A_370] : memref<51200x1024xf32, #tpu.memory_space<hbm>> -> memref<8x1024xf32, #tpu.memory_space<hbm>>
    %dma_start3A_372 = arith.constant 0 : i32
    %dma_start3A_373 = arith.constant 0 : i32
    %dma_start3A_374 = tpu.memref_slice %arg6[%dma_start3A_363, %dma_start3A_372, %dma_start3A_373] : memref<10x8x1024xf32, #tpu.memory_space<vmem>> -> memref<1x8x1024xf32, #tpu.memory_space<vmem>>
    %dma_start3A_375 = tpu.memref_squeeze %dma_start3A_374 : memref<1x8x1024xf32, #tpu.memory_space<vmem>> -> memref<8x1024xf32, #tpu.memory_space<vmem>>
    tpu.enqueue_dma source(%dma_start3A_375 : memref<8x1024xf32, #tpu.memory_space<vmem>>) target(%dma_start3A_371 : memref<8x1024xf32, #tpu.memory_space<hbm>>) target_semaphore(%arg26 : memref<!tpu.dma_semaphore, #tpu.memory_space<semaphore_mem>>)
    %add3A_376 = arith.constant 48128 : i32
    %add3A_377 = arith.addi %add3A_376, %mul3A_2 : i32
    %add3A_378 = arith.constant 16 : i32
    %add3A_379 = arith.addi %add3A_377, %add3A_378 : i32
    %dma_wait3A_380 = arith.constant 0 : i32
    %dma_wait3A_381 = arith.constant 0 : i32
    %dma_wait3A_382 = arith.constant 0 : i32
    %dma_wait3A_383 = tpu.memref_slice %arg6[%dma_wait3A_380, %dma_wait3A_381, %dma_wait3A_382] : memref<10x8x1024xf32, #tpu.memory_space<vmem>> -> memref<1x8x1024xf32, #tpu.memory_space<vmem>>
    %dma_wait3A_384 = tpu.memref_squeeze %dma_wait3A_383 : memref<1x8x1024xf32, #tpu.memory_space<vmem>> -> memref<8x1024xf32, #tpu.memory_space<vmem>>
    %dma_wait3A_385 = arith.constant 0 : i32
    %dma_wait3A_386 = tpu.memref_slice %arg4[%add3A_379, %dma_wait3A_385] : memref<51200x1024xf32, #tpu.memory_space<hbm>> -> memref<8x1024xf32, #tpu.memory_space<hbm>>
    %dma_wait3A_387 = arith.constant 0 : i32
    %dma_wait3A_388 = tpu.memref_slice %arg4[%add3A_379, %dma_wait3A_387] : memref<51200x1024xf32, #tpu.memory_space<hbm>> -> memref<8x1024xf32, #tpu.memory_space<hbm>>
    %dma_wait3A_389 = arith.constant 0 : i32
    %dma_wait3A_390 = arith.constant 0 : i32
    %dma_wait3A_391 = tpu.memref_slice %arg6[%dma_wait3A_380, %dma_wait3A_389, %dma_wait3A_390] : memref<10x8x1024xf32, #tpu.memory_space<vmem>> -> memref<1x8x1024xf32, #tpu.memory_space<vmem>>
    %dma_wait3A_392 = tpu.memref_squeeze %dma_wait3A_391 : memref<1x8x1024xf32, #tpu.memory_space<vmem>> -> memref<8x1024xf32, #tpu.memory_space<vmem>>
    tpu.wait_dma2 semaphore(%arg17 : memref<!tpu.dma_semaphore, #tpu.memory_space<semaphore_mem>>) src(%dma_wait3A_392 : memref<8x1024xf32, #tpu.memory_space<vmem>>) dst(%dma_wait3A_388 : memref<8x1024xf32, #tpu.memory_space<hbm>>)
    %add3A_393 = arith.constant 48128 : i32
    %add3A_394 = arith.addi %add3A_393, %mul3A_2 : i32
    %add3A_395 = arith.constant 24 : i32
    %add3A_396 = arith.addi %add3A_394, %add3A_395 : i32
    %dma_wait3A_397 = arith.constant 1 : i32
    %dma_wait3A_398 = arith.constant 0 : i32
    %dma_wait3A_399 = arith.constant 0 : i32
    %dma_wait3A_400 = tpu.memref_slice %arg6[%dma_wait3A_397, %dma_wait3A_398, %dma_wait3A_399] : memref<10x8x1024xf32, #tpu.memory_space<vmem>> -> memref<1x8x1024xf32, #tpu.memory_space<vmem>>
    %dma_wait3A_401 = tpu.memref_squeeze %dma_wait3A_400 : memref<1x8x1024xf32, #tpu.memory_space<vmem>> -> memref<8x1024xf32, #tpu.memory_space<vmem>>
    %dma_wait3A_402 = arith.constant 0 : i32
    %dma_wait3A_403 = tpu.memref_slice %arg4[%add3A_396, %dma_wait3A_402] : memref<51200x1024xf32, #tpu.memory_space<hbm>> -> memref<8x1024xf32, #tpu.memory_space<hbm>>
    %dma_wait3A_404 = arith.constant 0 : i32
    %dma_wait3A_405 = tpu.memref_slice %arg4[%add3A_396, %dma_wait3A_404] : memref<51200x1024xf32, #tpu.memory_space<hbm>> -> memref<8x1024xf32, #tpu.memory_space<hbm>>
    %dma_wait3A_406 = arith.constant 0 : i32
    %dma_wait3A_407 = arith.constant 0 : i32
    %dma_wait3A_408 = tpu.memref_slice %arg6[%dma_wait3A_397, %dma_wait3A_406, %dma_wait3A_407] : memref<10x8x1024xf32, #tpu.memory_space<vmem>> -> memref<1x8x1024xf32, #tpu.memory_space<vmem>>
    %dma_wait3A_409 = tpu.memref_squeeze %dma_wait3A_408 : memref<1x8x1024xf32, #tpu.memory_space<vmem>> -> memref<8x1024xf32, #tpu.memory_space<vmem>>
    tpu.wait_dma2 semaphore(%arg18 : memref<!tpu.dma_semaphore, #tpu.memory_space<semaphore_mem>>) src(%dma_wait3A_409 : memref<8x1024xf32, #tpu.memory_space<vmem>>) dst(%dma_wait3A_405 : memref<8x1024xf32, #tpu.memory_space<hbm>>)
    %add3A_410 = arith.constant 49152 : i32
    %add3A_411 = arith.addi %add3A_410, %mul3A_2 : i32
    %add3A_412 = arith.constant 0 : i32
    %add3A_413 = arith.addi %add3A_411, %add3A_412 : i32
    %dma_wait3A_414 = arith.constant 2 : i32
    %dma_wait3A_415 = arith.constant 0 : i32
    %dma_wait3A_416 = arith.constant 0 : i32
    %dma_wait3A_417 = tpu.memref_slice %arg6[%dma_wait3A_414, %dma_wait3A_415, %dma_wait3A_416] : memref<10x8x1024xf32, #tpu.memory_space<vmem>> -> memref<1x8x1024xf32, #tpu.memory_space<vmem>>
    %dma_wait3A_418 = tpu.memref_squeeze %dma_wait3A_417 : memref<1x8x1024xf32, #tpu.memory_space<vmem>> -> memref<8x1024xf32, #tpu.memory_space<vmem>>
    %dma_wait3A_419 = arith.constant 0 : i32
    %dma_wait3A_420 = tpu.memref_slice %arg4[%add3A_413, %dma_wait3A_419] : memref<51200x1024xf32, #tpu.memory_space<hbm>> -> memref<8x1024xf32, #tpu.memory_space<hbm>>
    %dma_wait3A_421 = arith.constant 0 : i32
    %dma_wait3A_422 = tpu.memref_slice %arg4[%add3A_413, %dma_wait3A_421] : memref<51200x1024xf32, #tpu.memory_space<hbm>> -> memref<8x1024xf32, #tpu.memory_space<hbm>>
    %dma_wait3A_423 = arith.constant 0 : i32
    %dma_wait3A_424 = arith.constant 0 : i32
    %dma_wait3A_425 = tpu.memref_slice %arg6[%dma_wait3A_414, %dma_wait3A_423, %dma_wait3A_424] : memref<10x8x1024xf32, #tpu.memory_space<vmem>> -> memref<1x8x1024xf32, #tpu.memory_space<vmem>>
    %dma_wait3A_426 = tpu.memref_squeeze %dma_wait3A_425 : memref<1x8x1024xf32, #tpu.memory_space<vmem>> -> memref<8x1024xf32, #tpu.memory_space<vmem>>
    tpu.wait_dma2 semaphore(%arg19 : memref<!tpu.dma_semaphore, #tpu.memory_space<semaphore_mem>>) src(%dma_wait3A_426 : memref<8x1024xf32, #tpu.memory_space<vmem>>) dst(%dma_wait3A_422 : memref<8x1024xf32, #tpu.memory_space<hbm>>)
    %add3A_427 = arith.constant 49152 : i32
    %add3A_428 = arith.addi %add3A_427, %mul3A_2 : i32
    %add3A_429 = arith.constant 8 : i32
    %add3A_430 = arith.addi %add3A_428, %add3A_429 : i32
    %dma_wait3A_431 = arith.constant 3 : i32
    %dma_wait3A_432 = arith.constant 0 : i32
    %dma_wait3A_433 = arith.constant 0 : i32
    %dma_wait3A_434 = tpu.memref_slice %arg6[%dma_wait3A_431, %dma_wait3A_432, %dma_wait3A_433] : memref<10x8x1024xf32, #tpu.memory_space<vmem>> -> memref<1x8x1024xf32, #tpu.memory_space<vmem>>
    %dma_wait3A_435 = tpu.memref_squeeze %dma_wait3A_434 : memref<1x8x1024xf32, #tpu.memory_space<vmem>> -> memref<8x1024xf32, #tpu.memory_space<vmem>>
    %dma_wait3A_436 = arith.constant 0 : i32
    %dma_wait3A_437 = tpu.memref_slice %arg4[%add3A_430, %dma_wait3A_436] : memref<51200x1024xf32, #tpu.memory_space<hbm>> -> memref<8x1024xf32, #tpu.memory_space<hbm>>
    %dma_wait3A_438 = arith.constant 0 : i32
    %dma_wait3A_439 = tpu.memref_slice %arg4[%add3A_430, %dma_wait3A_438] : memref<51200x1024xf32, #tpu.memory_space<hbm>> -> memref<8x1024xf32, #tpu.memory_space<hbm>>
    %dma_wait3A_440 = arith.constant 0 : i32
    %dma_wait3A_441 = arith.constant 0 : i32
    %dma_wait3A_442 = tpu.memref_slice %arg6[%dma_wait3A_431, %dma_wait3A_440, %dma_wait3A_441] : memref<10x8x1024xf32, #tpu.memory_space<vmem>> -> memref<1x8x1024xf32, #tpu.memory_space<vmem>>
    %dma_wait3A_443 = tpu.memref_squeeze %dma_wait3A_442 : memref<1x8x1024xf32, #tpu.memory_space<vmem>> -> memref<8x1024xf32, #tpu.memory_space<vmem>>
    tpu.wait_dma2 semaphore(%arg20 : memref<!tpu.dma_semaphore, #tpu.memory_space<semaphore_mem>>) src(%dma_wait3A_443 : memref<8x1024xf32, #tpu.memory_space<vmem>>) dst(%dma_wait3A_439 : memref<8x1024xf32, #tpu.memory_space<hbm>>)
    %add3A_444 = arith.constant 49152 : i32
    %add3A_445 = arith.addi %add3A_444, %mul3A_2 : i32
    %add3A_446 = arith.constant 16 : i32
    %add3A_447 = arith.addi %add3A_445, %add3A_446 : i32
    %dma_wait3A_448 = arith.constant 4 : i32
    %dma_wait3A_449 = arith.constant 0 : i32
    %dma_wait3A_450 = arith.constant 0 : i32
    %dma_wait3A_451 = tpu.memref_slice %arg6[%dma_wait3A_448, %dma_wait3A_449, %dma_wait3A_450] : memref<10x8x1024xf32, #tpu.memory_space<vmem>> -> memref<1x8x1024xf32, #tpu.memory_space<vmem>>
    %dma_wait3A_452 = tpu.memref_squeeze %dma_wait3A_451 : memref<1x8x1024xf32, #tpu.memory_space<vmem>> -> memref<8x1024xf32, #tpu.memory_space<vmem>>
    %dma_wait3A_453 = arith.constant 0 : i32
    %dma_wait3A_454 = tpu.memref_slice %arg4[%add3A_447, %dma_wait3A_453] : memref<51200x1024xf32, #tpu.memory_space<hbm>> -> memref<8x1024xf32, #tpu.memory_space<hbm>>
    %dma_wait3A_455 = arith.constant 0 : i32
    %dma_wait3A_456 = tpu.memref_slice %arg4[%add3A_447, %dma_wait3A_455] : memref<51200x1024xf32, #tpu.memory_space<hbm>> -> memref<8x1024xf32, #tpu.memory_space<hbm>>
    %dma_wait3A_457 = arith.constant 0 : i32
    %dma_wait3A_458 = arith.constant 0 : i32
    %dma_wait3A_459 = tpu.memref_slice %arg6[%dma_wait3A_448, %dma_wait3A_457, %dma_wait3A_458] : memref<10x8x1024xf32, #tpu.memory_space<vmem>> -> memref<1x8x1024xf32, #tpu.memory_space<vmem>>
    %dma_wait3A_460 = tpu.memref_squeeze %dma_wait3A_459 : memref<1x8x1024xf32, #tpu.memory_space<vmem>> -> memref<8x1024xf32, #tpu.memory_space<vmem>>
    tpu.wait_dma2 semaphore(%arg21 : memref<!tpu.dma_semaphore, #tpu.memory_space<semaphore_mem>>) src(%dma_wait3A_460 : memref<8x1024xf32, #tpu.memory_space<vmem>>) dst(%dma_wait3A_456 : memref<8x1024xf32, #tpu.memory_space<hbm>>)
    %add3A_461 = arith.constant 49152 : i32
    %add3A_462 = arith.addi %add3A_461, %mul3A_2 : i32
    %add3A_463 = arith.constant 24 : i32
    %add3A_464 = arith.addi %add3A_462, %add3A_463 : i32
    %dma_wait3A_465 = arith.constant 5 : i32
    %dma_wait3A_466 = arith.constant 0 : i32
    %dma_wait3A_467 = arith.constant 0 : i32
    %dma_wait3A_468 = tpu.memref_slice %arg6[%dma_wait3A_465, %dma_wait3A_466, %dma_wait3A_467] : memref<10x8x1024xf32, #tpu.memory_space<vmem>> -> memref<1x8x1024xf32, #tpu.memory_space<vmem>>
    %dma_wait3A_469 = tpu.memref_squeeze %dma_wait3A_468 : memref<1x8x1024xf32, #tpu.memory_space<vmem>> -> memref<8x1024xf32, #tpu.memory_space<vmem>>
    %dma_wait3A_470 = arith.constant 0 : i32
    %dma_wait3A_471 = tpu.memref_slice %arg4[%add3A_464, %dma_wait3A_470] : memref<51200x1024xf32, #tpu.memory_space<hbm>> -> memref<8x1024xf32, #tpu.memory_space<hbm>>
    %dma_wait3A_472 = arith.constant 0 : i32
    %dma_wait3A_473 = tpu.memref_slice %arg4[%add3A_464, %dma_wait3A_472] : memref<51200x1024xf32, #tpu.memory_space<hbm>> -> memref<8x1024xf32, #tpu.memory_space<hbm>>
    %dma_wait3A_474 = arith.constant 0 : i32
    %dma_wait3A_475 = arith.constant 0 : i32
    %dma_wait3A_476 = tpu.memref_slice %arg6[%dma_wait3A_465, %dma_wait3A_474, %dma_wait3A_475] : memref<10x8x1024xf32, #tpu.memory_space<vmem>> -> memref<1x8x1024xf32, #tpu.memory_space<vmem>>
    %dma_wait3A_477 = tpu.memref_squeeze %dma_wait3A_476 : memref<1x8x1024xf32, #tpu.memory_space<vmem>> -> memref<8x1024xf32, #tpu.memory_space<vmem>>
    tpu.wait_dma2 semaphore(%arg22 : memref<!tpu.dma_semaphore, #tpu.memory_space<semaphore_mem>>) src(%dma_wait3A_477 : memref<8x1024xf32, #tpu.memory_space<vmem>>) dst(%dma_wait3A_473 : memref<8x1024xf32, #tpu.memory_space<hbm>>)
    %add3A_478 = arith.constant 50176 : i32
    %add3A_479 = arith.addi %add3A_478, %mul3A_2 : i32
    %add3A_480 = arith.constant 0 : i32
    %add3A_481 = arith.addi %add3A_479, %add3A_480 : i32
    %dma_wait3A_482 = arith.constant 6 : i32
    %dma_wait3A_483 = arith.constant 0 : i32
    %dma_wait3A_484 = arith.constant 0 : i32
    %dma_wait3A_485 = tpu.memref_slice %arg6[%dma_wait3A_482, %dma_wait3A_483, %dma_wait3A_484] : memref<10x8x1024xf32, #tpu.memory_space<vmem>> -> memref<1x8x1024xf32, #tpu.memory_space<vmem>>
    %dma_wait3A_486 = tpu.memref_squeeze %dma_wait3A_485 : memref<1x8x1024xf32, #tpu.memory_space<vmem>> -> memref<8x1024xf32, #tpu.memory_space<vmem>>
    %dma_wait3A_487 = arith.constant 0 : i32
    %dma_wait3A_488 = tpu.memref_slice %arg4[%add3A_481, %dma_wait3A_487] : memref<51200x1024xf32, #tpu.memory_space<hbm>> -> memref<8x1024xf32, #tpu.memory_space<hbm>>
    %dma_wait3A_489 = arith.constant 0 : i32
    %dma_wait3A_490 = tpu.memref_slice %arg4[%add3A_481, %dma_wait3A_489] : memref<51200x1024xf32, #tpu.memory_space<hbm>> -> memref<8x1024xf32, #tpu.memory_space<hbm>>
    %dma_wait3A_491 = arith.constant 0 : i32
    %dma_wait3A_492 = arith.constant 0 : i32
    %dma_wait3A_493 = tpu.memref_slice %arg6[%dma_wait3A_482, %dma_wait3A_491, %dma_wait3A_492] : memref<10x8x1024xf32, #tpu.memory_space<vmem>> -> memref<1x8x1024xf32, #tpu.memory_space<vmem>>
    %dma_wait3A_494 = tpu.memref_squeeze %dma_wait3A_493 : memref<1x8x1024xf32, #tpu.memory_space<vmem>> -> memref<8x1024xf32, #tpu.memory_space<vmem>>
    tpu.wait_dma2 semaphore(%arg23 : memref<!tpu.dma_semaphore, #tpu.memory_space<semaphore_mem>>) src(%dma_wait3A_494 : memref<8x1024xf32, #tpu.memory_space<vmem>>) dst(%dma_wait3A_490 : memref<8x1024xf32, #tpu.memory_space<hbm>>)
    %add3A_495 = arith.constant 50176 : i32
    %add3A_496 = arith.addi %add3A_495, %mul3A_2 : i32
    %add3A_497 = arith.constant 8 : i32
    %add3A_498 = arith.addi %add3A_496, %add3A_497 : i32
    %dma_wait3A_499 = arith.constant 7 : i32
    %dma_wait3A_500 = arith.constant 0 : i32
    %dma_wait3A_501 = arith.constant 0 : i32
    %dma_wait3A_502 = tpu.memref_slice %arg6[%dma_wait3A_499, %dma_wait3A_500, %dma_wait3A_501] : memref<10x8x1024xf32, #tpu.memory_space<vmem>> -> memref<1x8x1024xf32, #tpu.memory_space<vmem>>
    %dma_wait3A_503 = tpu.memref_squeeze %dma_wait3A_502 : memref<1x8x1024xf32, #tpu.memory_space<vmem>> -> memref<8x1024xf32, #tpu.memory_space<vmem>>
    %dma_wait3A_504 = arith.constant 0 : i32
    %dma_wait3A_505 = tpu.memref_slice %arg4[%add3A_498, %dma_wait3A_504] : memref<51200x1024xf32, #tpu.memory_space<hbm>> -> memref<8x1024xf32, #tpu.memory_space<hbm>>
    %dma_wait3A_506 = arith.constant 0 : i32
    %dma_wait3A_507 = tpu.memref_slice %arg4[%add3A_498, %dma_wait3A_506] : memref<51200x1024xf32, #tpu.memory_space<hbm>> -> memref<8x1024xf32, #tpu.memory_space<hbm>>
    %dma_wait3A_508 = arith.constant 0 : i32
    %dma_wait3A_509 = arith.constant 0 : i32
    %dma_wait3A_510 = tpu.memref_slice %arg6[%dma_wait3A_499, %dma_wait3A_508, %dma_wait3A_509] : memref<10x8x1024xf32, #tpu.memory_space<vmem>> -> memref<1x8x1024xf32, #tpu.memory_space<vmem>>
    %dma_wait3A_511 = tpu.memref_squeeze %dma_wait3A_510 : memref<1x8x1024xf32, #tpu.memory_space<vmem>> -> memref<8x1024xf32, #tpu.memory_space<vmem>>
    tpu.wait_dma2 semaphore(%arg24 : memref<!tpu.dma_semaphore, #tpu.memory_space<semaphore_mem>>) src(%dma_wait3A_511 : memref<8x1024xf32, #tpu.memory_space<vmem>>) dst(%dma_wait3A_507 : memref<8x1024xf32, #tpu.memory_space<hbm>>)
    %add3A_512 = arith.constant 50176 : i32
    %add3A_513 = arith.addi %add3A_512, %mul3A_2 : i32
    %add3A_514 = arith.constant 16 : i32
    %add3A_515 = arith.addi %add3A_513, %add3A_514 : i32
    %dma_wait3A_516 = arith.constant 8 : i32
    %dma_wait3A_517 = arith.constant 0 : i32
    %dma_wait3A_518 = arith.constant 0 : i32
    %dma_wait3A_519 = tpu.memref_slice %arg6[%dma_wait3A_516, %dma_wait3A_517, %dma_wait3A_518] : memref<10x8x1024xf32, #tpu.memory_space<vmem>> -> memref<1x8x1024xf32, #tpu.memory_space<vmem>>
    %dma_wait3A_520 = tpu.memref_squeeze %dma_wait3A_519 : memref<1x8x1024xf32, #tpu.memory_space<vmem>> -> memref<8x1024xf32, #tpu.memory_space<vmem>>
    %dma_wait3A_521 = arith.constant 0 : i32
    %dma_wait3A_522 = tpu.memref_slice %arg4[%add3A_515, %dma_wait3A_521] : memref<51200x1024xf32, #tpu.memory_space<hbm>> -> memref<8x1024xf32, #tpu.memory_space<hbm>>
    %dma_wait3A_523 = arith.constant 0 : i32
    %dma_wait3A_524 = tpu.memref_slice %arg4[%add3A_515, %dma_wait3A_523] : memref<51200x1024xf32, #tpu.memory_space<hbm>> -> memref<8x1024xf32, #tpu.memory_space<hbm>>
    %dma_wait3A_525 = arith.constant 0 : i32
    %dma_wait3A_526 = arith.constant 0 : i32
    %dma_wait3A_527 = tpu.memref_slice %arg6[%dma_wait3A_516, %dma_wait3A_525, %dma_wait3A_526] : memref<10x8x1024xf32, #tpu.memory_space<vmem>> -> memref<1x8x1024xf32, #tpu.memory_space<vmem>>
    %dma_wait3A_528 = tpu.memref_squeeze %dma_wait3A_527 : memref<1x8x1024xf32, #tpu.memory_space<vmem>> -> memref<8x1024xf32, #tpu.memory_space<vmem>>
    tpu.wait_dma2 semaphore(%arg25 : memref<!tpu.dma_semaphore, #tpu.memory_space<semaphore_mem>>) src(%dma_wait3A_528 : memref<8x1024xf32, #tpu.memory_space<vmem>>) dst(%dma_wait3A_524 : memref<8x1024xf32, #tpu.memory_space<hbm>>)
    %add3A_529 = arith.constant 50176 : i32
    %add3A_530 = arith.addi %add3A_529, %mul3A_2 : i32
    %add3A_531 = arith.constant 24 : i32
    %add3A_532 = arith.addi %add3A_530, %add3A_531 : i32
    %dma_wait3A_533 = arith.constant 9 : i32
    %dma_wait3A_534 = arith.constant 0 : i32
    %dma_wait3A_535 = arith.constant 0 : i32
    %dma_wait3A_536 = tpu.memref_slice %arg6[%dma_wait3A_533, %dma_wait3A_534, %dma_wait3A_535] : memref<10x8x1024xf32, #tpu.memory_space<vmem>> -> memref<1x8x1024xf32, #tpu.memory_space<vmem>>
    %dma_wait3A_537 = tpu.memref_squeeze %dma_wait3A_536 : memref<1x8x1024xf32, #tpu.memory_space<vmem>> -> memref<8x1024xf32, #tpu.memory_space<vmem>>
    %dma_wait3A_538 = arith.constant 0 : i32
    %dma_wait3A_539 = tpu.memref_slice %arg4[%add3A_532, %dma_wait3A_538] : memref<51200x1024xf32, #tpu.memory_space<hbm>> -> memref<8x1024xf32, #tpu.memory_space<hbm>>
    %dma_wait3A_540 = arith.constant 0 : i32
    %dma_wait3A_541 = tpu.memref_slice %arg4[%add3A_532, %dma_wait3A_540] : memref<51200x1024xf32, #tpu.memory_space<hbm>> -> memref<8x1024xf32, #tpu.memory_space<hbm>>
    %dma_wait3A_542 = arith.constant 0 : i32
    %dma_wait3A_543 = arith.constant 0 : i32
    %dma_wait3A_544 = tpu.memref_slice %arg6[%dma_wait3A_533, %dma_wait3A_542, %dma_wait3A_543] : memref<10x8x1024xf32, #tpu.memory_space<vmem>> -> memref<1x8x1024xf32, #tpu.memory_space<vmem>>
    %dma_wait3A_545 = tpu.memref_squeeze %dma_wait3A_544 : memref<1x8x1024xf32, #tpu.memory_space<vmem>> -> memref<8x1024xf32, #tpu.memory_space<vmem>>
    tpu.wait_dma2 semaphore(%arg26 : memref<!tpu.dma_semaphore, #tpu.memory_space<semaphore_mem>>) src(%dma_wait3A_545 : memref<8x1024xf32, #tpu.memory_space<vmem>>) dst(%dma_wait3A_541 : memref<8x1024xf32, #tpu.memory_space<hbm>>)
    return
  }
}

</mosaic_0001>

<sc_bundles>
// kernel: _embed.3.cloned.1.call-start
scs
__scs_entry_jumppad:
0x0: {  	(pc) =	sbr.rel $0x88, $3  }
0x1: {  	(tag) =	ssettag $0x0;
	lr =	simm.s32 $0x1  }
0x2: {  	[smem:$0x3F9F] =	sst lr;
	_ =	strace $0xD0000000  }
0x3: {  	_ = 	snop  }
0x4: {  	_ = 	snop  }
0x5: {  	_ = 	snop  }
0x6: {  	_ = 	snop  }
0x7: {  	_ = 	snop  }
__scs_overlays_trampoline_lowered:
0x8: {  	[smem:$0x3FAE] =	sst s0  }
0x9: {  	[smem:$0x3FAF] =	sst s1  }
0xa: {  	[smem:$0x3FB0] =	sst s2  }
0xb: {  	[smem:$0x3FB1] =	sst s3  }
0xc: {  	[smem:$0x3FB2] =	sst s4  }
0xd: {  	[smem:$0x3FB3] =	sst s5  }
0xe: {  	[smem:$0x3FB4] =	sst s6  }
0xf: {  	[smem:$0x3FB5] =	sst s7  }
0x10: {  	[smem:$0x3FB6] =	sst s8  }
0x11: {  	[smem:$0x3FB7] =	sst s9;
	s0 =	simm.s32 @!p0 $0x0  }
0x12: {  	s1 =	sld [smem:$0x3F9D];
	s0 =	simm.s32 @p0 $0x1  }
0x13: {  	[smem:$0x3FB8] =	sst s0;
	s0 =	simm.s32 @!p1 $0x0  }
0x14: {  	s2 =	sld [smem:$0x3F9C];
	s0 =	simm.s32 @p1 $0x1  }
0x15: {  	[smem:$0x3FB9] =	sst s0;
	s0 =	simm.s32 @!p2 $0x0  }
0x16: {  	s3 =	sld [smem:$0x3FDB];
	s0 =	simm.s32 @p2 $0x1  }
0x17: {  	s4 =	simm.s32 $0x1BF5;
	[smem:$0x3FBB] =	sst s0  }
0x18: {  	s0 =	sld [smem:$0x3F9E];
	_ =	swait.ge [sflag:s4], $0x0  }
0x19: {  	s7 =	sld [smem:$0x3F9F]  }
0x1a: {  	s8 =	sadd.s32 $0xFFFFE003, lr  }
0x1b: {  	s9 =	sadd.s32 $0xFFFFFEF7, lr;
	s5 =	simm.s32 $0xFFFFFFFF;
	p2 =	slt.u32 s8, $0xFFFFF086  }
0x1c: {  	p1 =	slt.u32 s9, $0xF7A;
	s5 =	simm.s32 @!p2 $0x0  }
0x1d: {  	s5 =	simm.s32 @p1 $0x1;
	p0 =	seq.s32 s7, s2  }
0x1e: {  	s7 =	smul.u32 @!p0 $0xF7A, s2;
	p2 =	seq.s32 @!p0 s5, $0x0  }
0x1f: {  	s9 =	smul.u32 $0xF7A, s1;
	s8 =	simm.s32 @!p0 $0x1BF5;
	p2 =	por !p2, p0  }
0x20: {  	[sflag:s8] =	ssyncset.s32 @!p0 $0xFFFFF086;
	s6 =	sadd.s32 @!p0 s3, s7;
	s7 =	simm.s32 @!p0 $0x108  }
0x21: {  	s3 =	sadd.s32 s3, s9;
	s6 =	sadd.s32 @!p0 $0x88, s6;
	s7 =	simm.s32 @p2 $0x1082  }
0x22: {  	[simem:s7], [sflag:s8] =	dma.local @!p0 [hbm:s6], $0xF7A  }
0x23: {  	s9 =	sor.u32 $0xD0000000, s2;
	s6 =	simm.s32 $0x108;
	_ =	swait.ge @!p0 [sflag:s8], $0x0  }
0x24: {  	s3 =	sadd.s32 $0x88, s3;
	s6 =	simm.s32 @!p1 $0x1082;
	[sflag:s4] =	ssyncset.s32 $0xFFFFF086  }
0x25: {  	[simem:s6], [sflag:s4] =	dma.local [hbm:s3], $0xF7A  }
0x26: {  	[smem:$0x3F9F] =	sst s1;
	(tag) =	ssettag s2;
	_ =	strace s9  }
0x27: {  	s1 =	sld [smem:$0x3FAF]  }
0x28: {  	s2 =	sld [smem:$0x3FB0]  }
0x29: {  	s4 =	sld [smem:$0x3FB2]  }
0x2a: {  	p0 =	seq.s32 s5, $0x0;
	s5 =	sld [smem:$0x3FB3]  }
0x2b: {  	s6 =	sld [smem:$0x3FB4]  }
0x2c: {  	s7 =	sld [smem:$0x3FB5]  }
0x2d: {  	s3 =	simm.s32 $0x108;
	s8 =	sld [smem:$0x3FB6]  }
0x2e: {  	s3 =	simm.s32 @!p0 $0x1082;
	s9 =	sld [smem:$0x3FB7]  }
0x2f: {  	lr =	sadd.s32 s0, s3;
	s0 =	sld [smem:$0x3FAE]  }
0x30: {  	s3 =	sld [smem:$0x3FB1]  }
0x31: {  	[smem:$0x3FBA] =	sst s10  }
0x32: {  	s10 =	sld [smem:$0x3FB8];
	_ =	sdelay $0x3  }
0x33: {  	p0 =	seq.s32 s10, $0x1;
	s10 =	sld [smem:$0x3FBA];
	_ =	sdelay $0x3  }
0x34: {  	[smem:$0x3FBA] =	sst s10  }
0x35: {  	s10 =	sld [smem:$0x3FB9];
	_ =	sdelay $0x3  }
0x36: {  	p1 =	seq.s32 s10, $0x1;
	s10 =	sld [smem:$0x3FBA];
	_ =	sdelay $0x3  }
0x37: {  	[smem:$0x3FBA] =	sst s10  }
0x38: {  	s10 =	sld [smem:$0x3FBB]  }
0x39: {  	_ = 	snop;
	(pc) =	sbr.ind lr, $3  }
0x3a: {  	_ = 	snop  }
0x3b: {  	_ = 	snop  }
0x3c: {  	p2 =	seq.s32 s10, $0x1;
	s10 =	sld [smem:$0x3FBA]  }
0x3d: {  	_ =	shalt  }
0x3e: {  	_ =	shalt  }
0x3f: {  	_ =	shalt  }
0x40: {  	_ =	shalt  }
0x41: {  	_ =	shalt  }
0x42: {  	_ =	shalt  }
0x43: {  	_ =	shalt  }
0x44: {  	_ =	shalt  }
0x45: {  	_ =	shalt  }
0x46: {  	_ =	shalt  }
0x47: {  	_ =	shalt  }
0x48: {  	_ =	shalt  }
0x49: {  	_ =	shalt  }
0x4a: {  	_ =	shalt  }
0x4b: {  	_ =	shalt  }
0x4c: {  	_ =	shalt  }
0x4d: {  	_ =	shalt  }
0x4e: {  	_ =	shalt  }
0x4f: {  	_ =	shalt  }
0x50: {  	_ =	shalt  }
0x51: {  	_ =	shalt  }
0x52: {  	_ =	shalt  }
0x53: {  	_ =	shalt  }
0x54: {  	_ =	shalt  }
0x55: {  	_ =	shalt  }
0x56: {  	_ =	shalt  }
0x57: {  	_ =	shalt  }
0x58: {  	_ =	shalt  }
0x59: {  	_ =	shalt  }
0x5a: {  	_ =	shalt  }
0x5b: {  	_ =	shalt  }
0x5c: {  	_ =	shalt  }
0x5d: {  	_ =	shalt  }
0x5e: {  	_ =	shalt  }
0x5f: {  	_ =	shalt  }
0x60: {  	_ =	shalt  }
0x61: {  	_ =	shalt  }
0x62: {  	_ =	shalt  }
0x63: {  	_ =	shalt  }
0x64: {  	_ =	shalt  }
0x65: {  	_ =	shalt  }
0x66: {  	_ =	shalt  }
0x67: {  	_ =	shalt  }
0x68: {  	_ =	shalt  }
0x69: {  	_ =	shalt  }
0x6a: {  	_ =	shalt  }
0x6b: {  	_ =	shalt  }
0x6c: {  	_ =	shalt  }
0x6d: {  	_ =	shalt  }
0x6e: {  	_ =	shalt  }
0x6f: {  	_ =	shalt  }
0x70: {  	_ =	shalt  }
0x71: {  	_ =	shalt  }
0x72: {  	_ =	shalt  }
0x73: {  	_ =	shalt  }
0x74: {  	_ =	shalt  }
0x75: {  	_ =	shalt  }
0x76: {  	_ =	shalt  }
0x77: {  	_ =	shalt  }
0x78: {  	_ =	shalt  }
0x79: {  	_ =	shalt  }
0x7a: {  	_ =	shalt  }
0x7b: {  	_ =	shalt  }
0x7c: {  	_ =	shalt  }
0x7d: {  	_ =	shalt  }
0x7e: {  	_ =	shalt  }
0x7f: {  	_ =	shalt  }
0x80: {  	_ =	shalt  }
0x81: {  	_ =	shalt  }
0x82: {  	_ =	shalt  }
0x83: {  	_ =	shalt  }
0x84: {  	_ =	shalt  }
0x85: {  	_ =	shalt  }
0x86: {  	_ =	shalt  }
0x87: {  	_ =	shalt  }
.Lfunc_end0:
.L_simem_size_0:
called_computation_lowered:
.L_overlay_start_0:
0x88: {  	s2 =	sld [smem:$0x3FD9]  }
0x89: {  	s3 =	sld [smem:$0x3FFE];
	_ =	sdelay $0x1  }
0x8a: {  	s1 =	srdreg.scid  }
0x8b: {  	s0 =	sand.u32 $0x1, s1  }
0x8c: {  	s17 =	sshll.u32 s0, $0xA;
	s2 =	sadd.s32 s3, s2  }
0x8d: {  	s2 =	sadd.s32 s2, s17  }
0x8e: {  	[smem:$0x3FC6] =	sst s2  }
0x8f: {  	_ = 	snop  }
0x90: {  	s2 =	sld [smem:$0x3FC8]  }
0x91: {  	s18 =	sld [smem:$0x3FD0];
	(tm) =	ssettm $0x1  }
0x92: {  	s4 =	sld [smem:$0x3FFB];
	_ =	sdelay $0x3  }
0x93: {  	_ =	strace s4  }
0x94: {  	s4 =	sld [smem:$0x3FFC];
	_ =	sdelay $0x3  }
0x95: {  	_ =	strace s4  }
0x96: {  	s4 =	sld [smem:$0x3FFD];
	_ =	sdelay $0x3  }
0x97: {  	_ =	strace s4  }
0x98: {  	_ =	strace $0x8FFFFFFF  }
0x99: {  	s19 =	sld [smem:$0x3FDB];
	_ =	sdelay $0x1  }
0x9a: {  	s5 =	simm.s32 $_scs_section_size  }
0x9b: {  	s6 =	simm.s32 $_size__tile_overlayer_lowered;
	s7 =	simm.s32 $_tile_overlayer_lowered  }
0x9c: {  	s22 =	simm.s32 $0x1BFF;
	s21 =	sshll.u32 s7, $0x1;
	s4 =	sadd.s32 s5, s19  }
0x9d: {  	s8 =	simm.s32 $0x0;
	s20 =	sshll.u32 s6, $0x1;
	s6 =	sadd.s32 s21, s4  }
0x9e: {  	[timem:s8], [sflag:s22] =	dma.local [hbm:s6], s20  }
0x9f: {  	_ =	swait.ge [sflag:s22], s20  }
0xa0: {  	s5 =	ssub.s32 $0x0, s20;
	[sflag:s22] =	ssyncset.done $0x0  }
0xa1: {  	[sflag:s22] =	ssyncadd.s32 s5;
	_ =	sdelay $0x1  }
0xa2: {  	s23 =	simm.s32 $0x1B8B  }
0xa3: {  	_ =	swait.ge [sflag:s23], $0x1  }
0xa4: {  	[sflag:s23] =	ssyncset.done $0x0  }
0xa5: {  	s25 =	simm.s32 $0x1B8E;
	s24 =	sld [smem:$0x3FFE];
	[sflag:s23] =	ssyncadd.s32 $0xFFFFFFFF  }
0xa6: {  	s26 =	simm.s32 $execute0_lowered;
	[smem:$0x3FD2] =	sst s25  }
0xa7: {  	s6 =	sshll.u32 s26, $0x1;
	_ =	strace $0x80000046;
	[dreg:$0x1] =	wrdreg $0xFFFFFFFF  }
0xa8: {  	s28 =	simm.s32 $_size_execute0_lowered;
	s4 =	sadd.s32 s4, s6;
	[dreg:$0x0] =	wrdreg $0x0  }
0xa9: {  	s6 =	sshll.u32 s28, $0x1;
	[dreg:$0x2] =	wrdreg s4  }
0xaa: {  	[dreg:$0x3] =	wrdreg s6  }
0xab: {  	[dreg:$0x4] =	wrdreg $0xC0  }
0xac: {  	_ =	task [dreg:s8], $0x5FFFF  }
0xad: {  	[dreg:$0x1] =	wrdreg $0xFFFFFFFF  }
0xae: {  	[dreg:$0x0] =	wrdreg $0x60  }
0xaf: {  	[dreg:$0x2] =	wrdreg s24  }
0xb0: {  	[dreg:$0x3] =	wrdreg s2  }
0xb1: {  	[dreg:$0x4] =	wrdreg s18  }
0xb2: {  	[dreg:$0x5] =	wrdreg $0x9  }
0xb3: {  	_ =	task.clear_ibuf [dreg:s8], $0x6FFFF;
	_ =	strace $0x90000046  }
0xb4: {  	s29 =	simm.s32 $0x9;
	_ =	strace $0x80000048  }
0xb5: {  	_ =	swait.ge [sflag:s29], $0x1  }
0xb6: {  	[sflag:s29] =	ssyncadd.s32 $0xFFFFFFFF  }
0xb7: {  	_ =	strace $0x90000048  }
0xb8: {  	_ =	sfence  }
0xb9: {  	s30 =	sld [smem:$0x0];
	_ =	sdelay $0x2  }
0xba: {  	s31 =	sshll.u32 s1, $0xD;
	s1 =	sshrl.u32 s1, $0x2  }
0xbb: {  	s3 =	sand.u32 $0x4000, s31;
	s1 =	sadd.s32 s1, s30  }
0xbc: {  	s0 =	sor.u32 s3, s0;
	s1 =	sshll.u32 s1, $0x11  }
0xbd: {  	s0 =	sor.u32 s1, s0  }
0xbe: {  	s0 =	sadd.s32 $0x8F2B, s0  }
0xbf: {  	[sflag:s0] =	ssyncadd.remote.s32 $0x1  }
0xc0: {  	_ =	sfence.sel $0xFFFF  }
0xc1: {  	[dreg:$0x0] =	wrdreg $0xFFFFFFFF;
	(pc) =	sbr.abs _section_cstart, $3  }
0xc2: {  	[dreg:$0x1] =	wrdreg $0xFFFFFFFF  }
0xc3: {  	_ =	task.clear_ibuf [dreg:s8], $0x2FFFF;
	_ =	strace $0x9FFFFFFF  }
0xc4: {  	(tm) =	ssettm $0x7FFFFFFF  }
0xc5: {  	_ =	shalt  }
tec
execute0_lowered:
.L_overlay_start_1:
0x0: {  	(tag) =	ssettag $0x1  }
0x1: {  	s1 =	rddreg [dreg:$0x0]  }
0x2: {  	s0 =	srdreg.scid;
	s2 =	rddreg [dreg:$0x1]  }
0x3: {  	s4 =	stileid.u32;
	s16 =	rddreg [dreg:$0x2]  }
0x4: {  	s28 =	simm.s32 $0x1680;
	s31 =	simm.s32 $0x3680;
	s10 =	simm.s32 $0x6680  }
0x5: {  	s11 =	simm.s32 $0x6E80;
	s12 =	simm.s32 $0x8680;
	s15 =	simm.s32 $0x8E80  }
0x6: {  	s29 =	simm.s32 $0xCE80;
	s0 =	sand.u32 $0x1, s0;
	s3 =	sshll.u32 s4, $0x1  }
0x7: {  	s13 =	simm.s32 $0x10680;
	s30 =	simm.s32 $0x12E80;
	s7 =	sor.u32 s0, s3  }
0x8: {  	s14 =	simm.s32 $0x0;
	s4 =	sshrl.u32 s4, $0x2;
	s8 =	sshll.u32 s7, $0xC  }
0x9: {  	s5 =	smul.u32 $0x3400, s4;
	s4 =	simm.s32 $0x0;
	s8 =	sadd.s32 s8, s16  }
0xa: {  	s0 =	ssub.s32 $0x2, s0;
	[smem:$0x7FF] =	sst s4;
	s9 =	sadd.s32 $0x5E0800, s8  }
0xb: {  	_ =	strace $0x80000047;
	s18 =	sadd.s32 $0x5E0C00, s8;
	[dreg:$0x4] =	wrdreg s9  }
0xc: {  	s3 =	simm.s32 $0x12680;
	s19 =	sadd.s32 $0x600400, s8;
	[dreg:$0x5] =	wrdreg s18  }
0xd: {  	s6 =	sshll.u32 s7, $0x7;
	s20 =	sadd.s32 $0x600800, s8;
	[dreg:$0x7] =	wrdreg s19  }
0xe: {  	s17 =	sshrl.u32 s0, $0x1;
	s21 =	sadd.s32 $0x600000, s8;
	[dreg:$0x8] =	wrdreg s20  }
0xf: {  	s7 =	sshll.u32 s7, $0x5;
	s22 =	sadd.s32 $0x600C00, s8;
	[dreg:$0x9] =	wrdreg s21  }
0x10: {  	s6 =	sand.u32 $0x380, s6;
	s23 =	sadd.s32 $0x620000, s8;
	[dreg:$0xa] =	wrdreg s22  }
0x11: {  	s0 =	ssub.s32 s0, s17;
	s24 =	sadd.s32 $0x620400, s8;
	[dreg:$0xb] =	wrdreg s23  }
0x12: {  	s16 =	sadd.s32 $0x100, s2;
	s25 =	sadd.s32 $0x620800, s8;
	[dreg:$0xc] =	wrdreg s24  }
0x13: {  	s17 =	simm.s32 $0xA680;
	s26 =	sadd.s32 $0x620C00, s8;
	[dreg:$0xd] =	wrdreg s25  }
0x14: {  	s5 =	sor.u32 s5, s6;
	s0 =	smax.u32 s0, $0x1;
	[dreg:$0xe] =	wrdreg s26  }
0x15: {  	s6 =	sadd.s32 $0x300, s2;
	s5 =	sshrl.u32 s5, $0x3;
	[dreg:$0xf] =	wrdreg s0  }
0x16: {  	s26 =	simm.s32 $0xE80;
	s25 =	simm.s32 $0x1E80;
	s23 =	simm.s32 $0x2680  }
0x17: {  	s21 =	simm.s32 $0x4680;
	s22 =	simm.s32 $0x4E80;
	s19 =	simm.s32 $0xAE80  }
0x18: {  	v0 =	vlaneseq.u32;
	s24 =	simm.s32 $0xC680;
	s0 =	simm.s32 $0xE680;
	s1 =	sadd.s32 s5, s1  }
0x19: {  	v1 =	vshrl.u32 v0, $0x3;
	s9 =	simm.s32 $0xEE80;
	s18 =	simm.s32 $0x10E80;
	s1 =	sadd.s32 $0x400, s1  }
0x1a: {  	vm0 =	vmmov $0xffff;
	v0 =	vand.u32 $0x7, v0;
	v1 =	vmul.u32 $0x8, v1;
	s5 =	sadd.s32 $0x200, s2;
	[dreg:$0x6] =	wrdreg s1;
	s1 =	simm.s32 $0x2E80  }
.LBB2_1:
0x1b: {  	[dreg:$0x10] =	wrdreg s14  }
0x1c: {  	s8 =	rddreg [dreg:$0x6];
	s14 =	simm.s32 $0x80;
	s20 =	simm.s32 $0x400  }
0x1d: {  	[tilespmem:s4], [sflag:$0x15] =	stream.strided.gather [hbm4b:s8+s14], $0x680, s20, s14, $0x38;
	[tilespmem:$0x14680] =	vst v63  }
0x1e: {  	s14 =	simm.s32 $0x15  }
0x1f: {  	_ =	swait.ge [sflag:s14], $0x680  }
0x20: {  	[sflag:s14] =	ssyncset.done $0x0  }
0x21: {  	[sflag:s14] =	ssyncadd.s32 $0xFFFFF980  }
0x22: {  	v2 =	vld.msk [tilespmem:$0x0], $0xff;
	_ =	sdelay $0x4  }
0x23: {  	v3 =	vshll.u32 v2, $0x3  }
0x24: {  	v2 =	vand.u32 $0x7, v2;
	v3 =	vand.u32 $0xFFFFFFC0, v3  }
0x25: {  	v2 =	vor.u32 v2, v3  }
0x26: {  	v2 =	vperm.xlane v2, v0;
	_ =	sdelay $0x1  }
0x27: {  	v2 =	vadd.s32 v1, v2;
	_ =	sdelay $0x3  }
0x28: {  	s20 =	simm.s32 $0x680  }
0x29: {  	[tilespmem:s20], [sflag:$0x1] =	stream.indirect_vreg.gather [hbm4b:s2+s4], $0x80, v2, vm0, $0xb8;
	[tilespmem:$0x14680] =	vst v63  }
0x2a: {  	_ = 	snop  }
0x2b: {  	[tilespmem:s26], [sflag:$0x1] =	stream.indirect_vreg.gather [hbm4b:s16+s4], $0x80, v2, vm0, $0xb8;
	[tilespmem:$0x14680] =	vst v63  }
0x2c: {  	_ = 	snop  }
0x2d: {  	[tilespmem:s28], [sflag:$0x1] =	stream.indirect_vreg.gather [hbm4b:s5+s4], $0x80, v2, vm0, $0xb8;
	[tilespmem:$0x14680] =	vst v63  }
0x2e: {  	_ = 	snop  }
0x2f: {  	[tilespmem:s25], [sflag:$0x1] =	stream.indirect_vreg.gather [hbm4b:s6+s4], $0x80, v2, vm0, $0xb8;
	[tilespmem:$0x14680] =	vst v63  }
0x30: {  	v2 =	vld.msk [tilespmem:$0x8], $0xff;
	_ =	sdelay $0x4  }
0x31: {  	v3 =	vshll.u32 v2, $0x3  }
0x32: {  	v2 =	vand.u32 $0x7, v2;
	v3 =	vand.u32 $0xFFFFFFC0, v3  }
0x33: {  	v2 =	vor.u32 v2, v3  }
0x34: {  	v2 =	vperm.xlane v2, v0;
	_ =	sdelay $0x1  }
0x35: {  	v2 =	vadd.s32 v1, v2;
	_ =	sdelay $0x4  }
0x36: {  	[tilespmem:s23], [sflag:$0x2] =	stream.indirect_vreg.gather [hbm4b:s2+s4], $0x80, v2, vm0, $0xb8;
	[tilespmem:$0x14680] =	vst v63  }
0x37: {  	_ = 	snop  }
0x38: {  	[tilespmem:s1], [sflag:$0x2] =	stream.indirect_vreg.gather [hbm4b:s16+s4], $0x80, v2, vm0, $0xb8;
	[tilespmem:$0x14680] =	vst v63  }
0x39: {  	_ = 	snop  }
0x3a: {  	[tilespmem:s31], [sflag:$0x2] =	stream.indirect_vreg.gather [hbm4b:s5+s4], $0x80, v2, vm0, $0xb8;
	[tilespmem:$0x14680] =	vst v63  }
0x3b: {  	s26 =	simm.s32 $0x3E80  }
0x3c: {  	[tilespmem:s26], [sflag:$0x2] =	stream.indirect_vreg.gather [hbm4b:s6+s4], $0x80, v2, vm0, $0xb8;
	[tilespmem:$0x14680] =	vst v63  }
0x3d: {  	v2 =	vld.msk [tilespmem:$0x10], $0xff;
	_ =	sdelay $0x4  }
0x3e: {  	v3 =	vshll.u32 v2, $0x3  }
0x3f: {  	v2 =	vand.u32 $0x7, v2;
	v3 =	vand.u32 $0xFFFFFFC0, v3  }
0x40: {  	v2 =	vor.u32 v2, v3  }
0x41: {  	v2 =	vperm.xlane v2, v0;
	_ =	sdelay $0x1  }
0x42: {  	v2 =	vadd.s32 v1, v2;
	_ =	sdelay $0x4  }
0x43: {  	[tilespmem:s21], [sflag:$0x3] =	stream.indirect_vreg.gather [hbm4b:s2+s4], $0x80, v2, vm0, $0xb8;
	[tilespmem:$0x14680] =	vst v63  }
0x44: {  	_ = 	snop  }
0x45: {  	[tilespmem:s22], [sflag:$0x3] =	stream.indirect_vreg.gather [hbm4b:s16+s4], $0x80, v2, vm0, $0xb8;
	[tilespmem:$0x14680] =	vst v63  }
0x46: {  	s28 =	simm.s32 $0x5680  }
0x47: {  	[tilespmem:s28], [sflag:$0x3] =	stream.indirect_vreg.gather [hbm4b:s5+s4], $0x80, v2, vm0, $0xb8;
	[tilespmem:$0x14680] =	vst v63  }
0x48: {  	s8 =	simm.s32 $0x5E80  }
0x49: {  	[tilespmem:s8], [sflag:$0x3] =	stream.indirect_vreg.gather [hbm4b:s6+s4], $0x80, v2, vm0, $0xb8;
	[tilespmem:$0x14680] =	vst v63  }
0x4a: {  	v2 =	vld.msk [tilespmem:$0x18], $0xff;
	_ =	sdelay $0x4  }
0x4b: {  	v3 =	vshll.u32 v2, $0x3  }
0x4c: {  	v2 =	vand.u32 $0x7, v2;
	v3 =	vand.u32 $0xFFFFFFC0, v3  }
0x4d: {  	v2 =	vor.u32 v2, v3  }
0x4e: {  	v2 =	vperm.xlane v2, v0;
	_ =	sdelay $0x1  }
0x4f: {  	v2 =	vadd.s32 v1, v2;
	_ =	sdelay $0x4  }
0x50: {  	[tilespmem:s10], [sflag:$0x4] =	stream.indirect_vreg.gather [hbm4b:s2+s4], $0x80, v2, vm0, $0xb8;
	[tilespmem:$0x14680] =	vst v63  }
0x51: {  	_ = 	snop  }
0x52: {  	[tilespmem:s11], [sflag:$0x4] =	stream.indirect_vreg.gather [hbm4b:s16+s4], $0x80, v2, vm0, $0xb8;
	[tilespmem:$0x14680] =	vst v63  }
0x53: {  	s10 =	simm.s32 $0x7680  }
0x54: {  	[tilespmem:s10], [sflag:$0x4] =	stream.indirect_vreg.gather [hbm4b:s5+s4], $0x80, v2, vm0, $0xb8;
	[tilespmem:$0x14680] =	vst v63  }
0x55: {  	s11 =	simm.s32 $0x7E80  }
0x56: {  	[tilespmem:s11], [sflag:$0x4] =	stream.indirect_vreg.gather [hbm4b:s6+s4], $0x80, v2, vm0, $0xb8;
	[tilespmem:$0x14680] =	vst v63  }
0x57: {  	v2 =	vld.msk [tilespmem:$0x20], $0xff;
	_ =	sdelay $0x4  }
0x58: {  	v3 =	vshll.u32 v2, $0x3  }
0x59: {  	v2 =	vand.u32 $0x7, v2;
	v3 =	vand.u32 $0xFFFFFFC0, v3  }
0x5a: {  	v2 =	vor.u32 v2, v3  }
0x5b: {  	v2 =	vperm.xlane v2, v0;
	_ =	sdelay $0x1  }
0x5c: {  	v2 =	vadd.s32 v1, v2;
	_ =	sdelay $0x4  }
0x5d: {  	[tilespmem:s12], [sflag:$0x5] =	stream.indirect_vreg.gather [hbm4b:s2+s4], $0x80, v2, vm0, $0xb8;
	[tilespmem:$0x14680] =	vst v63  }
0x5e: {  	_ = 	snop  }
0x5f: {  	[tilespmem:s15], [sflag:$0x5] =	stream.indirect_vreg.gather [hbm4b:s16+s4], $0x80, v2, vm0, $0xb8;
	[tilespmem:$0x14680] =	vst v63  }
0x60: {  	s14 =	simm.s32 $0x9680  }
0x61: {  	[tilespmem:s14], [sflag:$0x5] =	stream.indirect_vreg.gather [hbm4b:s5+s4], $0x80, v2, vm0, $0xb8;
	[tilespmem:$0x14680] =	vst v63  }
0x62: {  	s15 =	simm.s32 $0x9E80  }
0x63: {  	[tilespmem:s15], [sflag:$0x5] =	stream.indirect_vreg.gather [hbm4b:s6+s4], $0x80, v2, vm0, $0xb8;
	[tilespmem:$0x14680] =	vst v63  }
0x64: {  	v2 =	vld.msk [tilespmem:$0x28], $0xff;
	_ =	sdelay $0x4  }
0x65: {  	v3 =	vshll.u32 v2, $0x3  }
0x66: {  	v2 =	vand.u32 $0x7, v2;
	v3 =	vand.u32 $0xFFFFFFC0, v3  }
0x67: {  	v2 =	vor.u32 v2, v3  }
0x68: {  	v2 =	vperm.xlane v2, v0;
	_ =	sdelay $0x1  }
0x69: {  	v2 =	vadd.s32 v1, v2;
	_ =	sdelay $0x4  }
0x6a: {  	[tilespmem:s17], [sflag:$0x6] =	stream.indirect_vreg.gather [hbm4b:s2+s4], $0x80, v2, vm0, $0xb8;
	[tilespmem:$0x14680] =	vst v63  }
0x6b: {  	_ = 	snop  }
0x6c: {  	[tilespmem:s19], [sflag:$0x6] =	stream.indirect_vreg.gather [hbm4b:s16+s4], $0x80, v2, vm0, $0xb8;
	[tilespmem:$0x14680] =	vst v63  }
0x6d: {  	s19 =	simm.s32 $0xB680  }
0x6e: {  	[tilespmem:s19], [sflag:$0x6] =	stream.indirect_vreg.gather [hbm4b:s5+s4], $0x80, v2, vm0, $0xb8;
	[tilespmem:$0x14680] =	vst v63  }
0x6f: {  	s20 =	simm.s32 $0xBE80  }
0x70: {  	[tilespmem:s20], [sflag:$0x6] =	stream.indirect_vreg.gather [hbm4b:s6+s4], $0x80, v2, vm0, $0xb8;
	[tilespmem:$0x14680] =	vst v63  }
0x71: {  	v2 =	vld.msk [tilespmem:$0x30], $0xff;
	_ =	sdelay $0x4  }
0x72: {  	v3 =	vshll.u32 v2, $0x3  }
0x73: {  	v2 =	vand.u32 $0x7, v2;
	v3 =	vand.u32 $0xFFFFFFC0, v3  }
0x74: {  	v2 =	vor.u32 v2, v3  }
0x75: {  	v2 =	vperm.xlane v2, v0;
	_ =	sdelay $0x1  }
0x76: {  	v2 =	vadd.s32 v1, v2;
	_ =	sdelay $0x4  }
0x77: {  	[tilespmem:s24], [sflag:$0x7] =	stream.indirect_vreg.gather [hbm4b:s2+s4], $0x80, v2, vm0, $0xb8;
	[tilespmem:$0x14680] =	vst v63  }
0x78: {  	_ = 	snop  }
0x79: {  	[tilespmem:s29], [sflag:$0x7] =	stream.indirect_vreg.gather [hbm4b:s16+s4], $0x80, v2, vm0, $0xb8;
	[tilespmem:$0x14680] =	vst v63  }
0x7a: {  	s21 =	simm.s32 $0xD680  }
0x7b: {  	[tilespmem:s21], [sflag:$0x7] =	stream.indirect_vreg.gather [hbm4b:s5+s4], $0x80, v2, vm0, $0xb8;
	[tilespmem:$0x14680] =	vst v63  }
0x7c: {  	s22 =	simm.s32 $0xDE80  }
0x7d: {  	[tilespmem:s22], [sflag:$0x7] =	stream.indirect_vreg.gather [hbm4b:s6+s4], $0x80, v2, vm0, $0xb8;
	[tilespmem:$0x14680] =	vst v63  }
0x7e: {  	v2 =	vld.msk [tilespmem:$0x38], $0xff;
	_ =	sdelay $0x4  }
0x7f: {  	v3 =	vshll.u32 v2, $0x3  }
0x80: {  	v2 =	vand.u32 $0x7, v2;
	v3 =	vand.u32 $0xFFFFFFC0, v3  }
0x81: {  	v2 =	vor.u32 v2, v3  }
0x82: {  	v2 =	vperm.xlane v2, v0;
	_ =	sdelay $0x1  }
0x83: {  	v2 =	vadd.s32 v1, v2;
	_ =	sdelay $0x4  }
0x84: {  	[tilespmem:s0], [sflag:$0x8] =	stream.indirect_vreg.gather [hbm4b:s2+s4], $0x80, v2, vm0, $0xb8;
	[tilespmem:$0x14680] =	vst v63  }
0x85: {  	_ = 	snop  }
0x86: {  	[tilespmem:s9], [sflag:$0x8] =	stream.indirect_vreg.gather [hbm4b:s16+s4], $0x80, v2, vm0, $0xb8;
	[tilespmem:$0x14680] =	vst v63  }
0x87: {  	s23 =	simm.s32 $0xF680  }
0x88: {  	[tilespmem:s23], [sflag:$0x8] =	stream.indirect_vreg.gather [hbm4b:s5+s4], $0x80, v2, vm0, $0xb8;
	[tilespmem:$0x14680] =	vst v63  }
0x89: {  	s24 =	simm.s32 $0xFE80  }
0x8a: {  	[tilespmem:s24], [sflag:$0x8] =	stream.indirect_vreg.gather [hbm4b:s6+s4], $0x80, v2, vm0, $0xb8;
	[tilespmem:$0x14680] =	vst v63  }
0x8b: {  	v2 =	vld.msk [tilespmem:$0x40], $0xff;
	_ =	sdelay $0x4  }
0x8c: {  	v3 =	vshll.u32 v2, $0x3  }
0x8d: {  	v2 =	vand.u32 $0x7, v2;
	v3 =	vand.u32 $0xFFFFFFC0, v3  }
0x8e: {  	v2 =	vor.u32 v2, v3  }
0x8f: {  	v2 =	vperm.xlane v2, v0;
	_ =	sdelay $0x1  }
0x90: {  	v2 =	vadd.s32 v1, v2;
	_ =	sdelay $0x4  }
0x91: {  	[tilespmem:s13], [sflag:$0x9] =	stream.indirect_vreg.gather [hbm4b:s2+s4], $0x80, v2, vm0, $0xb8;
	[tilespmem:$0x14680] =	vst v63  }
0x92: {  	_ = 	snop  }
0x93: {  	[tilespmem:s18], [sflag:$0x9] =	stream.indirect_vreg.gather [hbm4b:s16+s4], $0x80, v2, vm0, $0xb8;
	[tilespmem:$0x14680] =	vst v63  }
0x94: {  	s25 =	simm.s32 $0x11680  }
0x95: {  	[tilespmem:s25], [sflag:$0x9] =	stream.indirect_vreg.gather [hbm4b:s5+s4], $0x80, v2, vm0, $0xb8;
	[tilespmem:$0x14680] =	vst v63  }
0x96: {  	s26 =	simm.s32 $0x11E80  }
0x97: {  	[tilespmem:s26], [sflag:$0x9] =	stream.indirect_vreg.gather [hbm4b:s6+s4], $0x80, v2, vm0, $0xb8;
	[tilespmem:$0x14680] =	vst v63  }
0x98: {  	v2 =	vld.msk [tilespmem:$0x48], $0xff;
	_ =	sdelay $0x4  }
0x99: {  	v3 =	vshll.u32 v2, $0x3  }
0x9a: {  	v2 =	vand.u32 $0x7, v2;
	v3 =	vand.u32 $0xFFFFFFC0, v3  }
0x9b: {  	v2 =	vor.u32 v2, v3  }
0x9c: {  	v2 =	vperm.xlane v2, v0;
	_ =	sdelay $0x1  }
0x9d: {  	v2 =	vadd.s32 v1, v2;
	_ =	sdelay $0x4  }
0x9e: {  	[tilespmem:s3], [sflag:$0xA] =	stream.indirect_vreg.gather [hbm4b:s2+s4], $0x80, v2, vm0, $0xb8;
	[tilespmem:$0x14680] =	vst v63  }
0x9f: {  	s31 =	simm.s32 $0x48  }
0xa0: {  	[tilespmem:s30], [sflag:$0xA] =	stream.indirect_vreg.gather [hbm4b:s16+s4], $0x80, v2, vm0, $0xb8;
	[tilespmem:$0x14680] =	vst v63  }
0xa1: {  	s28 =	simm.s32 $0x13680;
	s8 =	simm.s32 $0x98;
	s14 =	simm.s32 $0x0  }
0xa2: {  	[tilespmem:s28], [sflag:$0xA] =	stream.indirect_vreg.gather [hbm4b:s5+s4], $0x80, v2, vm0, $0xb8;
	[tilespmem:$0x14680] =	vst v63  }
0xa3: {  	s29 =	simm.s32 $0x13E80;
	s25 =	simm.s32 $0x900;
	s30 =	rddreg [dreg:$0x2]  }
0xa4: {  	[tilespmem:s29], [sflag:$0xA] =	stream.indirect_vreg.gather [hbm4b:s6+s4], $0x80, v2, vm0, $0xb8;
	[tilespmem:$0x14680] =	vst v63  }
.LBB2_2:
0xa5: {  	s23 =	sadd.s32 $0xFFFFF700, s25  }
0xa6: {  	s20 =	sand.u32 $0x10, s14;
	s23 =	sand.u32 $0x1FC00, s23  }
0xa7: {  	s0 =	simm.s32 $0x1;
	s28 =	simm.s32 $0x680;
	s26 =	sor.u32 s20, s23  }
0xa8: {  	s11 =	simm.s32 $0x2;
	_ =	swait.ge [sflag:s0], $0x2000;
	s26 =	sor.u32 s7, s26  }
0xa9: {  	s10 =	sor.u32 s20, s7;
	[sflag:s0] =	ssyncset.done $0x0;
	s26 =	sshll.u32 s26, $0x7  }
0xaa: {  	s23 =	sor.u32 s23, s10;
	[sflag:s0] =	ssyncadd.s32 $0xFFFFE000;
	s26 =	sadd.s32 s30, s26  }
0xab: {  	[hbm4b:s26+s4] =	stream.linear.scatter [tilespmem:s28], [sflag:$0xB], $0x2000, $0x38;
	[tilespmem:$0x14680] =	vst v63  }
0xac: {  	s1 =	simm.s32 $0x2680;
	s23 =	sshll.u32 s23, $0x7;
	_ =	swait.ge [sflag:s11], $0x2000  }
0xad: {  	s12 =	sadd.s32 $0xFFFFFFC8, s31;
	s23 =	sadd.s32 s23, s30;
	[sflag:s11] =	ssyncset.done $0x0  }
0xae: {  	s13 =	sadd.s32 $0xFFFFF900, s25;
	s23 =	sadd.s32 $0x400, s23;
	[sflag:s11] =	ssyncadd.s32 $0xFFFFE000  }
0xaf: {  	[hbm4b:s23+s4] =	stream.linear.scatter [tilespmem:s1], [sflag:$0xC], $0x2000, $0x38;
	[tilespmem:$0x14680] =	vst v63  }
0xb0: {  	s26 =	sand.u32 $0x3FC00, s13;
	s23 =	sand.u32 $0x10, s12  }
0xb1: {  	s15 =	simm.s32 $0x3;
	s23 =	sor.u32 s23, s26  }
0xb2: {  	s22 =	simm.s32 $0x4680;
	_ =	swait.ge [sflag:s15], $0x2000;
	s23 =	sor.u32 s7, s23  }
0xb3: {  	s17 =	sadd.s32 $0xFFFFFFD0, s31;
	[sflag:s15] =	ssyncset.done $0x0;
	s23 =	sshll.u32 s23, $0x7  }
0xb4: {  	s18 =	sadd.s32 $0xFFFFFA00, s25;
	[sflag:s15] =	ssyncadd.s32 $0xFFFFE000;
	s23 =	sadd.s32 s30, s23  }
0xb5: {  	[hbm4b:s23+s4] =	stream.linear.scatter [tilespmem:s22], [sflag:$0xD], $0x2000, $0x38;
	[tilespmem:$0x14680] =	vst v63  }
0xb6: {  	s26 =	sand.u32 $0x3FC00, s18;
	s23 =	sand.u32 $0x18, s17  }
0xb7: {  	s19 =	simm.s32 $0x4;
	s23 =	sor.u32 s23, s26  }
0xb8: {  	_ =	swait.ge [sflag:s19], $0x2000;
	s23 =	sor.u32 s7, s23  }
0xb9: {  	s21 =	sadd.s32 $0xFFFFFB00, s25;
	[sflag:s19] =	ssyncset.done $0x0;
	s23 =	sshll.u32 s23, $0x7  }
0xba: {  	s11 =	simm.s32 $0x6680;
	[sflag:s19] =	ssyncadd.s32 $0xFFFFE000;
	s23 =	sadd.s32 s30, s23  }
0xbb: {  	[hbm4b:s23+s4] =	stream.linear.scatter [tilespmem:s11], [sflag:$0xE], $0x2000, $0x38;
	[tilespmem:$0x14680] =	vst v63  }
0xbc: {  	s23 =	sand.u32 $0x3FC00, s21  }
0xbd: {  	s24 =	simm.s32 $0x5;
	s23 =	sor.u32 s23, s20  }
0xbe: {  	s0 =	sadd.s32 $0xFFFFFC00, s25;
	_ =	swait.ge [sflag:s24], $0x2000;
	s23 =	sor.u32 s7, s23  }
0xbf: {  	s15 =	simm.s32 $0x8680;
	[sflag:s24] =	ssyncset.done $0x0;
	s23 =	sshll.u32 s23, $0x7  }
0xc0: {  	s26 =	sadd.s32 $0xFFFFFFE0, s31;
	[sflag:s24] =	ssyncadd.s32 $0xFFFFE000;
	s23 =	sadd.s32 s30, s23  }
0xc1: {  	[hbm4b:s23+s4] =	stream.linear.scatter [tilespmem:s15], [sflag:$0xF], $0x2000, $0x38;
	[tilespmem:$0x14680] =	vst v63  }
0xc2: {  	s23 =	sand.u32 $0x18, s26;
	s26 =	sand.u32 $0x3FC00, s0  }
0xc3: {  	s3 =	simm.s32 $0x6;
	s23 =	sor.u32 s23, s26  }
0xc4: {  	s9 =	sadd.s32 $0xFFFFFFE8, s31;
	_ =	swait.ge [sflag:s3], $0x2000;
	s23 =	sor.u32 s7, s23  }
0xc5: {  	s10 =	sadd.s32 $0xFFFFFD00, s25;
	[sflag:s3] =	ssyncset.done $0x0;
	s23 =	sshll.u32 s23, $0x7  }
0xc6: {  	s19 =	simm.s32 $0xA680;
	[sflag:s3] =	ssyncadd.s32 $0xFFFFE000;
	s23 =	sadd.s32 s30, s23  }
0xc7: {  	[hbm4b:s23+s4] =	stream.linear.scatter [tilespmem:s19], [sflag:$0x10], $0x2000, $0x38;
	[tilespmem:$0x14680] =	vst v63  }
0xc8: {  	s26 =	sand.u32 $0x3FC00, s10;
	s23 =	sand.u32 $0x10, s9  }
0xc9: {  	s12 =	simm.s32 $0x7;
	s23 =	sor.u32 s23, s26  }
0xca: {  	s29 =	simm.s32 $0xC680;
	_ =	swait.ge [sflag:s12], $0x2000;
	s23 =	sor.u32 s7, s23  }
0xcb: {  	s13 =	sadd.s32 $0xFFFFFFF0, s31;
	[sflag:s12] =	ssyncset.done $0x0;
	s23 =	sshll.u32 s23, $0x7  }
0xcc: {  	s17 =	sadd.s32 $0xFFFFFE00, s25;
	[sflag:s12] =	ssyncadd.s32 $0xFFFFE000;
	s23 =	sadd.s32 s30, s23  }
0xcd: {  	[hbm4b:s23+s4] =	stream.linear.scatter [tilespmem:s29], [sflag:$0x11], $0x2000, $0x38;
	[tilespmem:$0x14680] =	vst v63  }
0xce: {  	s26 =	sand.u32 $0x3FC00, s17;
	s23 =	sand.u32 $0x18, s13  }
0xcf: {  	s18 =	simm.s32 $0x8;
	s23 =	sor.u32 s23, s26  }
0xd0: {  	_ =	swait.ge [sflag:s18], $0x2000;
	s23 =	sor.u32 s7, s23  }
0xd1: {  	s21 =	sadd.s32 $0xFFFFFF00, s25;
	[sflag:s18] =	ssyncset.done $0x0;
	s23 =	sshll.u32 s23, $0x7  }
0xd2: {  	s9 =	simm.s32 $0xE680;
	[sflag:s18] =	ssyncadd.s32 $0xFFFFE000;
	s23 =	sadd.s32 s30, s23  }
0xd3: {  	[hbm4b:s23+s4] =	stream.linear.scatter [tilespmem:s9], [sflag:$0x12], $0x2000, $0x38;
	[tilespmem:$0x14680] =	vst v63  }
0xd4: {  	s23 =	sand.u32 $0x3FC00, s21  }
0xd5: {  	s24 =	simm.s32 $0x9;
	s20 =	sor.u32 s23, s20  }
0xd6: {  	s10 =	sand.u32 $0x3FC00, s25;
	_ =	swait.ge [sflag:s24], $0x2000;
	s20 =	sor.u32 s7, s20  }
0xd7: {  	s3 =	sand.u32 $0x18, s31;
	[sflag:s24] =	ssyncset.done $0x0;
	s20 =	sshll.u32 s20, $0x7  }
0xd8: {  	s18 =	simm.s32 $0x10680;
	[sflag:s24] =	ssyncadd.s32 $0xFFFFE000;
	s20 =	sadd.s32 s30, s20  }
0xd9: {  	[hbm4b:s20+s4] =	stream.linear.scatter [tilespmem:s18], [sflag:$0x13], $0x2000, $0x38;
	[tilespmem:$0x14680] =	vst v63  }
0xda: {  	s12 =	simm.s32 $0xA;
	s20 =	sor.u32 s3, s10  }
0xdb: {  	_ =	swait.ge [sflag:s12], $0x2000;
	s20 =	sor.u32 s7, s20  }
0xdc: {  	s17 =	simm.s32 $0xB;
	[sflag:s12] =	ssyncset.done $0x0;
	s20 =	sshll.u32 s20, $0x7  }
0xdd: {  	s13 =	simm.s32 $0x12680;
	[sflag:s12] =	ssyncadd.s32 $0xFFFFE000;
	s20 =	sadd.s32 s30, s20  }
0xde: {  	[hbm4b:s20+s4] =	stream.linear.scatter [tilespmem:s13], [sflag:$0x14], $0x2000, $0x38;
	[tilespmem:$0x14680] =	vst v63  }
0xdf: {  	_ =	swait.ge [sflag:s17], $0x2000  }
0xe0: {  	[sflag:s17] =	ssyncset.done $0x0  }
0xe1: {  	[sflag:s17] =	ssyncadd.s32 $0xFFFFE000  }
0xe2: {  	v2 =	vld.msk [tilespmem:s8+$0xFFFFFFB8], $0xff;
	_ =	sdelay $0x4  }
0xe3: {  	v3 =	vshll.u32 v2, $0x3  }
0xe4: {  	v2 =	vand.u32 $0x7, v2;
	v3 =	vand.u32 $0xFFFFFFC0, v3  }
0xe5: {  	v2 =	vor.u32 v2, v3  }
0xe6: {  	v2 =	vperm.xlane v2, v0;
	_ =	sdelay $0x1  }
0xe7: {  	v2 =	vadd.s32 v1, v2;
	_ =	sdelay $0x4  }
0xe8: {  	[tilespmem:s28], [sflag:$0x1] =	stream.indirect_vreg.gather [hbm4b:s2+s4], $0x80, v2, vm0, $0xb8;
	[tilespmem:$0x14680] =	vst v63  }
0xe9: {  	s26 =	simm.s32 $0xE80  }
0xea: {  	[tilespmem:s26], [sflag:$0x1] =	stream.indirect_vreg.gather [hbm4b:s16+s4], $0x80, v2, vm0, $0xb8;
	[tilespmem:$0x14680] =	vst v63  }
0xeb: {  	s28 =	simm.s32 $0x1680  }
0xec: {  	[tilespmem:s28], [sflag:$0x1] =	stream.indirect_vreg.gather [hbm4b:s5+s4], $0x80, v2, vm0, $0xb8;
	[tilespmem:$0x14680] =	vst v63  }
0xed: {  	s21 =	simm.s32 $0x1E80;
	s23 =	simm.s32 $0xC  }
0xee: {  	[tilespmem:s21], [sflag:$0x1] =	stream.indirect_vreg.gather [hbm4b:s6+s4], $0x80, v2, vm0, $0xb8;
	[tilespmem:$0x14680] =	vst v63  }
0xef: {  	_ =	swait.ge [sflag:s23], $0x2000  }
0xf0: {  	[sflag:s23] =	ssyncset.done $0x0  }
0xf1: {  	[sflag:s23] =	ssyncadd.s32 $0xFFFFE000  }
0xf2: {  	v2 =	vld.msk [tilespmem:s8+$0xFFFFFFC0], $0xff;
	_ =	sdelay $0x4  }
0xf3: {  	v3 =	vshll.u32 v2, $0x3  }
0xf4: {  	v2 =	vand.u32 $0x7, v2;
	v3 =	vand.u32 $0xFFFFFFC0, v3  }
0xf5: {  	v2 =	vor.u32 v2, v3  }
0xf6: {  	v2 =	vperm.xlane v2, v0;
	_ =	sdelay $0x1  }
0xf7: {  	v2 =	vadd.s32 v1, v2;
	_ =	sdelay $0x4  }
0xf8: {  	[tilespmem:s1], [sflag:$0x2] =	stream.indirect_vreg.gather [hbm4b:s2+s4], $0x80, v2, vm0, $0xb8;
	[tilespmem:$0x14680] =	vst v63  }
0xf9: {  	s1 =	simm.s32 $0x2E80  }
0xfa: {  	[tilespmem:s1], [sflag:$0x2] =	stream.indirect_vreg.gather [hbm4b:s16+s4], $0x80, v2, vm0, $0xb8;
	[tilespmem:$0x14680] =	vst v63  }
0xfb: {  	s24 =	simm.s32 $0x3680  }
0xfc: {  	[tilespmem:s24], [sflag:$0x2] =	stream.indirect_vreg.gather [hbm4b:s5+s4], $0x80, v2, vm0, $0xb8;
	[tilespmem:$0x14680] =	vst v63  }
0xfd: {  	s3 =	simm.s32 $0x3E80;
	s10 =	simm.s32 $0xD  }
0xfe: {  	[tilespmem:s3], [sflag:$0x2] =	stream.indirect_vreg.gather [hbm4b:s6+s4], $0x80, v2, vm0, $0xb8;
	[tilespmem:$0x14680] =	vst v63  }
0xff: {  	_ =	swait.ge [sflag:s10], $0x2000  }
0x100: {  	[sflag:s10] =	ssyncset.done $0x0  }
0x101: {  	[sflag:s10] =	ssyncadd.s32 $0xFFFFE000  }
0x102: {  	v2 =	vld.msk [tilespmem:s8+$0xFFFFFFC8], $0xff;
	_ =	sdelay $0x4  }
0x103: {  	v3 =	vshll.u32 v2, $0x3  }
0x104: {  	v2 =	vand.u32 $0x7, v2;
	v3 =	vand.u32 $0xFFFFFFC0, v3  }
0x105: {  	v2 =	vor.u32 v2, v3  }
0x106: {  	v2 =	vperm.xlane v2, v0;
	_ =	sdelay $0x1  }
0x107: {  	v2 =	vadd.s32 v1, v2;
	_ =	sdelay $0x4  }
0x108: {  	[tilespmem:s22], [sflag:$0x3] =	stream.indirect_vreg.gather [hbm4b:s2+s4], $0x80, v2, vm0, $0xb8;
	[tilespmem:$0x14680] =	vst v63  }
0x109: {  	s22 =	simm.s32 $0x4E80  }
0x10a: {  	[tilespmem:s22], [sflag:$0x3] =	stream.indirect_vreg.gather [hbm4b:s16+s4], $0x80, v2, vm0, $0xb8;
	[tilespmem:$0x14680] =	vst v63  }
0x10b: {  	s12 =	simm.s32 $0x5680  }
0x10c: {  	[tilespmem:s12], [sflag:$0x3] =	stream.indirect_vreg.gather [hbm4b:s5+s4], $0x80, v2, vm0, $0xb8;
	[tilespmem:$0x14680] =	vst v63  }
0x10d: {  	s13 =	simm.s32 $0x5E80;
	s17 =	simm.s32 $0xE  }
0x10e: {  	[tilespmem:s13], [sflag:$0x3] =	stream.indirect_vreg.gather [hbm4b:s6+s4], $0x80, v2, vm0, $0xb8;
	[tilespmem:$0x14680] =	vst v63  }
0x10f: {  	_ =	swait.ge [sflag:s17], $0x2000  }
0x110: {  	[sflag:s17] =	ssyncset.done $0x0  }
0x111: {  	[sflag:s17] =	ssyncadd.s32 $0xFFFFE000  }
0x112: {  	v2 =	vld.msk [tilespmem:s8+$0xFFFFFFD0], $0xff;
	_ =	sdelay $0x4  }
0x113: {  	v3 =	vshll.u32 v2, $0x3  }
0x114: {  	v2 =	vand.u32 $0x7, v2;
	v3 =	vand.u32 $0xFFFFFFC0, v3  }
0x115: {  	v2 =	vor.u32 v2, v3  }
0x116: {  	v2 =	vperm.xlane v2, v0;
	_ =	sdelay $0x1  }
0x117: {  	v2 =	vadd.s32 v1, v2;
	_ =	sdelay $0x4  }
0x118: {  	[tilespmem:s11], [sflag:$0x4] =	stream.indirect_vreg.gather [hbm4b:s2+s4], $0x80, v2, vm0, $0xb8;
	[tilespmem:$0x14680] =	vst v63  }
0x119: {  	s11 =	simm.s32 $0x6E80  }
0x11a: {  	[tilespmem:s11], [sflag:$0x4] =	stream.indirect_vreg.gather [hbm4b:s16+s4], $0x80, v2, vm0, $0xb8;
	[tilespmem:$0x14680] =	vst v63  }
0x11b: {  	s24 =	simm.s32 $0x7680  }
0x11c: {  	[tilespmem:s24], [sflag:$0x4] =	stream.indirect_vreg.gather [hbm4b:s5+s4], $0x80, v2, vm0, $0xb8;
	[tilespmem:$0x14680] =	vst v63  }
0x11d: {  	s3 =	simm.s32 $0x7E80;
	s12 =	simm.s32 $0xF  }
0x11e: {  	[tilespmem:s3], [sflag:$0x4] =	stream.indirect_vreg.gather [hbm4b:s6+s4], $0x80, v2, vm0, $0xb8;
	[tilespmem:$0x14680] =	vst v63  }
0x11f: {  	_ =	swait.ge [sflag:s12], $0x2000  }
0x120: {  	[sflag:s12] =	ssyncset.done $0x0  }
0x121: {  	[sflag:s12] =	ssyncadd.s32 $0xFFFFE000  }
0x122: {  	v2 =	vld.msk [tilespmem:s8+$0xFFFFFFD8], $0xff;
	_ =	sdelay $0x4  }
0x123: {  	v3 =	vshll.u32 v2, $0x3  }
0x124: {  	v2 =	vand.u32 $0x7, v2;
	v3 =	vand.u32 $0xFFFFFFC0, v3  }
0x125: {  	v2 =	vor.u32 v2, v3  }
0x126: {  	v2 =	vperm.xlane v2, v0;
	_ =	sdelay $0x1  }
0x127: {  	v2 =	vadd.s32 v1, v2;
	_ =	sdelay $0x4  }
0x128: {  	[tilespmem:s15], [sflag:$0x5] =	stream.indirect_vreg.gather [hbm4b:s2+s4], $0x80, v2, vm0, $0xb8;
	[tilespmem:$0x14680] =	vst v63  }
0x129: {  	s15 =	simm.s32 $0x8E80  }
0x12a: {  	[tilespmem:s15], [sflag:$0x5] =	stream.indirect_vreg.gather [hbm4b:s16+s4], $0x80, v2, vm0, $0xb8;
	[tilespmem:$0x14680] =	vst v63  }
0x12b: {  	s13 =	simm.s32 $0x9680  }
0x12c: {  	[tilespmem:s13], [sflag:$0x5] =	stream.indirect_vreg.gather [hbm4b:s5+s4], $0x80, v2, vm0, $0xb8;
	[tilespmem:$0x14680] =	vst v63  }
0x12d: {  	s17 =	simm.s32 $0x9E80;
	s24 =	simm.s32 $0x10  }
0x12e: {  	[tilespmem:s17], [sflag:$0x5] =	stream.indirect_vreg.gather [hbm4b:s6+s4], $0x80, v2, vm0, $0xb8;
	[tilespmem:$0x14680] =	vst v63  }
0x12f: {  	_ =	swait.ge [sflag:s24], $0x2000  }
0x130: {  	[sflag:s24] =	ssyncset.done $0x0  }
0x131: {  	[sflag:s24] =	ssyncadd.s32 $0xFFFFE000  }
0x132: {  	v2 =	vld.msk [tilespmem:s8+$0xFFFFFFE0], $0xff;
	_ =	sdelay $0x4  }
0x133: {  	v3 =	vshll.u32 v2, $0x3  }
0x134: {  	v2 =	vand.u32 $0x7, v2;
	v3 =	vand.u32 $0xFFFFFFC0, v3  }
0x135: {  	v2 =	vor.u32 v2, v3  }
0x136: {  	v2 =	vperm.xlane v2, v0;
	_ =	sdelay $0x1  }
0x137: {  	v2 =	vadd.s32 v1, v2;
	_ =	sdelay $0x4  }
0x138: {  	[tilespmem:s19], [sflag:$0x6] =	stream.indirect_vreg.gather [hbm4b:s2+s4], $0x80, v2, vm0, $0xb8;
	[tilespmem:$0x14680] =	vst v63  }
0x139: {  	s19 =	simm.s32 $0xAE80  }
0x13a: {  	[tilespmem:s19], [sflag:$0x6] =	stream.indirect_vreg.gather [hbm4b:s16+s4], $0x80, v2, vm0, $0xb8;
	[tilespmem:$0x14680] =	vst v63  }
0x13b: {  	s3 =	simm.s32 $0xB680  }
0x13c: {  	[tilespmem:s3], [sflag:$0x6] =	stream.indirect_vreg.gather [hbm4b:s5+s4], $0x80, v2, vm0, $0xb8;
	[tilespmem:$0x14680] =	vst v63  }
0x13d: {  	s13 =	simm.s32 $0xBE80;
	s24 =	simm.s32 $0x11  }
0x13e: {  	[tilespmem:s13], [sflag:$0x6] =	stream.indirect_vreg.gather [hbm4b:s6+s4], $0x80, v2, vm0, $0xb8;
	[tilespmem:$0x14680] =	vst v63  }
0x13f: {  	_ =	swait.ge [sflag:s24], $0x2000  }
0x140: {  	[sflag:s24] =	ssyncset.done $0x0  }
0x141: {  	[sflag:s24] =	ssyncadd.s32 $0xFFFFE000  }
0x142: {  	v2 =	vld.msk [tilespmem:s8+$0xFFFFFFE8], $0xff;
	_ =	sdelay $0x4  }
0x143: {  	v3 =	vshll.u32 v2, $0x3  }
0x144: {  	v2 =	vand.u32 $0x7, v2;
	v3 =	vand.u32 $0xFFFFFFC0, v3  }
0x145: {  	v2 =	vor.u32 v2, v3  }
0x146: {  	v2 =	vperm.xlane v2, v0;
	_ =	sdelay $0x1  }
0x147: {  	v2 =	vadd.s32 v1, v2;
	_ =	sdelay $0x4  }
0x148: {  	[tilespmem:s29], [sflag:$0x7] =	stream.indirect_vreg.gather [hbm4b:s2+s4], $0x80, v2, vm0, $0xb8;
	[tilespmem:$0x14680] =	vst v63  }
0x149: {  	s29 =	simm.s32 $0xCE80  }
0x14a: {  	[tilespmem:s29], [sflag:$0x7] =	stream.indirect_vreg.gather [hbm4b:s16+s4], $0x80, v2, vm0, $0xb8;
	[tilespmem:$0x14680] =	vst v63  }
0x14b: {  	s3 =	simm.s32 $0xD680  }
0x14c: {  	[tilespmem:s3], [sflag:$0x7] =	stream.indirect_vreg.gather [hbm4b:s5+s4], $0x80, v2, vm0, $0xb8;
	[tilespmem:$0x14680] =	vst v63  }
0x14d: {  	s13 =	simm.s32 $0xDE80;
	s3 =	simm.s32 $0x12  }
0x14e: {  	[tilespmem:s13], [sflag:$0x7] =	stream.indirect_vreg.gather [hbm4b:s6+s4], $0x80, v2, vm0, $0xb8;
	[tilespmem:$0x14680] =	vst v63  }
0x14f: {  	_ =	swait.ge [sflag:s3], $0x2000  }
0x150: {  	[sflag:s3] =	ssyncset.done $0x0  }
0x151: {  	[sflag:s3] =	ssyncadd.s32 $0xFFFFE000  }
0x152: {  	v2 =	vld.msk [tilespmem:s8+$0xFFFFFFF0], $0xff;
	_ =	sdelay $0x4  }
0x153: {  	v3 =	vshll.u32 v2, $0x3  }
0x154: {  	v2 =	vand.u32 $0x7, v2;
	v3 =	vand.u32 $0xFFFFFFC0, v3  }
0x155: {  	v2 =	vor.u32 v2, v3  }
0x156: {  	v2 =	vperm.xlane v2, v0;
	_ =	sdelay $0x1  }
0x157: {  	v2 =	vadd.s32 v1, v2;
	_ =	sdelay $0x4  }
0x158: {  	[tilespmem:s9], [sflag:$0x8] =	stream.indirect_vreg.gather [hbm4b:s2+s4], $0x80, v2, vm0, $0xb8;
	[tilespmem:$0x14680] =	vst v63  }
0x159: {  	s9 =	simm.s32 $0xEE80  }
0x15a: {  	[tilespmem:s9], [sflag:$0x8] =	stream.indirect_vreg.gather [hbm4b:s16+s4], $0x80, v2, vm0, $0xb8;
	[tilespmem:$0x14680] =	vst v63  }
0x15b: {  	s3 =	simm.s32 $0xF680  }
0x15c: {  	[tilespmem:s3], [sflag:$0x8] =	stream.indirect_vreg.gather [hbm4b:s5+s4], $0x80, v2, vm0, $0xb8;
	[tilespmem:$0x14680] =	vst v63  }
0x15d: {  	s13 =	simm.s32 $0xFE80  }
0x15e: {  	[tilespmem:s13], [sflag:$0x8] =	stream.indirect_vreg.gather [hbm4b:s6+s4], $0x80, v2, vm0, $0xb8;
	[tilespmem:$0x14680] =	vst v63  }
0x15f: {  	s13 =	simm.s32 $0x13  }
0x160: {  	_ =	swait.ge [sflag:s13], $0x2000  }
0x161: {  	[sflag:s13] =	ssyncset.done $0x0  }
0x162: {  	[sflag:s13] =	ssyncadd.s32 $0xFFFFE000  }
0x163: {  	v2 =	vld.msk [tilespmem:s8+$0xFFFFFFF8], $0xff;
	_ =	sdelay $0x4  }
0x164: {  	v3 =	vshll.u32 v2, $0x3  }
0x165: {  	v2 =	vand.u32 $0x7, v2;
	v3 =	vand.u32 $0xFFFFFFC0, v3  }
0x166: {  	v2 =	vor.u32 v2, v3  }
0x167: {  	v2 =	vperm.xlane v2, v0;
	_ =	sdelay $0x1  }
0x168: {  	v2 =	vadd.s32 v1, v2;
	_ =	sdelay $0x4  }
0x169: {  	[tilespmem:s18], [sflag:$0x9] =	stream.indirect_vreg.gather [hbm4b:s2+s4], $0x80, v2, vm0, $0xb8;
	[tilespmem:$0x14680] =	vst v63  }
0x16a: {  	s18 =	simm.s32 $0x10E80  }
0x16b: {  	[tilespmem:s18], [sflag:$0x9] =	stream.indirect_vreg.gather [hbm4b:s16+s4], $0x80, v2, vm0, $0xb8;
	[tilespmem:$0x14680] =	vst v63  }
0x16c: {  	s3 =	simm.s32 $0x11680  }
0x16d: {  	[tilespmem:s3], [sflag:$0x9] =	stream.indirect_vreg.gather [hbm4b:s5+s4], $0x80, v2, vm0, $0xb8;
	[tilespmem:$0x14680] =	vst v63  }
0x16e: {  	s3 =	simm.s32 $0x11E80  }
0x16f: {  	[tilespmem:s3], [sflag:$0x9] =	stream.indirect_vreg.gather [hbm4b:s6+s4], $0x80, v2, vm0, $0xb8;
	[tilespmem:$0x14680] =	vst v63  }
0x170: {  	s3 =	simm.s32 $0x14  }
0x171: {  	_ =	swait.ge [sflag:s3], $0x2000  }
0x172: {  	[sflag:s3] =	ssyncset.done $0x0  }
0x173: {  	[sflag:s3] =	ssyncadd.s32 $0xFFFFE000  }
0x174: {  	v2 =	vld.msk [tilespmem:s8+$0x0], $0xff;
	_ =	sdelay $0x4  }
0x175: {  	v3 =	vshll.u32 v2, $0x3  }
0x176: {  	v2 =	vand.u32 $0x7, v2;
	v3 =	vand.u32 $0xFFFFFFC0, v3  }
0x177: {  	v2 =	vor.u32 v2, v3  }
0x178: {  	v2 =	vperm.xlane v2, v0;
	_ =	sdelay $0x1  }
0x179: {  	v2 =	vadd.s32 v1, v2;
	_ =	sdelay $0x1  }
0x17a: {  	s14 =	sadd.s32 $0x10, s14  }
0x17b: {  	p0 =	sne.s32 s25, $0xBD00;
	s0 =	simm.s32 $0xE680;
	s25 =	sadd.s32 $0xA00, s25  }
0x17c: {  	s31 =	sadd.s32 $0x50, s31;
	s20 =	simm.s32 $0x12680;
	s21 =	simm.s32 $0x4680  }
0x17d: {  	[tilespmem:s20], [sflag:$0xA] =	stream.indirect_vreg.gather [hbm4b:s2+s4], $0x80, v2, vm0, $0xb8;
	[tilespmem:$0x14680] =	vst v63  }
0x17e: {  	s23 =	simm.s32 $0x2680;
	s10 =	simm.s32 $0x6680;
	s20 =	simm.s32 $0x12E80  }
0x17f: {  	[tilespmem:s20], [sflag:$0xA] =	stream.indirect_vreg.gather [hbm4b:s16+s4], $0x80, v2, vm0, $0xb8;
	[tilespmem:$0x14680] =	vst v63  }
.Ltmp0:
0x180: {  	s12 =	simm.s32 $0x8680;
	s17 =	simm.s32 $0xA680;
	(pc) =	sbr.rel @p0 .LBB2_2-.Ltmp0, $4  }
0x181: {  	s24 =	simm.s32 $0xC680;
	s13 =	simm.s32 $0x10680;
	s20 =	simm.s32 $0x13680  }
0x182: {  	[tilespmem:s20], [sflag:$0xA] =	stream.indirect_vreg.gather [hbm4b:s5+s4], $0x80, v2, vm0, $0xb8;
	[tilespmem:$0x14680] =	vst v63  }
0x183: {  	s3 =	simm.s32 $0x12680;
	s8 =	sadd.s32 $0x50, s8;
	s20 =	simm.s32 $0x13E80  }
0x184: {  	[tilespmem:s20], [sflag:$0xA] =	stream.indirect_vreg.gather [hbm4b:s6+s4], $0x80, v2, vm0, $0xb8;
	[tilespmem:$0x14680] =	vst v63  }
0x185: {  	s8 =	simm.s32 $0x1  }
0x186: {  	_ =	swait.ge [sflag:s8], $0x2000  }
0x187: {  	[sflag:s8] =	ssyncset.done $0x0  }
0x188: {  	s14 =	simm.s32 $0x680;
	s25 =	rddreg [dreg:$0x4];
	[sflag:s8] =	ssyncadd.s32 $0xFFFFE000  }
0x189: {  	[hbm4b:s25+s4] =	stream.linear.scatter [tilespmem:s14], [sflag:$0xB], $0x2000, $0x38;
	[tilespmem:$0x14680] =	vst v63  }
0x18a: {  	s14 =	simm.s32 $0x2  }
0x18b: {  	_ =	swait.ge [sflag:s14], $0x2000  }
0x18c: {  	[sflag:s14] =	ssyncset.done $0x0  }
0x18d: {  	s25 =	simm.s32 $0x3;
	s20 =	rddreg [dreg:$0x5];
	[sflag:s14] =	ssyncadd.s32 $0xFFFFE000  }
0x18e: {  	[hbm4b:s20+s4] =	stream.linear.scatter [tilespmem:s23], [sflag:$0xC], $0x2000, $0x38;
	[tilespmem:$0x14680] =	vst v63  }
0x18f: {  	_ =	swait.ge [sflag:s25], $0x2000  }
0x190: {  	[sflag:s25] =	ssyncset.done $0x0  }
0x191: {  	s20 =	simm.s32 $0x4;
	s14 =	rddreg [dreg:$0x9];
	[sflag:s25] =	ssyncadd.s32 $0xFFFFE000  }
0x192: {  	[hbm4b:s14+s4] =	stream.linear.scatter [tilespmem:s21], [sflag:$0xD], $0x2000, $0x38;
	[tilespmem:$0x14680] =	vst v63  }
0x193: {  	_ =	swait.ge [sflag:s20], $0x2000  }
0x194: {  	[sflag:s20] =	ssyncset.done $0x0  }
0x195: {  	s14 =	simm.s32 $0x5;
	s25 =	rddreg [dreg:$0x7];
	[sflag:s20] =	ssyncadd.s32 $0xFFFFE000  }
0x196: {  	[hbm4b:s25+s4] =	stream.linear.scatter [tilespmem:s10], [sflag:$0xE], $0x2000, $0x38;
	[tilespmem:$0x14680] =	vst v63  }
0x197: {  	_ =	swait.ge [sflag:s14], $0x2000  }
0x198: {  	[sflag:s14] =	ssyncset.done $0x0  }
0x199: {  	s25 =	simm.s32 $0x6;
	s20 =	rddreg [dreg:$0x8];
	[sflag:s14] =	ssyncadd.s32 $0xFFFFE000  }
0x19a: {  	[hbm4b:s20+s4] =	stream.linear.scatter [tilespmem:s12], [sflag:$0xF], $0x2000, $0x38;
	[tilespmem:$0x14680] =	vst v63  }
0x19b: {  	_ =	swait.ge [sflag:s25], $0x2000  }
0x19c: {  	[sflag:s25] =	ssyncset.done $0x0  }
0x19d: {  	s20 =	simm.s32 $0x7;
	s14 =	rddreg [dreg:$0xa];
	[sflag:s25] =	ssyncadd.s32 $0xFFFFE000  }
0x19e: {  	[hbm4b:s14+s4] =	stream.linear.scatter [tilespmem:s17], [sflag:$0x10], $0x2000, $0x38;
	[tilespmem:$0x14680] =	vst v63  }
0x19f: {  	_ =	swait.ge [sflag:s20], $0x2000  }
0x1a0: {  	[sflag:s20] =	ssyncset.done $0x0  }
0x1a1: {  	s14 =	simm.s32 $0x8;
	s25 =	rddreg [dreg:$0xb];
	[sflag:s20] =	ssyncadd.s32 $0xFFFFE000  }
0x1a2: {  	[hbm4b:s25+s4] =	stream.linear.scatter [tilespmem:s24], [sflag:$0x11], $0x2000, $0x38;
	[tilespmem:$0x14680] =	vst v63  }
0x1a3: {  	_ =	swait.ge [sflag:s14], $0x2000  }
0x1a4: {  	[sflag:s14] =	ssyncset.done $0x0  }
0x1a5: {  	s25 =	simm.s32 $0x9;
	s20 =	rddreg [dreg:$0xc];
	[sflag:s14] =	ssyncadd.s32 $0xFFFFE000  }
0x1a6: {  	[hbm4b:s20+s4] =	stream.linear.scatter [tilespmem:s0], [sflag:$0x12], $0x2000, $0x38;
	[tilespmem:$0x14680] =	vst v63  }
0x1a7: {  	_ =	swait.ge [sflag:s25], $0x2000  }
0x1a8: {  	[sflag:s25] =	ssyncset.done $0x0  }
0x1a9: {  	s20 =	simm.s32 $0xA;
	s14 =	rddreg [dreg:$0xd];
	[sflag:s25] =	ssyncadd.s32 $0xFFFFE000  }
0x1aa: {  	[hbm4b:s14+s4] =	stream.linear.scatter [tilespmem:s13], [sflag:$0x13], $0x2000, $0x38;
	[tilespmem:$0x14680] =	vst v63  }
0x1ab: {  	_ =	swait.ge [sflag:s20], $0x2000  }
0x1ac: {  	[sflag:s20] =	ssyncset.done $0x0  }
0x1ad: {  	s14 =	simm.s32 $0xB;
	s25 =	rddreg [dreg:$0xe];
	[sflag:s20] =	ssyncadd.s32 $0xFFFFE000  }
0x1ae: {  	[hbm4b:s25+s4] =	stream.linear.scatter [tilespmem:s3], [sflag:$0x14], $0x2000, $0x38;
	[tilespmem:$0x14680] =	vst v63  }
0x1af: {  	_ =	swait.ge [sflag:s14], $0x2000  }
0x1b0: {  	[sflag:s14] =	ssyncset.done $0x0  }
0x1b1: {  	s20 =	simm.s32 $0xC;
	[sflag:s14] =	ssyncadd.s32 $0xFFFFE000  }
0x1b2: {  	_ =	swait.ge [sflag:s20], $0x2000  }
0x1b3: {  	[sflag:s20] =	ssyncset.done $0x0  }
0x1b4: {  	s25 =	simm.s32 $0xD;
	[sflag:s20] =	ssyncadd.s32 $0xFFFFE000  }
0x1b5: {  	_ =	swait.ge [sflag:s25], $0x2000  }
0x1b6: {  	[sflag:s25] =	ssyncset.done $0x0  }
0x1b7: {  	s14 =	simm.s32 $0xE;
	[sflag:s25] =	ssyncadd.s32 $0xFFFFE000  }
0x1b8: {  	_ =	swait.ge [sflag:s14], $0x2000  }
0x1b9: {  	[sflag:s14] =	ssyncset.done $0x0  }
0x1ba: {  	s20 =	simm.s32 $0xF;
	[sflag:s14] =	ssyncadd.s32 $0xFFFFE000  }
0x1bb: {  	_ =	swait.ge [sflag:s20], $0x2000  }
0x1bc: {  	[sflag:s20] =	ssyncset.done $0x0  }
0x1bd: {  	s25 =	simm.s32 $0x10;
	[sflag:s20] =	ssyncadd.s32 $0xFFFFE000  }
0x1be: {  	_ =	swait.ge [sflag:s25], $0x2000  }
0x1bf: {  	[sflag:s25] =	ssyncset.done $0x0  }
0x1c0: {  	s14 =	simm.s32 $0x11;
	[sflag:s25] =	ssyncadd.s32 $0xFFFFE000  }
0x1c1: {  	_ =	swait.ge [sflag:s14], $0x2000  }
0x1c2: {  	[sflag:s14] =	ssyncset.done $0x0  }
0x1c3: {  	s20 =	simm.s32 $0x12;
	[sflag:s14] =	ssyncadd.s32 $0xFFFFE000  }
0x1c4: {  	_ =	swait.ge [sflag:s20], $0x2000  }
0x1c5: {  	[sflag:s20] =	ssyncset.done $0x0  }
0x1c6: {  	s25 =	simm.s32 $0x13;
	[sflag:s20] =	ssyncadd.s32 $0xFFFFE000  }
0x1c7: {  	_ =	swait.ge [sflag:s25], $0x2000  }
0x1c8: {  	[sflag:s25] =	ssyncset.done $0x0  }
0x1c9: {  	s20 =	simm.s32 $0x14;
	[sflag:s25] =	ssyncadd.s32 $0xFFFFE000  }
0x1ca: {  	_ =	swait.ge [sflag:s20], $0x2000  }
0x1cb: {  	s8 =	rddreg [dreg:$0x10]  }
0x1cc: {  	s25 =	rddreg [dreg:$0xf];
	s14 =	sadd.s32 $0x1, s8  }
0x1cd: {  	p0 =	sne.s32 s14, s25  }
.Ltmp1:
0x1ce: {  	_ = 	snop;
	(pc) =	sbr.rel @p0 .LBB2_1-.Ltmp1, $3  }
0x1cf: {  	_ =	sdelay $0x1  }
0x1d0: {  	s31 =	simm.s32 $0x3680;
	[sflag:s20] =	ssyncset.done $0x0  }
0x1d1: {  	s30 =	simm.s32 $0x12E80;
	[sflag:s20] =	ssyncadd.s32 $0xFFFFE000;
	s25 =	simm.s32 $0x1E80  }
0x1d2: {  	_ =	sfence.sel $0x180000  }
0x1d3: {  	[bflag:$0x0] =	sbarrier.arrive $0xFFFF  }
0x1d4: {  	_ =	strace $0x90000047  }
0x1d5: {  	s0 =	stileid.u32;
	[bflag:$0x2] =	sbarrier.arrive $0xFFFF  }
0x1d6: {  	p0 =	sne.s32 s0, $0x0;
	s0 =	rddreg [dreg:$0x3]  }
0x1d7: {  	s0 =	sadd.s32 @!p0 $0x100000, s0  }
0x1d8: {  	[sflag:s0] =	ssyncadd.tile.s32 @!p0 $0x1;
	_ =	shalt  }
.Lfunc_end2:
_tile_overlayer_lowered:
.L_overlay_start_2:
0x1d9: {  	(tag) =	ssettag $0x2  }
0x1da: {  	s0 =	rddreg [dreg:$0x0];
	s2 =	stileid.u32  }
0x1db: {  	s1 =	rddreg [dreg:$0x1];
	p0 =	sne.s32 s2, $0x0  }
0x1dc: {  	s3 =	rddreg [dreg:$0x2];
	[bflag:$0x3] =	sbarrier.arrive $0xFFFF;
	s2 =	simm.s32 @!p0 $0x1C15  }
0x1dd: {  	[timem:s3], [sflag:s2] =	dma.local @!p0 [hbm:s0], s1  }
0x1de: {  	s0 =	simm.s32 @!p0 $0x15  }
0x1df: {  	_ =	swait.ge @!p0 [sflag:s0], s1  }
0x1e0: {  	s1 =	ssub.s32 @!p0 $0x0, s1;
	[sflag:s0] =	ssyncset.done @!p0 $0x0  }
0x1e1: {  	[sflag:s0] =	ssyncadd.s32 @!p0 s1  }
0x1e2: {  	[bflag:$0x3] =	sbarrier.arrive $0xFFFF  }
0x1e3: {  	_ =	shalt  }

</sc_bundles>
